<compile_context>
chip_gen: v7x
topology: tpu7x:2x2x1
jax: 0.10.2.dev20260603
libtpu: 0.0.44.dev20260713+nightly
codegen_flags: <defaults>
</compile_context>

<pallas_src>
import functools

import jax
import jax.numpy as jnp
from jax import lax
from jax.experimental import pallas as pl
from jax.experimental.pallas import tpu as pltpu
from jax.experimental.pallas import tpu_sc as plsc

_N = 10000
_E = 320000
_H = 128
_NC = 2
_NS = 16
_NW = _NC * _NS
_EPW = _E // _NW
_CHUNK = 125
_NCHUNK = _EPW // _CHUNK
_QC = 16
_NQ = _NCHUNK // _QC
_RS = 3 * _QC
_NP = 10240
_RPT = _NP // _NS
_BN = 5000
_GRID = _N // _BN

_f32 = jnp.float32


def _sc_mesh():
    return plsc.VectorSubcoreMesh(core_axis_name="c", subcore_axis_name="s")


@functools.partial(
    pl.kernel,
    out_type=jax.ShapeDtypeStruct((_NC, _NP // 128, 128), _f32),
    mesh=_sc_mesh(),
    compiler_params=pltpu.CompilerParams(needs_layout_passes=False),
    scratch_types=[
        pltpu.VMEM((_NP // 128, 128), jnp.int32),
        pltpu.VMEM((_NP // 128, 128), _f32),
        pltpu.VMEM((_NS, 8, 128), _f32),
        pltpu.VMEM_SHARED((_NS, _NP // 128, 128), _f32),
    ],
)
def _sc_cnt(dst_hbm, cnt_out, didx, hist, rbuf, cstage):
    c = lax.axis_index("c")
    s = lax.axis_index("s")
    tid = s * _NC + c
    zero16 = jnp.zeros((16,), _f32)

    def zbody(i, carry):
        for j in range(8):
            hist[i, pl.ds(j * 16, 16)] = zero16
        return carry

    lax.fori_loop(0, _NP // 128, zbody, 0)
    pltpu.sync_copy(dst_hbm.at[tid], didx)
    ones16 = jnp.ones((16,), _f32)

    def hbody(i, carry):
        for j in range(8):
            v = didx[i, pl.ds(j * 16, 16)]
            plsc.addupdate_scatter(hist, [v >> 7, v & 127], ones16)
        return carry

    lax.fori_loop(0, _NP // 128, hbody, 0)
    pltpu.sync_copy(hist, cstage.at[s])
    plsc.subcore_barrier()

    @pl.when(s < _NP // 128 // 8)
    def _():
        rowb = pl.multiple_of(s * 8, 8)
        pltpu.sync_copy(cstage.at[:, pl.ds(rowb, 8)], rbuf)

        def rbody(j, carry):
            q = j // 8
            l = (j % 8) * 16
            v = rbuf[0, q, pl.ds(l, 16)]
            for r in range(1, _NS):
                v = v + rbuf[r, q, pl.ds(l, 16)]
            rbuf[0, q, pl.ds(l, 16)] = v
            return carry

        lax.fori_loop(0, 64, rbody, 0)
        pltpu.sync_copy(rbuf.at[0], cnt_out.at[c, pl.ds(rowb, 8)])


@functools.partial(
    pl.kernel,
    out_type=jax.ShapeDtypeStruct((_NC, _NP, _H), _f32),
    mesh=_sc_mesh(),
    scratch_types=[
        pltpu.VMEM((_RS, _CHUNK), jnp.int32),
        pltpu.VMEM((_RS, _CHUNK), jnp.int32),
        pltpu.VMEM((_CHUNK, _H), _f32),
        pltpu.VMEM((_CHUNK, _H), _f32),
        pltpu.VMEM_SHARED((_NP, _H), _f32),
        pltpu.SemaphoreType.DMA,
        pltpu.SemaphoreType.DMA,
        pltpu.SemaphoreType.DMA,
    ],
)
def _sc_scatter(y_hbm, ei_hbm, zh_hbm, agg_out, sidx, didx, rows0, rows1, acc,
                sem0, sem1, sem2):
    c = lax.axis_index("c")
    s = lax.axis_index("s")
    rbase = pl.multiple_of(s * _RPT, 8)
    tid = s * _NC + c
    ebase = pl.multiple_of(tid * _NCHUNK, 8)
    pltpu.async_copy(zh_hbm.at[pl.ds(rbase, _RPT)], acc.at[pl.ds(rbase, _RPT)],
                     sem1)
    pltpu.async_copy(ei_hbm.at[0, pl.ds(ebase, 2 * _QC)],
                     sidx.at[pl.ds(0, 2 * _QC)], sem0)
    pltpu.async_copy(ei_hbm.at[1, pl.ds(ebase, 2 * _QC)],
                     didx.at[pl.ds(0, 2 * _QC)], sem0)
    pltpu.async_copy(ei_hbm.at[0, pl.ds(ebase + 2 * _QC, _QC)],
                     sidx.at[pl.ds(2 * _QC, _QC)], sem2)
    pltpu.async_copy(ei_hbm.at[1, pl.ds(ebase + 2 * _QC, _QC)],
                     didx.at[pl.ds(2 * _QC, _QC)], sem2)
    pltpu.make_async_copy(ei_hbm.at[0, pl.ds(ebase, 2 * _QC)],
                          sidx.at[pl.ds(0, 2 * _QC)], sem0).wait()
    pltpu.make_async_copy(ei_hbm.at[1, pl.ds(ebase, 2 * _QC)],
                          didx.at[pl.ds(0, 2 * _QC)], sem0).wait()
    pltpu.make_async_copy(zh_hbm.at[pl.ds(rbase, _RPT)],
                          acc.at[pl.ds(rbase, _RPT)], sem1).wait()
    plsc.subcore_barrier()

    pltpu.async_copy(y_hbm.at[sidx.at[0]], rows0, sem0)

    def body(k, carry):
        g0 = 2 * k
        g1 = 2 * k + 1

        @pl.when(jnp.logical_and(lax.rem(g0, _QC) == 0, g0 > 0))
        def _():
            q = g0 // _QC

            @pl.when(q + 1 < _NQ)
            def _():
                wslot = pl.multiple_of(lax.rem(q + 1, 3) * _QC, 8)
                wsrc = pl.multiple_of(ebase + (q + 1) * _QC, 8)
                pltpu.make_async_copy(ei_hbm.at[0, pl.ds(wsrc, _QC)],
                                      sidx.at[pl.ds(wslot, _QC)], sem2).wait()
                pltpu.make_async_copy(ei_hbm.at[1, pl.ds(wsrc, _QC)],
                                      didx.at[pl.ds(wslot, _QC)], sem2).wait()

            @pl.when(q + 2 < _NQ)
            def _():
                src = pl.multiple_of(ebase + (q + 2) * _QC, 8)
                dst = pl.multiple_of(lax.rem(q + 2, 3) * _QC, 8)
                pltpu.async_copy(ei_hbm.at[0, pl.ds(src, _QC)],
                                 sidx.at[pl.ds(dst, _QC)], sem2)
                pltpu.async_copy(ei_hbm.at[1, pl.ds(src, _QC)],
                                 didx.at[pl.ds(dst, _QC)], sem2)

        r0 = lax.rem(g0, _RS)
        r1 = lax.rem(g1, _RS)
        pltpu.async_copy(y_hbm.at[sidx.at[r1]], rows1, sem1)
        pltpu.make_async_copy(y_hbm.at[sidx.at[r0]], rows0, sem0).wait()
        pltpu.sync_copy(rows0, acc.at[didx.at[r0]], add=True)

        @pl.when(k < _NCHUNK // 2 - 1)
        def _():
            pltpu.async_copy(y_hbm.at[sidx.at[lax.rem(g0 + 2, _RS)]], rows0, sem0)

        pltpu.make_async_copy(y_hbm.at[sidx.at[r1]], rows1, sem1).wait()
        pltpu.sync_copy(rows1, acc.at[didx.at[r1]], add=True)
        return carry

    lax.fori_loop(0, _NCHUNK // 2, body, 0)
    plsc.subcore_barrier()
    pltpu.sync_copy(acc.at[pl.ds(rbase, _RPT)],
                    agg_out.at[c, pl.ds(rbase, _RPT)])


def _tc_pre(x, Wl, Wr, bl):
    def body(x_ref, wl_ref, wr_ref, bl_ref, y_ref, z_ref):
        h = x_ref[...]
        y_ref[...] = jnp.dot(h, wl_ref[...], preferred_element_type=_f32)
        z_ref[...] = jnp.dot(h, wr_ref[...], preferred_element_type=_f32) + bl_ref[...]

    return pl.pallas_call(
        body,
        grid=(_GRID,),
        in_specs=[
            pl.BlockSpec((_BN, _H), lambda i: (i, 0)),
            pl.BlockSpec((_H, _H), lambda i: (0, 0)),
            pl.BlockSpec((_H, _H), lambda i: (0, 0)),
            pl.BlockSpec((1, _H), lambda i: (0, 0)),
        ],
        out_specs=[pl.BlockSpec((_BN, _H), lambda i: (i, 0))] * 2,
        out_shape=[jax.ShapeDtypeStruct((_N, _H), _f32)] * 2,
    )(x, Wl, Wr, bl.reshape(1, _H))


def _combine(aggp_ref, cntp_ref, z_ref):
    agg = aggp_ref[0] + aggp_ref[1]
    cnt = cntp_ref[0] + cntp_ref[1]
    inv = 1.0 / jnp.maximum(cnt, 1.0)
    out = agg * inv + z_ref[...]
    nrm = jnp.sqrt(jnp.sum(out * out, axis=1, keepdims=True))
    return out / jnp.maximum(nrm, 1e-12)


def _tc_post(aggp, cntp, z, Wl, Wr, bl):
    def body(aggp_ref, cntp_ref, z_ref, wl_ref, wr_ref, bl_ref, y_ref, z2_ref):
        h = jnp.maximum(_combine(aggp_ref, cntp_ref, z_ref), 0.0)
        y_ref[...] = jnp.dot(h, wl_ref[...], preferred_element_type=_f32)
        z2_ref[...] = jnp.dot(h, wr_ref[...], preferred_element_type=_f32) + bl_ref[...]

    return pl.pallas_call(
        body,
        grid=(_GRID,),
        in_specs=[
            pl.BlockSpec((_NC, _BN, _H), lambda i: (0, i, 0)),
            pl.BlockSpec((_NC, _BN, 1), lambda i: (0, i, 0)),
            pl.BlockSpec((_BN, _H), lambda i: (i, 0)),
            pl.BlockSpec((_H, _H), lambda i: (0, 0)),
            pl.BlockSpec((_H, _H), lambda i: (0, 0)),
            pl.BlockSpec((1, _H), lambda i: (0, 0)),
        ],
        out_specs=[pl.BlockSpec((_BN, _H), lambda i: (i, 0))] * 2,
        out_shape=[jax.ShapeDtypeStruct((_N, _H), _f32)] * 2,
    )(aggp, cntp, z, Wl, Wr, bl.reshape(1, _H))


def _tc_final(aggp, cntp, z):
    def body(aggp_ref, cntp_ref, z_ref, h_ref):
        h_ref[...] = _combine(aggp_ref, cntp_ref, z_ref)

    return pl.pallas_call(
        body,
        grid=(_GRID,),
        in_specs=[
            pl.BlockSpec((_NC, _BN, _H), lambda i: (0, i, 0)),
            pl.BlockSpec((_NC, _BN, 1), lambda i: (0, i, 0)),
            pl.BlockSpec((_BN, _H), lambda i: (i, 0)),
        ],
        out_specs=pl.BlockSpec((_BN, _H), lambda i: (i, 0)),
        out_shape=jax.ShapeDtypeStruct((_N, _H), _f32),
    )(aggp, cntp, z)


def kernel(x, edge_index, Wl0, bl0, Wr0, Wl1, bl1, Wr1, Wl2, bl2, Wr2):
    ei3 = edge_index.reshape(2, _E // _CHUNK, _CHUNK)
    zh = jnp.zeros((_NP, _H), _f32)
    dstp = jnp.concatenate(
        [edge_index[1], jnp.full((_NW * (_NP // 128) * 128 - _E,), _N, jnp.int32)]
    ).reshape(_NW, _NP // 128, 128)

    cntp = _sc_cnt(dstp)
    cnt3 = cntp.reshape(_NC, _NP, 1)
    y0, z0 = _tc_pre(x, Wl0, Wr0, bl0)
    aggp0 = _sc_scatter(y0, ei3, zh)
    y1, z1 = _tc_post(aggp0, cnt3, z0, Wl1, Wr1, bl1)
    aggp1 = _sc_scatter(y1, ei3, zh)
    y2, z2 = _tc_post(aggp1, cnt3, z1, Wl2, Wr2, bl2)
    aggp2 = _sc_scatter(y2, ei3, zh)
    return _tc_final(aggp2, cnt3, z2)

# --- scband reference (transcript-rebuilt; emitter-appended) ---
"""Pipeline reference for scband-gnnmodel-10007273799731 (READ-ONLY COPY).

The authoritative reference and input builder live on the scoring server;
editing this copy changes nothing except your own understanding.
"""

import jax, jax.numpy as jnp
import numpy as np

N = 10000
E = 320000
D = 128
H = 128
NUM_LAYERS = 3


def setup_inputs(seed: int = 0) -> dict:
    key = jax.random.key(seed)
    ks = jax.random.split(key, 2 + 3 * NUM_LAYERS)
    x = jax.random.normal(ks[0], (N, D), dtype=jnp.float32)
    edge_index = jax.random.randint(ks[1], (2, E), 0, N, dtype=jnp.int32)
    inp = {"x": x, "edge_index": edge_index}
    in_dims = [D] + [H] * (NUM_LAYERS - 1)
    for i in range(NUM_LAYERS):
        scale = 1.0 / np.sqrt(in_dims[i])
        inp[f"Wl{i}"] = jax.random.normal(ks[2 + 3 * i], (in_dims[i], H), dtype=jnp.float32) * scale
        inp[f"bl{i}"] = jnp.zeros((H,), dtype=jnp.float32)
        inp[f"Wr{i}"] = jax.random.normal(ks[3 + 3 * i], (in_dims[i], H), dtype=jnp.float32) * scale
    return inp


def _sage_conv(x, src, dst, Wl, bl, Wr):
    # PyG SAGEConv: mean-aggregate neighbor features, lin_l(agg) + lin_r(x), L2 normalize
    msgs = jnp.take(x, src, axis=0)
    agg = jax.ops.segment_sum(msgs, dst, num_segments=N)
    cnt = jax.ops.segment_sum(jnp.ones((src.shape[0],), dtype=x.dtype), dst, num_segments=N)
    mean = agg / jnp.clip(cnt, 1.0)[:, None]
    out = mean @ Wl + bl + x @ Wr
    norm = jnp.linalg.norm(out, axis=-1, keepdims=True)
    out = out / jnp.maximum(norm, 1e-12)
    return out


def reference(x, edge_index, Wl0, bl0, Wr0, Wl1, bl1, Wr1, Wl2, bl2, Wr2):
    src = edge_index[0]
    dst = edge_index[1]
    params = [(Wl0, bl0, Wr0), (Wl1, bl1, Wr1), (Wl2, bl2, Wr2)]
    h = x
    for i, (Wl, bl, Wr) in enumerate(params):
        h = _sage_conv(h, src, dst, Wl, bl, Wr)
        if i < NUM_LAYERS - 1:
            h = jax.nn.relu(h)
        # dropout p=0.0 -> identity
    return h

if __name__ == "__main__":
    import jax
    _d = setup_inputs()
    print(jax.jit(kernel)(*tuple(_d.values())))

</pallas_src>

<mosaic_0001>
#map = affine_map<(d0, d1) -> (0, 0)>
#map1 = affine_map<(d0, d1) -> (0, 0, 0)>
module attributes {stable_mosaic.version = 14 : i64} {
  func.func @_sc_scatter(%arg0: i32, %arg1: i32, %arg2: memref<10000x128xf32, #tpu.memory_space<hbm>>, %arg3: memref<2x2560x125xi32, #tpu.memory_space<hbm>>, %arg4: memref<10240x128xf32, #tpu.memory_space<hbm>>, %arg5: memref<2x10240x128xf32, #tpu.memory_space<hbm>>, %arg6: memref<48x125xi32, #tpu.memory_space<vmem>>, %arg7: memref<48x125xi32, #tpu.memory_space<vmem>>, %arg8: memref<125x128xf32, #tpu.memory_space<vmem>>, %arg9: memref<125x128xf32, #tpu.memory_space<vmem>>, %arg10: memref<10240x128xf32, #tpu.memory_space<vmem_shared>>, %arg11: memref<!tpu.dma_semaphore, #tpu.memory_space<semaphore_mem>>, %arg12: memref<!tpu.dma_semaphore, #tpu.memory_space<semaphore_mem>>, %arg13: memref<!tpu.dma_semaphore, #tpu.memory_space<semaphore_mem>>) attributes {dimension_semantics = [#tpu.dimension_semantics<core_parallel>, #tpu.dimension_semantics<subcore_parallel>], iteration_bounds = array<i64: 2, 16>, scalar_prefetch = 0 : i64, scratch_operands = 8 : i64, tpu.core_type = #tpu.core_type<sc_vector_subcore>, window_params = [{transform_indices = #map}, {transform_indices = #map1}, {transform_indices = #map}, {transform_indices = #map1}]} {
    %mul3A = arith.constant 640 : i32
    %mul3A_0 = arith.muli %arg1, %mul3A : i32
    %multiple_of3A = tpu.assume_multiple %mul3A_0, 8 : i32
    %mul3A_1 = arith.constant 2 : i32
    %mul3A_2 = arith.muli %arg1, %mul3A_1 : i32
    %add3A = arith.addi %mul3A_2, %arg0 : i32
    %mul3A_3 = arith.constant 80 : i32
    %mul3A_4 = arith.muli %add3A, %mul3A_3 : i32
    %multiple_of3A_5 = tpu.assume_multiple %mul3A_4, 8 : i32
    %dma_start3A = arith.constant 0 : i32
    %dma_start3A_6 = tpu.memref_slice %arg10[%multiple_of3A, %dma_start3A] : memref<10240x128xf32, #tpu.memory_space<vmem_shared>> -> memref<640x128xf32, #tpu.memory_space<vmem_shared>>
    %dma_start3A_7 = arith.constant 0 : i32
    %dma_start3A_8 = tpu.memref_slice %arg4[%multiple_of3A, %dma_start3A_7] : memref<10240x128xf32, #tpu.memory_space<hbm>> -> memref<640x128xf32, #tpu.memory_space<hbm>>
    tpu.enqueue_dma source(%dma_start3A_8 : memref<640x128xf32, #tpu.memory_space<hbm>>) target(%dma_start3A_6 : memref<640x128xf32, #tpu.memory_space<vmem_shared>>) target_semaphore(%arg12 : memref<!tpu.dma_semaphore, #tpu.memory_space<semaphore_mem>>)
    %dma_start3A_9 = arith.constant 0 : i32
    %dma_start3A_10 = arith.constant 0 : i32
    %dma_start3A_11 = arith.constant 0 : i32
    %dma_start3A_12 = tpu.memref_slice %arg6[%dma_start3A_10, %dma_start3A_11] : memref<48x125xi32, #tpu.memory_space<vmem>> -> memref<32x125xi32, #tpu.memory_space<vmem>>
    %dma_start3A_13 = arith.constant 0 : i32
    %dma_start3A_14 = tpu.memref_slice %arg3[%dma_start3A_9, %multiple_of3A_5, %dma_start3A_13] : memref<2x2560x125xi32, #tpu.memory_space<hbm>> -> memref<1x32x125xi32, #tpu.memory_space<hbm>>
    %dma_start3A_15 = tpu.memref_squeeze %dma_start3A_14 : memref<1x32x125xi32, #tpu.memory_space<hbm>> -> memref<32x125xi32, #tpu.memory_space<hbm>>
    %dma_start3A_16 = arith.constant 0 : i32
    %dma_start3A_17 = arith.constant 0 : i32
    %dma_start3A_18 = tpu.memref_slice %arg6[%dma_start3A_16, %dma_start3A_17] : memref<48x125xi32, #tpu.memory_space<vmem>> -> memref<32x125xi32, #tpu.memory_space<vmem>>
    %dma_start3A_19 = arith.constant 0 : i32
    %dma_start3A_20 = tpu.memref_slice %arg3[%dma_start3A_9, %multiple_of3A_5, %dma_start3A_19] : memref<2x2560x125xi32, #tpu.memory_space<hbm>> -> memref<1x32x125xi32, #tpu.memory_space<hbm>>
    %dma_start3A_21 = tpu.memref_squeeze %dma_start3A_20 : memref<1x32x125xi32, #tpu.memory_space<hbm>> -> memref<32x125xi32, #tpu.memory_space<hbm>>
    tpu.enqueue_dma source(%dma_start3A_21 : memref<32x125xi32, #tpu.memory_space<hbm>>) target(%dma_start3A_18 : memref<32x125xi32, #tpu.memory_space<vmem>>) target_semaphore(%arg11 : memref<!tpu.dma_semaphore, #tpu.memory_space<semaphore_mem>>)
    %dma_start3A_22 = arith.constant 1 : i32
    %dma_start3A_23 = arith.constant 0 : i32
    %dma_start3A_24 = arith.constant 0 : i32
    %dma_start3A_25 = tpu.memref_slice %arg7[%dma_start3A_23, %dma_start3A_24] : memref<48x125xi32, #tpu.memory_space<vmem>> -> memref<32x125xi32, #tpu.memory_space<vmem>>
    %dma_start3A_26 = arith.constant 0 : i32
    %dma_start3A_27 = tpu.memref_slice %arg3[%dma_start3A_22, %multiple_of3A_5, %dma_start3A_26] : memref<2x2560x125xi32, #tpu.memory_space<hbm>> -> memref<1x32x125xi32, #tpu.memory_space<hbm>>
    %dma_start3A_28 = tpu.memref_squeeze %dma_start3A_27 : memref<1x32x125xi32, #tpu.memory_space<hbm>> -> memref<32x125xi32, #tpu.memory_space<hbm>>
    %dma_start3A_29 = arith.constant 0 : i32
    %dma_start3A_30 = arith.constant 0 : i32
    %dma_start3A_31 = tpu.memref_slice %arg7[%dma_start3A_29, %dma_start3A_30] : memref<48x125xi32, #tpu.memory_space<vmem>> -> memref<32x125xi32, #tpu.memory_space<vmem>>
    %dma_start3A_32 = arith.constant 0 : i32
    %dma_start3A_33 = tpu.memref_slice %arg3[%dma_start3A_22, %multiple_of3A_5, %dma_start3A_32] : memref<2x2560x125xi32, #tpu.memory_space<hbm>> -> memref<1x32x125xi32, #tpu.memory_space<hbm>>
    %dma_start3A_34 = tpu.memref_squeeze %dma_start3A_33 : memref<1x32x125xi32, #tpu.memory_space<hbm>> -> memref<32x125xi32, #tpu.memory_space<hbm>>
    tpu.enqueue_dma source(%dma_start3A_34 : memref<32x125xi32, #tpu.memory_space<hbm>>) target(%dma_start3A_31 : memref<32x125xi32, #tpu.memory_space<vmem>>) target_semaphore(%arg11 : memref<!tpu.dma_semaphore, #tpu.memory_space<semaphore_mem>>)
    %add3A_35 = arith.constant 32 : i32
    %add3A_36 = arith.addi %multiple_of3A_5, %add3A_35 : i32
    %dma_start3A_37 = arith.constant 0 : i32
    %dma_start3A_38 = arith.constant 32 : i32
    %dma_start3A_39 = arith.constant 0 : i32
    %dma_start3A_40 = tpu.memref_slice %arg6[%dma_start3A_38, %dma_start3A_39] : memref<48x125xi32, #tpu.memory_space<vmem>> -> memref<16x125xi32, #tpu.memory_space<vmem>>
    %dma_start3A_41 = arith.constant 0 : i32
    %dma_start3A_42 = tpu.memref_slice %arg3[%dma_start3A_37, %add3A_36, %dma_start3A_41] : memref<2x2560x125xi32, #tpu.memory_space<hbm>> -> memref<1x16x125xi32, #tpu.memory_space<hbm>>
    %dma_start3A_43 = tpu.memref_squeeze %dma_start3A_42 : memref<1x16x125xi32, #tpu.memory_space<hbm>> -> memref<16x125xi32, #tpu.memory_space<hbm>>
    %dma_start3A_44 = arith.constant 32 : i32
    %dma_start3A_45 = arith.constant 0 : i32
    %dma_start3A_46 = tpu.memref_slice %arg6[%dma_start3A_44, %dma_start3A_45] : memref<48x125xi32, #tpu.memory_space<vmem>> -> memref<16x125xi32, #tpu.memory_space<vmem>>
    %dma_start3A_47 = arith.constant 0 : i32
    %dma_start3A_48 = tpu.memref_slice %arg3[%dma_start3A_37, %add3A_36, %dma_start3A_47] : memref<2x2560x125xi32, #tpu.memory_space<hbm>> -> memref<1x16x125xi32, #tpu.memory_space<hbm>>
    %dma_start3A_49 = tpu.memref_squeeze %dma_start3A_48 : memref<1x16x125xi32, #tpu.memory_space<hbm>> -> memref<16x125xi32, #tpu.memory_space<hbm>>
    tpu.enqueue_dma source(%dma_start3A_49 : memref<16x125xi32, #tpu.memory_space<hbm>>) target(%dma_start3A_46 : memref<16x125xi32, #tpu.memory_space<vmem>>) target_semaphore(%arg13 : memref<!tpu.dma_semaphore, #tpu.memory_space<semaphore_mem>>)
    %add3A_50 = arith.constant 32 : i32
    %add3A_51 = arith.addi %multiple_of3A_5, %add3A_50 : i32
    %dma_start3A_52 = arith.constant 1 : i32
    %dma_start3A_53 = arith.constant 32 : i32
    %dma_start3A_54 = arith.constant 0 : i32
    %dma_start3A_55 = tpu.memref_slice %arg7[%dma_start3A_53, %dma_start3A_54] : memref<48x125xi32, #tpu.memory_space<vmem>> -> memref<16x125xi32, #tpu.memory_space<vmem>>
    %dma_start3A_56 = arith.constant 0 : i32
    %dma_start3A_57 = tpu.memref_slice %arg3[%dma_start3A_52, %add3A_51, %dma_start3A_56] : memref<2x2560x125xi32, #tpu.memory_space<hbm>> -> memref<1x16x125xi32, #tpu.memory_space<hbm>>
    %dma_start3A_58 = tpu.memref_squeeze %dma_start3A_57 : memref<1x16x125xi32, #tpu.memory_space<hbm>> -> memref<16x125xi32, #tpu.memory_space<hbm>>
    %dma_start3A_59 = arith.constant 32 : i32
    %dma_start3A_60 = arith.constant 0 : i32
    %dma_start3A_61 = tpu.memref_slice %arg7[%dma_start3A_59, %dma_start3A_60] : memref<48x125xi32, #tpu.memory_space<vmem>> -> memref<16x125xi32, #tpu.memory_space<vmem>>
    %dma_start3A_62 = arith.constant 0 : i32
    %dma_start3A_63 = tpu.memref_slice %arg3[%dma_start3A_52, %add3A_51, %dma_start3A_62] : memref<2x2560x125xi32, #tpu.memory_space<hbm>> -> memref<1x16x125xi32, #tpu.memory_space<hbm>>
    %dma_start3A_64 = tpu.memref_squeeze %dma_start3A_63 : memref<1x16x125xi32, #tpu.memory_space<hbm>> -> memref<16x125xi32, #tpu.memory_space<hbm>>
    tpu.enqueue_dma source(%dma_start3A_64 : memref<16x125xi32, #tpu.memory_space<hbm>>) target(%dma_start3A_61 : memref<16x125xi32, #tpu.memory_space<vmem>>) target_semaphore(%arg13 : memref<!tpu.dma_semaphore, #tpu.memory_space<semaphore_mem>>)
    %dma_wait3A = arith.constant 0 : i32
    %dma_wait3A_65 = arith.constant 0 : i32
    %dma_wait3A_66 = arith.constant 0 : i32
    %dma_wait3A_67 = tpu.memref_slice %arg6[%dma_wait3A_65, %dma_wait3A_66] : memref<48x125xi32, #tpu.memory_space<vmem>> -> memref<32x125xi32, #tpu.memory_space<vmem>>
    %dma_wait3A_68 = arith.constant 0 : i32
    %dma_wait3A_69 = tpu.memref_slice %arg3[%dma_wait3A, %multiple_of3A_5, %dma_wait3A_68] : memref<2x2560x125xi32, #tpu.memory_space<hbm>> -> memref<1x32x125xi32, #tpu.memory_space<hbm>>
    %dma_wait3A_70 = tpu.memref_squeeze %dma_wait3A_69 : memref<1x32x125xi32, #tpu.memory_space<hbm>> -> memref<32x125xi32, #tpu.memory_space<hbm>>
    %dma_wait3A_71 = arith.constant 0 : i32
    %dma_wait3A_72 = arith.constant 0 : i32
    %dma_wait3A_73 = tpu.memref_slice %arg6[%dma_wait3A_71, %dma_wait3A_72] : memref<48x125xi32, #tpu.memory_space<vmem>> -> memref<32x125xi32, #tpu.memory_space<vmem>>
    %dma_wait3A_74 = arith.constant 0 : i32
    %dma_wait3A_75 = tpu.memref_slice %arg3[%dma_wait3A, %multiple_of3A_5, %dma_wait3A_74] : memref<2x2560x125xi32, #tpu.memory_space<hbm>> -> memref<1x32x125xi32, #tpu.memory_space<hbm>>
    %dma_wait3A_76 = tpu.memref_squeeze %dma_wait3A_75 : memref<1x32x125xi32, #tpu.memory_space<hbm>> -> memref<32x125xi32, #tpu.memory_space<hbm>>
    tpu.wait_dma2 semaphore(%arg11 : memref<!tpu.dma_semaphore, #tpu.memory_space<semaphore_mem>>) src(%dma_wait3A_76 : memref<32x125xi32, #tpu.memory_space<hbm>>) dst(%dma_wait3A_73 : memref<32x125xi32, #tpu.memory_space<vmem>>)
    %dma_wait3A_77 = arith.constant 1 : i32
    %dma_wait3A_78 = arith.constant 0 : i32
    %dma_wait3A_79 = arith.constant 0 : i32
    %dma_wait3A_80 = tpu.memref_slice %arg7[%dma_wait3A_78, %dma_wait3A_79] : memref<48x125xi32, #tpu.memory_space<vmem>> -> memref<32x125xi32, #tpu.memory_space<vmem>>
    %dma_wait3A_81 = arith.constant 0 : i32
    %dma_wait3A_82 = tpu.memref_slice %arg3[%dma_wait3A_77, %multiple_of3A_5, %dma_wait3A_81] : memref<2x2560x125xi32, #tpu.memory_space<hbm>> -> memref<1x32x125xi32, #tpu.memory_space<hbm>>
    %dma_wait3A_83 = tpu.memref_squeeze %dma_wait3A_82 : memref<1x32x125xi32, #tpu.memory_space<hbm>> -> memref<32x125xi32, #tpu.memory_space<hbm>>
    %dma_wait3A_84 = arith.constant 0 : i32
    %dma_wait3A_85 = arith.constant 0 : i32
    %dma_wait3A_86 = tpu.memref_slice %arg7[%dma_wait3A_84, %dma_wait3A_85] : memref<48x125xi32, #tpu.memory_space<vmem>> -> memref<32x125xi32, #tpu.memory_space<vmem>>
    %dma_wait3A_87 = arith.constant 0 : i32
    %dma_wait3A_88 = tpu.memref_slice %arg3[%dma_wait3A_77, %multiple_of3A_5, %dma_wait3A_87] : memref<2x2560x125xi32, #tpu.memory_space<hbm>> -> memref<1x32x125xi32, #tpu.memory_space<hbm>>
    %dma_wait3A_89 = tpu.memref_squeeze %dma_wait3A_88 : memref<1x32x125xi32, #tpu.memory_space<hbm>> -> memref<32x125xi32, #tpu.memory_space<hbm>>
    tpu.wait_dma2 semaphore(%arg11 : memref<!tpu.dma_semaphore, #tpu.memory_space<semaphore_mem>>) src(%dma_wait3A_89 : memref<32x125xi32, #tpu.memory_space<hbm>>) dst(%dma_wait3A_86 : memref<32x125xi32, #tpu.memory_space<vmem>>)
    %dma_wait3A_90 = arith.constant 0 : i32
    %dma_wait3A_91 = tpu.memref_slice %arg10[%multiple_of3A, %dma_wait3A_90] : memref<10240x128xf32, #tpu.memory_space<vmem_shared>> -> memref<640x128xf32, #tpu.memory_space<vmem_shared>>
    %dma_wait3A_92 = arith.constant 0 : i32
    %dma_wait3A_93 = tpu.memref_slice %arg4[%multiple_of3A, %dma_wait3A_92] : memref<10240x128xf32, #tpu.memory_space<hbm>> -> memref<640x128xf32, #tpu.memory_space<hbm>>
    tpu.wait_dma2 semaphore(%arg12 : memref<!tpu.dma_semaphore, #tpu.memory_space<semaphore_mem>>) src(%dma_wait3A_93 : memref<640x128xf32, #tpu.memory_space<hbm>>) dst(%dma_wait3A_91 : memref<640x128xf32, #tpu.memory_space<vmem_shared>>)
    %barrier3A = arith.constant 0 : index
    tpu.barrier barrier_id(%barrier3A)
    %dma_start3A_94 = arith.constant 0 : i32
    %dma_start3A_95 = arith.constant 0 : i32
    %dma_start3A_96 = tpu.memref_slice %arg6[%dma_start3A_94, %dma_start3A_95] : memref<48x125xi32, #tpu.memory_space<vmem>> -> memref<1x125xi32, #tpu.memory_space<vmem>>
    %dma_start3A_97 = tpu.memref_squeeze %dma_start3A_96 : memref<1x125xi32, #tpu.memory_space<vmem>> -> memref<125xi32, #tpu.memory_space<vmem>>
    %dma_start3A_98 = arith.constant 0 : i32
    %dma_start3A_99 = arith.constant 0 : i32
    %dma_start3A_100 = tpu.memref_slice %arg2[%dma_start3A_98, %dma_start3A_99] : memref<10000x128xf32, #tpu.memory_space<hbm>> -> memref<10000x128xf32, #tpu.memory_space<hbm>>
    tpu.enqueue_indirect_dma source(%dma_start3A_100 : memref<10000x128xf32, #tpu.memory_space<hbm>>) target(%arg8 : memref<125x128xf32, #tpu.memory_space<vmem>>) offsets(%dma_start3A_97 : memref<125xi32, #tpu.memory_space<vmem>>) semaphore(%arg11 : memref<!tpu.dma_semaphore, #tpu.memory_space<semaphore_mem>>)
    %scan3A = arith.constant 0 : i32
    %scan3A_101 = arith.constant 0 : i32
    %scan3A_102 = arith.constant 40 : i32
    %scan3A_103 = arith.addi %scan3A_101, %scan3A_102 : i32
    %scan3A_104 = arith.constant 1 : i32
    scf.for %scan3A_107 = %scan3A_101 to %scan3A_103 step %scan3A_104  : i32 {
      %mul3A_108 = arith.constant 2 : i32
      %mul3A_109 = arith.muli %mul3A_108, %scan3A_107 : i32
      %mul3A_110 = arith.constant 2 : i32
      %mul3A_111 = arith.muli %mul3A_110, %scan3A_107 : i32
      %add3A_112 = arith.constant 1 : i32
      %add3A_113 = arith.addi %mul3A_111, %add3A_112 : i32
      %rem3A = arith.constant 16 : i32
      %rem3A_114 = arith.remsi %mul3A_109, %rem3A : i32
      %eq3A = arith.constant 0 : i32
      %eq3A_115 = arith.cmpi eq, %rem3A_114, %eq3A : i32
      %gt3A = arith.constant 0 : i32
      %gt3A_116 = arith.cmpi sgt, %mul3A_109, %gt3A : i32
      %and3A = arith.andi %eq3A_115, %gt3A_116 : i1
      %convert_element_type3A = arith.extui %and3A : i1 to i32
      %cond3A = arith.constant 0 : i32
      %cond3A_117 = arith.cmpi ne, %convert_element_type3A, %cond3A : i32
      scf.if %cond3A_117 {
        %jit3A = arith.constant 16 : i32
        %div3A = arith.divsi %mul3A_109, %jit3A : i32
        %sign3A = arith.constant 0 : i32
        %sign3A_144 = arith.cmpi sgt, %mul3A_109, %sign3A : i32
        %sign3A_145 = arith.extui %sign3A_144 : i1 to i32
        %sign3A_146 = arith.constant 0 : i32
        %sign3A_147 = arith.cmpi slt, %mul3A_109, %sign3A_146 : i32
        %sign3A_148 = arith.extui %sign3A_147 : i1 to i32
        %sign3A_149 = arith.subi %sign3A_145, %sign3A_148 : i32
        %sign3A_150 = arith.constant 0 : i32
        %sign3A_151 = arith.cmpi sgt, %jit3A, %sign3A_150 : i32
        %sign3A_152 = arith.extui %sign3A_151 : i1 to i32
        %sign3A_153 = arith.constant 0 : i32
        %sign3A_154 = arith.cmpi slt, %jit3A, %sign3A_153 : i32
        %sign3A_155 = arith.extui %sign3A_154 : i1 to i32
        %sign3A_156 = arith.subi %sign3A_152, %sign3A_155 : i32
        %ne3A = arith.cmpi ne, %sign3A_149, %sign3A_156 : i32
        %rem3A_157 = arith.remsi %mul3A_109, %jit3A : i32
        %ne3A_158 = arith.constant 0 : i32
        %ne3A_159 = arith.cmpi ne, %rem3A_157, %ne3A_158 : i32
        %and3A_160 = arith.andi %ne3A, %ne3A_159 : i1
        %sub3A = arith.constant 1 : i32
        %sub3A_161 = arith.subi %div3A, %sub3A : i32
        %select_n3A = arith.select %and3A_160, %sub3A_161, %div3A : i32
        %add3A_162 = arith.constant 1 : i32
        %add3A_163 = arith.addi %select_n3A, %add3A_162 : i32
        %lt3A_164 = arith.constant 5 : i32
        %lt3A_165 = arith.cmpi slt, %add3A_163, %lt3A_164 : i32
        %convert_element_type3A_166 = arith.extui %lt3A_165 : i1 to i32
        %cond3A_167 = arith.constant 0 : i32
        %cond3A_168 = arith.cmpi ne, %convert_element_type3A_166, %cond3A_167 : i32
        scf.if %cond3A_168 {
          %add3A_176 = arith.constant 1 : i32
          %add3A_177 = arith.addi %select_n3A, %add3A_176 : i32
          %rem3A_178 = arith.constant 3 : i32
          %rem3A_179 = arith.remsi %add3A_177, %rem3A_178 : i32
          %mul3A_180 = arith.constant 16 : i32
          %mul3A_181 = arith.muli %rem3A_179, %mul3A_180 : i32
          %multiple_of3A_182 = tpu.assume_multiple %mul3A_181, 8 : i32
          %add3A_183 = arith.constant 1 : i32
          %add3A_184 = arith.addi %select_n3A, %add3A_183 : i32
          %mul3A_185 = arith.constant 16 : i32
          %mul3A_186 = arith.muli %add3A_184, %mul3A_185 : i32
          %add3A_187 = arith.addi %multiple_of3A_5, %mul3A_186 : i32
          %multiple_of3A_188 = tpu.assume_multiple %add3A_187, 8 : i32
          %dma_wait3A_189 = arith.constant 0 : i32
          %dma_wait3A_190 = arith.constant 0 : i32
          %dma_wait3A_191 = tpu.memref_slice %arg6[%multiple_of3A_182, %dma_wait3A_190] : memref<48x125xi32, #tpu.memory_space<vmem>> -> memref<16x125xi32, #tpu.memory_space<vmem>>
          %dma_wait3A_192 = arith.constant 0 : i32
          %dma_wait3A_193 = tpu.memref_slice %arg3[%dma_wait3A_189, %multiple_of3A_188, %dma_wait3A_192] : memref<2x2560x125xi32, #tpu.memory_space<hbm>> -> memref<1x16x125xi32, #tpu.memory_space<hbm>>
          %dma_wait3A_194 = tpu.memref_squeeze %dma_wait3A_193 : memref<1x16x125xi32, #tpu.memory_space<hbm>> -> memref<16x125xi32, #tpu.memory_space<hbm>>
          %dma_wait3A_195 = arith.constant 0 : i32
          %dma_wait3A_196 = tpu.memref_slice %arg6[%multiple_of3A_182, %dma_wait3A_195] : memref<48x125xi32, #tpu.memory_space<vmem>> -> memref<16x125xi32, #tpu.memory_space<vmem>>
          %dma_wait3A_197 = arith.constant 0 : i32
          %dma_wait3A_198 = tpu.memref_slice %arg3[%dma_wait3A_189, %multiple_of3A_188, %dma_wait3A_197] : memref<2x2560x125xi32, #tpu.memory_space<hbm>> -> memref<1x16x125xi32, #tpu.memory_space<hbm>>
          %dma_wait3A_199 = tpu.memref_squeeze %dma_wait3A_198 : memref<1x16x125xi32, #tpu.memory_space<hbm>> -> memref<16x125xi32, #tpu.memory_space<hbm>>
          tpu.wait_dma2 semaphore(%arg13 : memref<!tpu.dma_semaphore, #tpu.memory_space<semaphore_mem>>) src(%dma_wait3A_199 : memref<16x125xi32, #tpu.memory_space<hbm>>) dst(%dma_wait3A_196 : memref<16x125xi32, #tpu.memory_space<vmem>>)
          %dma_wait3A_200 = arith.constant 1 : i32
          %dma_wait3A_201 = arith.constant 0 : i32
          %dma_wait3A_202 = tpu.memref_slice %arg7[%multiple_of3A_182, %dma_wait3A_201] : memref<48x125xi32, #tpu.memory_space<vmem>> -> memref<16x125xi32, #tpu.memory_space<vmem>>
          %dma_wait3A_203 = arith.constant 0 : i32
          %dma_wait3A_204 = tpu.memref_slice %arg3[%dma_wait3A_200, %multiple_of3A_188, %dma_wait3A_203] : memref<2x2560x125xi32, #tpu.memory_space<hbm>> -> memref<1x16x125xi32, #tpu.memory_space<hbm>>
          %dma_wait3A_205 = tpu.memref_squeeze %dma_wait3A_204 : memref<1x16x125xi32, #tpu.memory_space<hbm>> -> memref<16x125xi32, #tpu.memory_space<hbm>>
          %dma_wait3A_206 = arith.constant 0 : i32
          %dma_wait3A_207 = tpu.memref_slice %arg7[%multiple_of3A_182, %dma_wait3A_206] : memref<48x125xi32, #tpu.memory_space<vmem>> -> memref<16x125xi32, #tpu.memory_space<vmem>>
          %dma_wait3A_208 = arith.constant 0 : i32
          %dma_wait3A_209 = tpu.memref_slice %arg3[%dma_wait3A_200, %multiple_of3A_188, %dma_wait3A_208] : memref<2x2560x125xi32, #tpu.memory_space<hbm>> -> memref<1x16x125xi32, #tpu.memory_space<hbm>>
          %dma_wait3A_210 = tpu.memref_squeeze %dma_wait3A_209 : memref<1x16x125xi32, #tpu.memory_space<hbm>> -> memref<16x125xi32, #tpu.memory_space<hbm>>
          tpu.wait_dma2 semaphore(%arg13 : memref<!tpu.dma_semaphore, #tpu.memory_space<semaphore_mem>>) src(%dma_wait3A_210 : memref<16x125xi32, #tpu.memory_space<hbm>>) dst(%dma_wait3A_207 : memref<16x125xi32, #tpu.memory_space<vmem>>)
        } else {
        }
        %add3A_169 = arith.constant 2 : i32
        %add3A_170 = arith.addi %select_n3A, %add3A_169 : i32
        %lt3A_171 = arith.constant 5 : i32
        %lt3A_172 = arith.cmpi slt, %add3A_170, %lt3A_171 : i32
        %convert_element_type3A_173 = arith.extui %lt3A_172 : i1 to i32
        %cond3A_174 = arith.constant 0 : i32
        %cond3A_175 = arith.cmpi ne, %convert_element_type3A_173, %cond3A_174 : i32
        scf.if %cond3A_175 {
          %add3A_176 = arith.constant 2 : i32
          %add3A_177 = arith.addi %select_n3A, %add3A_176 : i32
          %mul3A_178 = arith.constant 16 : i32
          %mul3A_179 = arith.muli %add3A_177, %mul3A_178 : i32
          %add3A_180 = arith.addi %multiple_of3A_5, %mul3A_179 : i32
          %multiple_of3A_181 = tpu.assume_multiple %add3A_180, 8 : i32
          %add3A_182 = arith.constant 2 : i32
          %add3A_183 = arith.addi %select_n3A, %add3A_182 : i32
          %rem3A_184 = arith.constant 3 : i32
          %rem3A_185 = arith.remsi %add3A_183, %rem3A_184 : i32
          %mul3A_186 = arith.constant 16 : i32
          %mul3A_187 = arith.muli %rem3A_185, %mul3A_186 : i32
          %multiple_of3A_188 = tpu.assume_multiple %mul3A_187, 8 : i32
          %dma_start3A_189 = arith.constant 0 : i32
          %dma_start3A_190 = arith.constant 0 : i32
          %dma_start3A_191 = tpu.memref_slice %arg6[%multiple_of3A_188, %dma_start3A_190] : memref<48x125xi32, #tpu.memory_space<vmem>> -> memref<16x125xi32, #tpu.memory_space<vmem>>
          %dma_start3A_192 = arith.constant 0 : i32
          %dma_start3A_193 = tpu.memref_slice %arg3[%dma_start3A_189, %multiple_of3A_181, %dma_start3A_192] : memref<2x2560x125xi32, #tpu.memory_space<hbm>> -> memref<1x16x125xi32, #tpu.memory_space<hbm>>
          %dma_start3A_194 = tpu.memref_squeeze %dma_start3A_193 : memref<1x16x125xi32, #tpu.memory_space<hbm>> -> memref<16x125xi32, #tpu.memory_space<hbm>>
          %dma_start3A_195 = arith.constant 0 : i32
          %dma_start3A_196 = tpu.memref_slice %arg6[%multiple_of3A_188, %dma_start3A_195] : memref<48x125xi32, #tpu.memory_space<vmem>> -> memref<16x125xi32, #tpu.memory_space<vmem>>
          %dma_start3A_197 = arith.constant 0 : i32
          %dma_start3A_198 = tpu.memref_slice %arg3[%dma_start3A_189, %multiple_of3A_181, %dma_start3A_197] : memref<2x2560x125xi32, #tpu.memory_space<hbm>> -> memref<1x16x125xi32, #tpu.memory_space<hbm>>
          %dma_start3A_199 = tpu.memref_squeeze %dma_start3A_198 : memref<1x16x125xi32, #tpu.memory_space<hbm>> -> memref<16x125xi32, #tpu.memory_space<hbm>>
          tpu.enqueue_dma source(%dma_start3A_199 : memref<16x125xi32, #tpu.memory_space<hbm>>) target(%dma_start3A_196 : memref<16x125xi32, #tpu.memory_space<vmem>>) target_semaphore(%arg13 : memref<!tpu.dma_semaphore, #tpu.memory_space<semaphore_mem>>)
          %dma_start3A_200 = arith.constant 1 : i32
          %dma_start3A_201 = arith.constant 0 : i32
          %dma_start3A_202 = tpu.memref_slice %arg7[%multiple_of3A_188, %dma_start3A_201] : memref<48x125xi32, #tpu.memory_space<vmem>> -> memref<16x125xi32, #tpu.memory_space<vmem>>
          %dma_start3A_203 = arith.constant 0 : i32
          %dma_start3A_204 = tpu.memref_slice %arg3[%dma_start3A_200, %multiple_of3A_181, %dma_start3A_203] : memref<2x2560x125xi32, #tpu.memory_space<hbm>> -> memref<1x16x125xi32, #tpu.memory_space<hbm>>
          %dma_start3A_205 = tpu.memref_squeeze %dma_start3A_204 : memref<1x16x125xi32, #tpu.memory_space<hbm>> -> memref<16x125xi32, #tpu.memory_space<hbm>>
          %dma_start3A_206 = arith.constant 0 : i32
          %dma_start3A_207 = tpu.memref_slice %arg7[%multiple_of3A_188, %dma_start3A_206] : memref<48x125xi32, #tpu.memory_space<vmem>> -> memref<16x125xi32, #tpu.memory_space<vmem>>
          %dma_start3A_208 = arith.constant 0 : i32
          %dma_start3A_209 = tpu.memref_slice %arg3[%dma_start3A_200, %multiple_of3A_181, %dma_start3A_208] : memref<2x2560x125xi32, #tpu.memory_space<hbm>> -> memref<1x16x125xi32, #tpu.memory_space<hbm>>
          %dma_start3A_210 = tpu.memref_squeeze %dma_start3A_209 : memref<1x16x125xi32, #tpu.memory_space<hbm>> -> memref<16x125xi32, #tpu.memory_space<hbm>>
          tpu.enqueue_dma source(%dma_start3A_210 : memref<16x125xi32, #tpu.memory_space<hbm>>) target(%dma_start3A_207 : memref<16x125xi32, #tpu.memory_space<vmem>>) target_semaphore(%arg13 : memref<!tpu.dma_semaphore, #tpu.memory_space<semaphore_mem>>)
        } else {
        }
      } else {
      }
      %rem3A_118 = arith.constant 48 : i32
      %rem3A_119 = arith.remsi %mul3A_109, %rem3A_118 : i32
      %rem3A_120 = arith.constant 48 : i32
      %rem3A_121 = arith.remsi %add3A_113, %rem3A_120 : i32
      %dma_start3A_122 = arith.constant 0 : i32
      %dma_start3A_123 = tpu.memref_slice %arg6[%rem3A_121, %dma_start3A_122] : memref<48x125xi32, #tpu.memory_space<vmem>> -> memref<1x125xi32, #tpu.memory_space<vmem>>
      %dma_start3A_124 = tpu.memref_squeeze %dma_start3A_123 : memref<1x125xi32, #tpu.memory_space<vmem>> -> memref<125xi32, #tpu.memory_space<vmem>>
      %dma_start3A_125 = arith.constant 0 : i32
      %dma_start3A_126 = arith.constant 0 : i32
      %dma_start3A_127 = tpu.memref_slice %arg2[%dma_start3A_125, %dma_start3A_126] : memref<10000x128xf32, #tpu.memory_space<hbm>> -> memref<10000x128xf32, #tpu.memory_space<hbm>>
      tpu.enqueue_indirect_dma source(%dma_start3A_127 : memref<10000x128xf32, #tpu.memory_space<hbm>>) target(%arg9 : memref<125x128xf32, #tpu.memory_space<vmem>>) offsets(%dma_start3A_124 : memref<125xi32, #tpu.memory_space<vmem>>) semaphore(%arg12 : memref<!tpu.dma_semaphore, #tpu.memory_space<semaphore_mem>>)
      %dma_wait3A_128 = arith.constant 0 : i32
      %dma_wait3A_129 = tpu.memref_slice %arg6[%rem3A_119, %dma_wait3A_128] : memref<48x125xi32, #tpu.memory_space<vmem>> -> memref<1x125xi32, #tpu.memory_space<vmem>>
      %dma_wait3A_130 = tpu.memref_squeeze %dma_wait3A_129 : memref<1x125xi32, #tpu.memory_space<vmem>> -> memref<125xi32, #tpu.memory_space<vmem>>
      %dma_wait3A_131 = arith.constant 0 : i32
      %dma_wait3A_132 = arith.constant 0 : i32
      %dma_wait3A_133 = tpu.memref_slice %arg2[%dma_wait3A_131, %dma_wait3A_132] : memref<10000x128xf32, #tpu.memory_space<hbm>> -> memref<10000x128xf32, #tpu.memory_space<hbm>>
      tpu.wait_indirect_dma semaphore(%arg11 : memref<!tpu.dma_semaphore, #tpu.memory_space<semaphore_mem>>) src(%dma_wait3A_133 : memref<10000x128xf32, #tpu.memory_space<hbm>>) dst(%arg8 : memref<125x128xf32, #tpu.memory_space<vmem>>)
      "tpu.region"() ({
        %run_scoped3A = tpu.sem_alloc : memref<!tpu.dma_semaphore, #tpu.memory_space<semaphore_mem>>
        %dma_start3A_144 = arith.constant 0 : i32
        %dma_start3A_145 = tpu.memref_slice %arg7[%rem3A_119, %dma_start3A_144] : memref<48x125xi32, #tpu.memory_space<vmem>> -> memref<1x125xi32, #tpu.memory_space<vmem>>
        %dma_start3A_146 = tpu.memref_squeeze %dma_start3A_145 : memref<1x125xi32, #tpu.memory_space<vmem>> -> memref<125xi32, #tpu.memory_space<vmem>>
        %dma_start3A_147 = arith.constant 0 : i32
        %dma_start3A_148 = arith.constant 0 : i32
        %dma_start3A_149 = tpu.memref_slice %arg10[%dma_start3A_147, %dma_start3A_148] : memref<10240x128xf32, #tpu.memory_space<vmem_shared>> -> memref<10240x128xf32, #tpu.memory_space<vmem_shared>>
        tpu.enqueue_indirect_dma source(%arg8 : memref<125x128xf32, #tpu.memory_space<vmem>>) target(%dma_start3A_149 : memref<10240x128xf32, #tpu.memory_space<vmem_shared>>) offsets(%dma_start3A_146 : memref<125xi32, #tpu.memory_space<vmem>>) semaphore(%run_scoped3A : memref<!tpu.dma_semaphore, #tpu.memory_space<semaphore_mem>>) {add = true}
        %dma_wait3A_150 = arith.constant 0 : i32
        %dma_wait3A_151 = tpu.memref_slice %arg7[%rem3A_119, %dma_wait3A_150] : memref<48x125xi32, #tpu.memory_space<vmem>> -> memref<1x125xi32, #tpu.memory_space<vmem>>
        %dma_wait3A_152 = tpu.memref_squeeze %dma_wait3A_151 : memref<1x125xi32, #tpu.memory_space<vmem>> -> memref<125xi32, #tpu.memory_space<vmem>>
        %dma_wait3A_153 = arith.constant 0 : i32
        %dma_wait3A_154 = arith.constant 0 : i32
        %dma_wait3A_155 = tpu.memref_slice %arg10[%dma_wait3A_153, %dma_wait3A_154] : memref<10240x128xf32, #tpu.memory_space<vmem_shared>> -> memref<10240x128xf32, #tpu.memory_space<vmem_shared>>
        tpu.wait_indirect_dma semaphore(%run_scoped3A : memref<!tpu.dma_semaphore, #tpu.memory_space<semaphore_mem>>) src(%arg8 : memref<125x128xf32, #tpu.memory_space<vmem>>) dst(%dma_wait3A_155 : memref<10240x128xf32, #tpu.memory_space<vmem_shared>>)
        tpu.yield
      }) : () -> ()
      %lt3A = arith.constant 39 : i32
      %lt3A_134 = arith.cmpi slt, %scan3A_107, %lt3A : i32
      %convert_element_type3A_135 = arith.extui %lt3A_134 : i1 to i32
      %cond3A_136 = arith.constant 0 : i32
      %cond3A_137 = arith.cmpi ne, %convert_element_type3A_135, %cond3A_136 : i32
      scf.if %cond3A_137 {
        %add3A_144 = arith.constant 2 : i32
        %add3A_145 = arith.addi %mul3A_109, %add3A_144 : i32
        %rem3A_146 = arith.constant 48 : i32
        %rem3A_147 = arith.remsi %add3A_145, %rem3A_146 : i32
        %dma_start3A_148 = arith.constant 0 : i32
        %dma_start3A_149 = tpu.memref_slice %arg6[%rem3A_147, %dma_start3A_148] : memref<48x125xi32, #tpu.memory_space<vmem>> -> memref<1x125xi32, #tpu.memory_space<vmem>>
        %dma_start3A_150 = tpu.memref_squeeze %dma_start3A_149 : memref<1x125xi32, #tpu.memory_space<vmem>> -> memref<125xi32, #tpu.memory_space<vmem>>
        %dma_start3A_151 = arith.constant 0 : i32
        %dma_start3A_152 = arith.constant 0 : i32
        %dma_start3A_153 = tpu.memref_slice %arg2[%dma_start3A_151, %dma_start3A_152] : memref<10000x128xf32, #tpu.memory_space<hbm>> -> memref<10000x128xf32, #tpu.memory_space<hbm>>
        tpu.enqueue_indirect_dma source(%dma_start3A_153 : memref<10000x128xf32, #tpu.memory_space<hbm>>) target(%arg8 : memref<125x128xf32, #tpu.memory_space<vmem>>) offsets(%dma_start3A_150 : memref<125xi32, #tpu.memory_space<vmem>>) semaphore(%arg11 : memref<!tpu.dma_semaphore, #tpu.memory_space<semaphore_mem>>)
      } else {
      }
      %dma_wait3A_138 = arith.constant 0 : i32
      %dma_wait3A_139 = tpu.memref_slice %arg6[%rem3A_121, %dma_wait3A_138] : memref<48x125xi32, #tpu.memory_space<vmem>> -> memref<1x125xi32, #tpu.memory_space<vmem>>
      %dma_wait3A_140 = tpu.memref_squeeze %dma_wait3A_139 : memref<1x125xi32, #tpu.memory_space<vmem>> -> memref<125xi32, #tpu.memory_space<vmem>>
      %dma_wait3A_141 = arith.constant 0 : i32
      %dma_wait3A_142 = arith.constant 0 : i32
      %dma_wait3A_143 = tpu.memref_slice %arg2[%dma_wait3A_141, %dma_wait3A_142] : memref<10000x128xf32, #tpu.memory_space<hbm>> -> memref<10000x128xf32, #tpu.memory_space<hbm>>
      tpu.wait_indirect_dma semaphore(%arg12 : memref<!tpu.dma_semaphore, #tpu.memory_space<semaphore_mem>>) src(%dma_wait3A_143 : memref<10000x128xf32, #tpu.memory_space<hbm>>) dst(%arg9 : memref<125x128xf32, #tpu.memory_space<vmem>>)
      "tpu.region"() ({
        %run_scoped3A = tpu.sem_alloc : memref<!tpu.dma_semaphore, #tpu.memory_space<semaphore_mem>>
        %dma_start3A_144 = arith.constant 0 : i32
        %dma_start3A_145 = tpu.memref_slice %arg7[%rem3A_121, %dma_start3A_144] : memref<48x125xi32, #tpu.memory_space<vmem>> -> memref<1x125xi32, #tpu.memory_space<vmem>>
        %dma_start3A_146 = tpu.memref_squeeze %dma_start3A_145 : memref<1x125xi32, #tpu.memory_space<vmem>> -> memref<125xi32, #tpu.memory_space<vmem>>
        %dma_start3A_147 = arith.constant 0 : i32
        %dma_start3A_148 = arith.constant 0 : i32
        %dma_start3A_149 = tpu.memref_slice %arg10[%dma_start3A_147, %dma_start3A_148] : memref<10240x128xf32, #tpu.memory_space<vmem_shared>> -> memref<10240x128xf32, #tpu.memory_space<vmem_shared>>
        tpu.enqueue_indirect_dma source(%arg9 : memref<125x128xf32, #tpu.memory_space<vmem>>) target(%dma_start3A_149 : memref<10240x128xf32, #tpu.memory_space<vmem_shared>>) offsets(%dma_start3A_146 : memref<125xi32, #tpu.memory_space<vmem>>) semaphore(%run_scoped3A : memref<!tpu.dma_semaphore, #tpu.memory_space<semaphore_mem>>) {add = true}
        %dma_wait3A_150 = arith.constant 0 : i32
        %dma_wait3A_151 = tpu.memref_slice %arg7[%rem3A_121, %dma_wait3A_150] : memref<48x125xi32, #tpu.memory_space<vmem>> -> memref<1x125xi32, #tpu.memory_space<vmem>>
        %dma_wait3A_152 = tpu.memref_squeeze %dma_wait3A_151 : memref<1x125xi32, #tpu.memory_space<vmem>> -> memref<125xi32, #tpu.memory_space<vmem>>
        %dma_wait3A_153 = arith.constant 0 : i32
        %dma_wait3A_154 = arith.constant 0 : i32
        %dma_wait3A_155 = tpu.memref_slice %arg10[%dma_wait3A_153, %dma_wait3A_154] : memref<10240x128xf32, #tpu.memory_space<vmem_shared>> -> memref<10240x128xf32, #tpu.memory_space<vmem_shared>>
        tpu.wait_indirect_dma semaphore(%run_scoped3A : memref<!tpu.dma_semaphore, #tpu.memory_space<semaphore_mem>>) src(%arg9 : memref<125x128xf32, #tpu.memory_space<vmem>>) dst(%dma_wait3A_155 : memref<10240x128xf32, #tpu.memory_space<vmem_shared>>)
        tpu.yield
      }) : () -> ()
    }
    %scan3A_105 = arith.constant 40 : i32
    %barrier3A_106 = arith.constant 0 : index
    tpu.barrier barrier_id(%barrier3A_106)
    "tpu.region"() ({
      %run_scoped3A = tpu.sem_alloc : memref<!tpu.dma_semaphore, #tpu.memory_space<semaphore_mem>>
      %dma_start3A_107 = arith.constant 0 : i32
      %dma_start3A_108 = tpu.memref_slice %arg5[%arg0, %multiple_of3A, %dma_start3A_107] : memref<2x10240x128xf32, #tpu.memory_space<hbm>> -> memref<1x640x128xf32, #tpu.memory_space<hbm>>
      %dma_start3A_109 = tpu.memref_squeeze %dma_start3A_108 : memref<1x640x128xf32, #tpu.memory_space<hbm>> -> memref<640x128xf32, #tpu.memory_space<hbm>>
      %dma_start3A_110 = arith.constant 0 : i32
      %dma_start3A_111 = tpu.memref_slice %arg10[%multiple_of3A, %dma_start3A_110] : memref<10240x128xf32, #tpu.memory_space<vmem_shared>> -> memref<640x128xf32, #tpu.memory_space<vmem_shared>>
      tpu.enqueue_dma source(%dma_start3A_111 : memref<640x128xf32, #tpu.memory_space<vmem_shared>>) target(%dma_start3A_109 : memref<640x128xf32, #tpu.memory_space<hbm>>) target_semaphore(%run_scoped3A : memref<!tpu.dma_semaphore, #tpu.memory_space<semaphore_mem>>)
      %dma_wait3A_112 = arith.constant 0 : i32
      %dma_wait3A_113 = tpu.memref_slice %arg5[%arg0, %multiple_of3A, %dma_wait3A_112] : memref<2x10240x128xf32, #tpu.memory_space<hbm>> -> memref<1x640x128xf32, #tpu.memory_space<hbm>>
      %dma_wait3A_114 = tpu.memref_squeeze %dma_wait3A_113 : memref<1x640x128xf32, #tpu.memory_space<hbm>> -> memref<640x128xf32, #tpu.memory_space<hbm>>
      %dma_wait3A_115 = arith.constant 0 : i32
      %dma_wait3A_116 = tpu.memref_slice %arg10[%multiple_of3A, %dma_wait3A_115] : memref<10240x128xf32, #tpu.memory_space<vmem_shared>> -> memref<640x128xf32, #tpu.memory_space<vmem_shared>>
      tpu.wait_dma2 semaphore(%run_scoped3A : memref<!tpu.dma_semaphore, #tpu.memory_space<semaphore_mem>>) src(%dma_wait3A_116 : memref<640x128xf32, #tpu.memory_space<vmem_shared>>) dst(%dma_wait3A_114 : memref<640x128xf32, #tpu.memory_space<hbm>>)
      tpu.yield
    }) : () -> ()
    return
  }
}

#map = affine_map<(d0, d1) -> (0, 0, 0)>
module attributes {stable_mosaic.version = 14 : i64} {
  func.func @_sc_cnt(%arg0: i32, %arg1: i32, %arg2: memref<32x80x128xi32, #tpu.memory_space<hbm>>, %arg3: memref<2x80x128xf32, #tpu.memory_space<hbm>>, %arg4: memref<80x128xi32, #tpu.memory_space<vmem>>, %arg5: memref<80x128xf32, #tpu.memory_space<vmem>>, %arg6: memref<16x8x128xf32, #tpu.memory_space<vmem>>, %arg7: memref<16x80x128xf32, #tpu.memory_space<vmem_shared>>) attributes {dimension_semantics = [#tpu.dimension_semantics<core_parallel>, #tpu.dimension_semantics<subcore_parallel>], iteration_bounds = array<i64: 2, 16>, scalar_prefetch = 0 : i64, scratch_operands = 4 : i64, tpu.core_type = #tpu.core_type<sc_vector_subcore>, window_params = [{transform_indices = #map}, {transform_indices = #map}]} {
    %mul3A = arith.constant 2 : i32
    %mul3A_0 = arith.muli %arg1, %mul3A : i32
    %add3A = arith.addi %mul3A_0, %arg0 : i32
    %broadcast_in_dim3A = arith.constant 0.000000e+00 : f32
    %broadcast_in_dim3A_1 = vector.broadcast %broadcast_in_dim3A : f32 to vector<16xf32>
    %scan3A = arith.constant 0 : i32
    %scan3A_2 = arith.constant 0 : i32
    %scan3A_3 = arith.constant 80 : i32
    %scan3A_4 = arith.addi %scan3A_2, %scan3A_3 : i32
    %scan3A_5 = arith.constant 1 : i32
    scf.for %scan3A_17 = %scan3A_2 to %scan3A_4 step %scan3A_5  : i32 {
      %swap3A = arith.index_cast %scan3A_17 : i32 to index
      %swap3A_18 = arith.constant 0 : index
      %swap3A_19 = tpu.vector_load %arg5[%swap3A, %swap3A_18] {strides = array<i32>} : memref<80x128xf32, #tpu.memory_space<vmem>>, vector<16xf32>,
      tpu.vector_store %arg5[%swap3A, %swap3A_18], %broadcast_in_dim3A_1 {strides = array<i32>} : memref<80x128xf32, #tpu.memory_space<vmem>>, vector<16xf32>,
      %swap3A_20 = arith.index_cast %scan3A_17 : i32 to index
      %swap3A_21 = arith.constant 16 : index
      %swap3A_22 = tpu.vector_load %arg5[%swap3A_20, %swap3A_21] {strides = array<i32>} : memref<80x128xf32, #tpu.memory_space<vmem>>, vector<16xf32>,
      tpu.vector_store %arg5[%swap3A_20, %swap3A_21], %broadcast_in_dim3A_1 {strides = array<i32>} : memref<80x128xf32, #tpu.memory_space<vmem>>, vector<16xf32>,
      %swap3A_23 = arith.index_cast %scan3A_17 : i32 to index
      %swap3A_24 = arith.constant 32 : index
      %swap3A_25 = tpu.vector_load %arg5[%swap3A_23, %swap3A_24] {strides = array<i32>} : memref<80x128xf32, #tpu.memory_space<vmem>>, vector<16xf32>,
      tpu.vector_store %arg5[%swap3A_23, %swap3A_24], %broadcast_in_dim3A_1 {strides = array<i32>} : memref<80x128xf32, #tpu.memory_space<vmem>>, vector<16xf32>,
      %swap3A_26 = arith.index_cast %scan3A_17 : i32 to index
      %swap3A_27 = arith.constant 48 : index
      %swap3A_28 = tpu.vector_load %arg5[%swap3A_26, %swap3A_27] {strides = array<i32>} : memref<80x128xf32, #tpu.memory_space<vmem>>, vector<16xf32>,
      tpu.vector_store %arg5[%swap3A_26, %swap3A_27], %broadcast_in_dim3A_1 {strides = array<i32>} : memref<80x128xf32, #tpu.memory_space<vmem>>, vector<16xf32>,
      %swap3A_29 = arith.index_cast %scan3A_17 : i32 to index
      %swap3A_30 = arith.constant 64 : index
      %swap3A_31 = tpu.vector_load %arg5[%swap3A_29, %swap3A_30] {strides = array<i32>} : memref<80x128xf32, #tpu.memory_space<vmem>>, vector<16xf32>,
      tpu.vector_store %arg5[%swap3A_29, %swap3A_30], %broadcast_in_dim3A_1 {strides = array<i32>} : memref<80x128xf32, #tpu.memory_space<vmem>>, vector<16xf32>,
      %swap3A_32 = arith.index_cast %scan3A_17 : i32 to index
      %swap3A_33 = arith.constant 80 : index
      %swap3A_34 = tpu.vector_load %arg5[%swap3A_32, %swap3A_33] {strides = array<i32>} : memref<80x128xf32, #tpu.memory_space<vmem>>, vector<16xf32>,
      tpu.vector_store %arg5[%swap3A_32, %swap3A_33], %broadcast_in_dim3A_1 {strides = array<i32>} : memref<80x128xf32, #tpu.memory_space<vmem>>, vector<16xf32>,
      %swap3A_35 = arith.index_cast %scan3A_17 : i32 to index
      %swap3A_36 = arith.constant 96 : index
      %swap3A_37 = tpu.vector_load %arg5[%swap3A_35, %swap3A_36] {strides = array<i32>} : memref<80x128xf32, #tpu.memory_space<vmem>>, vector<16xf32>,
      tpu.vector_store %arg5[%swap3A_35, %swap3A_36], %broadcast_in_dim3A_1 {strides = array<i32>} : memref<80x128xf32, #tpu.memory_space<vmem>>, vector<16xf32>,
      %swap3A_38 = arith.index_cast %scan3A_17 : i32 to index
      %swap3A_39 = arith.constant 112 : index
      %swap3A_40 = tpu.vector_load %arg5[%swap3A_38, %swap3A_39] {strides = array<i32>} : memref<80x128xf32, #tpu.memory_space<vmem>>, vector<16xf32>,
      tpu.vector_store %arg5[%swap3A_38, %swap3A_39], %broadcast_in_dim3A_1 {strides = array<i32>} : memref<80x128xf32, #tpu.memory_space<vmem>>, vector<16xf32>,
    }
    %scan3A_6 = arith.constant 80 : i32
    "tpu.region"() ({
      %run_scoped3A = tpu.sem_alloc : memref<!tpu.dma_semaphore, #tpu.memory_space<semaphore_mem>>
      %dma_start3A = arith.constant 0 : i32
      %dma_start3A_17 = arith.constant 0 : i32
      %dma_start3A_18 = tpu.memref_slice %arg2[%add3A, %dma_start3A, %dma_start3A_17] : memref<32x80x128xi32, #tpu.memory_space<hbm>> -> memref<1x80x128xi32, #tpu.memory_space<hbm>>
      %dma_start3A_19 = tpu.memref_squeeze %dma_start3A_18 : memref<1x80x128xi32, #tpu.memory_space<hbm>> -> memref<80x128xi32, #tpu.memory_space<hbm>>
      %dma_start3A_20 = arith.constant 0 : i32
      %dma_start3A_21 = arith.constant 0 : i32
      %dma_start3A_22 = tpu.memref_slice %arg2[%add3A, %dma_start3A_20, %dma_start3A_21] : memref<32x80x128xi32, #tpu.memory_space<hbm>> -> memref<1x80x128xi32, #tpu.memory_space<hbm>>
      %dma_start3A_23 = tpu.memref_squeeze %dma_start3A_22 : memref<1x80x128xi32, #tpu.memory_space<hbm>> -> memref<80x128xi32, #tpu.memory_space<hbm>>
      tpu.enqueue_dma source(%dma_start3A_23 : memref<80x128xi32, #tpu.memory_space<hbm>>) target(%arg4 : memref<80x128xi32, #tpu.memory_space<vmem>>) target_semaphore(%run_scoped3A : memref<!tpu.dma_semaphore, #tpu.memory_space<semaphore_mem>>)
      %dma_wait3A = arith.constant 0 : i32
      %dma_wait3A_24 = arith.constant 0 : i32
      %dma_wait3A_25 = tpu.memref_slice %arg2[%add3A, %dma_wait3A, %dma_wait3A_24] : memref<32x80x128xi32, #tpu.memory_space<hbm>> -> memref<1x80x128xi32, #tpu.memory_space<hbm>>
      %dma_wait3A_26 = tpu.memref_squeeze %dma_wait3A_25 : memref<1x80x128xi32, #tpu.memory_space<hbm>> -> memref<80x128xi32, #tpu.memory_space<hbm>>
      %dma_wait3A_27 = arith.constant 0 : i32
      %dma_wait3A_28 = arith.constant 0 : i32
      %dma_wait3A_29 = tpu.memref_slice %arg2[%add3A, %dma_wait3A_27, %dma_wait3A_28] : memref<32x80x128xi32, #tpu.memory_space<hbm>> -> memref<1x80x128xi32, #tpu.memory_space<hbm>>
      %dma_wait3A_30 = tpu.memref_squeeze %dma_wait3A_29 : memref<1x80x128xi32, #tpu.memory_space<hbm>> -> memref<80x128xi32, #tpu.memory_space<hbm>>
      tpu.wait_dma2 semaphore(%run_scoped3A : memref<!tpu.dma_semaphore, #tpu.memory_space<semaphore_mem>>) src(%dma_wait3A_30 : memref<80x128xi32, #tpu.memory_space<hbm>>) dst(%arg4 : memref<80x128xi32, #tpu.memory_space<vmem>>)
      tpu.yield
    }) : () -> ()
    %broadcast_in_dim3A_7 = arith.constant 1.000000e+00 : f32
    %broadcast_in_dim3A_8 = vector.broadcast %broadcast_in_dim3A_7 : f32 to vector<16xf32>
    %scan3A_9 = arith.constant 0 : i32
    %scan3A_10 = arith.constant 0 : i32
    %scan3A_11 = arith.constant 80 : i32
    %scan3A_12 = arith.addi %scan3A_10, %scan3A_11 : i32
    %scan3A_13 = arith.constant 1 : i32
    scf.for %scan3A_17 = %scan3A_10 to %scan3A_12 step %scan3A_13  : i32 {
      %get3A = arith.index_cast %scan3A_17 : i32 to index
      %get3A_18 = arith.constant 0 : index
      %get3A_19 = tpu.vector_load %arg4[%get3A, %get3A_18] {strides = array<i32>} : memref<80x128xi32, #tpu.memory_space<vmem>>, vector<16xi32>,
      %shift_right_arithmetic3A = arith.constant 7 : i32
      %shift_right_arithmetic3A_20 = vector.broadcast %shift_right_arithmetic3A : i32 to vector<16xi32>
      %shift_right_arithmetic3A_21 = arith.shrsi %get3A_19, %shift_right_arithmetic3A_20 : vector<16xi32>
      %and3A = arith.constant 127 : i32
      %and3A_22 = vector.broadcast %and3A : i32 to vector<16xi32>
      %and3A_23 = arith.andi %get3A_19, %and3A_22 : vector<16xi32>
      tpu.vector_store_idx %arg5[%shift_right_arithmetic3A_21, %and3A_23], %broadcast_in_dim3A_8 {add = true} : memref<80x128xf32, #tpu.memory_space<vmem>>[vector<16xi32>, vector<16xi32>], vector<16xf32>,
      %get3A_24 = arith.index_cast %scan3A_17 : i32 to index
      %get3A_25 = arith.constant 16 : index
      %get3A_26 = tpu.vector_load %arg4[%get3A_24, %get3A_25] {strides = array<i32>} : memref<80x128xi32, #tpu.memory_space<vmem>>, vector<16xi32>,
      %shift_right_arithmetic3A_27 = arith.constant 7 : i32
      %shift_right_arithmetic3A_28 = vector.broadcast %shift_right_arithmetic3A_27 : i32 to vector<16xi32>
      %shift_right_arithmetic3A_29 = arith.shrsi %get3A_26, %shift_right_arithmetic3A_28 : vector<16xi32>
      %and3A_30 = arith.constant 127 : i32
      %and3A_31 = vector.broadcast %and3A_30 : i32 to vector<16xi32>
      %and3A_32 = arith.andi %get3A_26, %and3A_31 : vector<16xi32>
      tpu.vector_store_idx %arg5[%shift_right_arithmetic3A_29, %and3A_32], %broadcast_in_dim3A_8 {add = true} : memref<80x128xf32, #tpu.memory_space<vmem>>[vector<16xi32>, vector<16xi32>], vector<16xf32>,
      %get3A_33 = arith.index_cast %scan3A_17 : i32 to index
      %get3A_34 = arith.constant 32 : index
      %get3A_35 = tpu.vector_load %arg4[%get3A_33, %get3A_34] {strides = array<i32>} : memref<80x128xi32, #tpu.memory_space<vmem>>, vector<16xi32>,
      %shift_right_arithmetic3A_36 = arith.constant 7 : i32
      %shift_right_arithmetic3A_37 = vector.broadcast %shift_right_arithmetic3A_36 : i32 to vector<16xi32>
      %shift_right_arithmetic3A_38 = arith.shrsi %get3A_35, %shift_right_arithmetic3A_37 : vector<16xi32>
      %and3A_39 = arith.constant 127 : i32
      %and3A_40 = vector.broadcast %and3A_39 : i32 to vector<16xi32>
      %and3A_41 = arith.andi %get3A_35, %and3A_40 : vector<16xi32>
      tpu.vector_store_idx %arg5[%shift_right_arithmetic3A_38, %and3A_41], %broadcast_in_dim3A_8 {add = true} : memref<80x128xf32, #tpu.memory_space<vmem>>[vector<16xi32>, vector<16xi32>], vector<16xf32>,
      %get3A_42 = arith.index_cast %scan3A_17 : i32 to index
      %get3A_43 = arith.constant 48 : index
      %get3A_44 = tpu.vector_load %arg4[%get3A_42, %get3A_43] {strides = array<i32>} : memref<80x128xi32, #tpu.memory_space<vmem>>, vector<16xi32>,
      %shift_right_arithmetic3A_45 = arith.constant 7 : i32
      %shift_right_arithmetic3A_46 = vector.broadcast %shift_right_arithmetic3A_45 : i32 to vector<16xi32>
      %shift_right_arithmetic3A_47 = arith.shrsi %get3A_44, %shift_right_arithmetic3A_46 : vector<16xi32>
      %and3A_48 = arith.constant 127 : i32
      %and3A_49 = vector.broadcast %and3A_48 : i32 to vector<16xi32>
      %and3A_50 = arith.andi %get3A_44, %and3A_49 : vector<16xi32>
      tpu.vector_store_idx %arg5[%shift_right_arithmetic3A_47, %and3A_50], %broadcast_in_dim3A_8 {add = true} : memref<80x128xf32, #tpu.memory_space<vmem>>[vector<16xi32>, vector<16xi32>], vector<16xf32>,
      %get3A_51 = arith.index_cast %scan3A_17 : i32 to index
      %get3A_52 = arith.constant 64 : index
      %get3A_53 = tpu.vector_load %arg4[%get3A_51, %get3A_52] {strides = array<i32>} : memref<80x128xi32, #tpu.memory_space<vmem>>, vector<16xi32>,
      %shift_right_arithmetic3A_54 = arith.constant 7 : i32
      %shift_right_arithmetic3A_55 = vector.broadcast %shift_right_arithmetic3A_54 : i32 to vector<16xi32>
      %shift_right_arithmetic3A_56 = arith.shrsi %get3A_53, %shift_right_arithmetic3A_55 : vector<16xi32>
      %and3A_57 = arith.constant 127 : i32
      %and3A_58 = vector.broadcast %and3A_57 : i32 to vector<16xi32>
      %and3A_59 = arith.andi %get3A_53, %and3A_58 : vector<16xi32>
      tpu.vector_store_idx %arg5[%shift_right_arithmetic3A_56, %and3A_59], %broadcast_in_dim3A_8 {add = true} : memref<80x128xf32, #tpu.memory_space<vmem>>[vector<16xi32>, vector<16xi32>], vector<16xf32>,
      %get3A_60 = arith.index_cast %scan3A_17 : i32 to index
      %get3A_61 = arith.constant 80 : index
      %get3A_62 = tpu.vector_load %arg4[%get3A_60, %get3A_61] {strides = array<i32>} : memref<80x128xi32, #tpu.memory_space<vmem>>, vector<16xi32>,
      %shift_right_arithmetic3A_63 = arith.constant 7 : i32
      %shift_right_arithmetic3A_64 = vector.broadcast %shift_right_arithmetic3A_63 : i32 to vector<16xi32>
      %shift_right_arithmetic3A_65 = arith.shrsi %get3A_62, %shift_right_arithmetic3A_64 : vector<16xi32>
      %and3A_66 = arith.constant 127 : i32
      %and3A_67 = vector.broadcast %and3A_66 : i32 to vector<16xi32>
      %and3A_68 = arith.andi %get3A_62, %and3A_67 : vector<16xi32>
      tpu.vector_store_idx %arg5[%shift_right_arithmetic3A_65, %and3A_68], %broadcast_in_dim3A_8 {add = true} : memref<80x128xf32, #tpu.memory_space<vmem>>[vector<16xi32>, vector<16xi32>], vector<16xf32>,
      %get3A_69 = arith.index_cast %scan3A_17 : i32 to index
      %get3A_70 = arith.constant 96 : index
      %get3A_71 = tpu.vector_load %arg4[%get3A_69, %get3A_70] {strides = array<i32>} : memref<80x128xi32, #tpu.memory_space<vmem>>, vector<16xi32>,
      %shift_right_arithmetic3A_72 = arith.constant 7 : i32
      %shift_right_arithmetic3A_73 = vector.broadcast %shift_right_arithmetic3A_72 : i32 to vector<16xi32>
      %shift_right_arithmetic3A_74 = arith.shrsi %get3A_71, %shift_right_arithmetic3A_73 : vector<16xi32>
      %and3A_75 = arith.constant 127 : i32
      %and3A_76 = vector.broadcast %and3A_75 : i32 to vector<16xi32>
      %and3A_77 = arith.andi %get3A_71, %and3A_76 : vector<16xi32>
      tpu.vector_store_idx %arg5[%shift_right_arithmetic3A_74, %and3A_77], %broadcast_in_dim3A_8 {add = true} : memref<80x128xf32, #tpu.memory_space<vmem>>[vector<16xi32>, vector<16xi32>], vector<16xf32>,
      %get3A_78 = arith.index_cast %scan3A_17 : i32 to index
      %get3A_79 = arith.constant 112 : index
      %get3A_80 = tpu.vector_load %arg4[%get3A_78, %get3A_79] {strides = array<i32>} : memref<80x128xi32, #tpu.memory_space<vmem>>, vector<16xi32>,
      %shift_right_arithmetic3A_81 = arith.constant 7 : i32
      %shift_right_arithmetic3A_82 = vector.broadcast %shift_right_arithmetic3A_81 : i32 to vector<16xi32>
      %shift_right_arithmetic3A_83 = arith.shrsi %get3A_80, %shift_right_arithmetic3A_82 : vector<16xi32>
      %and3A_84 = arith.constant 127 : i32
      %and3A_85 = vector.broadcast %and3A_84 : i32 to vector<16xi32>
      %and3A_86 = arith.andi %get3A_80, %and3A_85 : vector<16xi32>
      tpu.vector_store_idx %arg5[%shift_right_arithmetic3A_83, %and3A_86], %broadcast_in_dim3A_8 {add = true} : memref<80x128xf32, #tpu.memory_space<vmem>>[vector<16xi32>, vector<16xi32>], vector<16xf32>,
    }
    %scan3A_14 = arith.constant 80 : i32
    "tpu.region"() ({
      %run_scoped3A = tpu.sem_alloc : memref<!tpu.dma_semaphore, #tpu.memory_space<semaphore_mem>>
      %dma_start3A = arith.constant 0 : i32
      %dma_start3A_17 = arith.constant 0 : i32
      %dma_start3A_18 = tpu.memref_slice %arg7[%arg1, %dma_start3A, %dma_start3A_17] : memref<16x80x128xf32, #tpu.memory_space<vmem_shared>> -> memref<1x80x128xf32, #tpu.memory_space<vmem_shared>>
      %dma_start3A_19 = tpu.memref_squeeze %dma_start3A_18 : memref<1x80x128xf32, #tpu.memory_space<vmem_shared>> -> memref<80x128xf32, #tpu.memory_space<vmem_shared>>
      %dma_start3A_20 = arith.constant 0 : i32
      %dma_start3A_21 = arith.constant 0 : i32
      %dma_start3A_22 = tpu.memref_slice %arg7[%arg1, %dma_start3A_20, %dma_start3A_21] : memref<16x80x128xf32, #tpu.memory_space<vmem_shared>> -> memref<1x80x128xf32, #tpu.memory_space<vmem_shared>>
      %dma_start3A_23 = tpu.memref_squeeze %dma_start3A_22 : memref<1x80x128xf32, #tpu.memory_space<vmem_shared>> -> memref<80x128xf32, #tpu.memory_space<vmem_shared>>
      tpu.enqueue_dma source(%arg5 : memref<80x128xf32, #tpu.memory_space<vmem>>) target(%dma_start3A_23 : memref<80x128xf32, #tpu.memory_space<vmem_shared>>) target_semaphore(%run_scoped3A : memref<!tpu.dma_semaphore, #tpu.memory_space<semaphore_mem>>)
      %dma_wait3A = arith.constant 0 : i32
      %dma_wait3A_24 = arith.constant 0 : i32
      %dma_wait3A_25 = tpu.memref_slice %arg7[%arg1, %dma_wait3A, %dma_wait3A_24] : memref<16x80x128xf32, #tpu.memory_space<vmem_shared>> -> memref<1x80x128xf32, #tpu.memory_space<vmem_shared>>
      %dma_wait3A_26 = tpu.memref_squeeze %dma_wait3A_25 : memref<1x80x128xf32, #tpu.memory_space<vmem_shared>> -> memref<80x128xf32, #tpu.memory_space<vmem_shared>>
      %dma_wait3A_27 = arith.constant 0 : i32
      %dma_wait3A_28 = arith.constant 0 : i32
      %dma_wait3A_29 = tpu.memref_slice %arg7[%arg1, %dma_wait3A_27, %dma_wait3A_28] : memref<16x80x128xf32, #tpu.memory_space<vmem_shared>> -> memref<1x80x128xf32, #tpu.memory_space<vmem_shared>>
      %dma_wait3A_30 = tpu.memref_squeeze %dma_wait3A_29 : memref<1x80x128xf32, #tpu.memory_space<vmem_shared>> -> memref<80x128xf32, #tpu.memory_space<vmem_shared>>
      tpu.wait_dma2 semaphore(%run_scoped3A : memref<!tpu.dma_semaphore, #tpu.memory_space<semaphore_mem>>) src(%arg5 : memref<80x128xf32, #tpu.memory_space<vmem>>) dst(%dma_wait3A_30 : memref<80x128xf32, #tpu.memory_space<vmem_shared>>)
      tpu.yield
    }) : () -> ()
    %barrier3A = arith.constant 0 : index
    tpu.barrier barrier_id(%barrier3A)
    %lt3A = arith.constant 10 : i32
    %lt3A_15 = arith.cmpi slt, %arg1, %lt3A : i32
    %convert_element_type3A = arith.extui %lt3A_15 : i1 to i32
    %cond3A = arith.constant 0 : i32
    %cond3A_16 = arith.cmpi ne, %convert_element_type3A, %cond3A : i32
    scf.if %cond3A_16 {
      %mul3A_17 = arith.constant 8 : i32
      %mul3A_18 = arith.muli %arg1, %mul3A_17 : i32
      %multiple_of3A = tpu.assume_multiple %mul3A_18, 8 : i32
      "tpu.region"() ({
        %run_scoped3A_25 = tpu.sem_alloc : memref<!tpu.dma_semaphore, #tpu.memory_space<semaphore_mem>>
        %dma_start3A = arith.constant 0 : i32
        %dma_start3A_26 = arith.constant 0 : i32
        %dma_start3A_27 = tpu.memref_slice %arg7[%dma_start3A, %multiple_of3A, %dma_start3A_26] : memref<16x80x128xf32, #tpu.memory_space<vmem_shared>> -> memref<16x8x128xf32, #tpu.memory_space<vmem_shared>>
        %dma_start3A_28 = arith.constant 0 : i32
        %dma_start3A_29 = arith.constant 0 : i32
        %dma_start3A_30 = tpu.memref_slice %arg7[%dma_start3A_28, %multiple_of3A, %dma_start3A_29] : memref<16x80x128xf32, #tpu.memory_space<vmem_shared>> -> memref<16x8x128xf32, #tpu.memory_space<vmem_shared>>
        tpu.enqueue_dma source(%dma_start3A_30 : memref<16x8x128xf32, #tpu.memory_space<vmem_shared>>) target(%arg6 : memref<16x8x128xf32, #tpu.memory_space<vmem>>) target_semaphore(%run_scoped3A_25 : memref<!tpu.dma_semaphore, #tpu.memory_space<semaphore_mem>>)
        %dma_wait3A = arith.constant 0 : i32
        %dma_wait3A_31 = arith.constant 0 : i32
        %dma_wait3A_32 = tpu.memref_slice %arg7[%dma_wait3A, %multiple_of3A, %dma_wait3A_31] : memref<16x80x128xf32, #tpu.memory_space<vmem_shared>> -> memref<16x8x128xf32, #tpu.memory_space<vmem_shared>>
        %dma_wait3A_33 = arith.constant 0 : i32
        %dma_wait3A_34 = arith.constant 0 : i32
        %dma_wait3A_35 = tpu.memref_slice %arg7[%dma_wait3A_33, %multiple_of3A, %dma_wait3A_34] : memref<16x80x128xf32, #tpu.memory_space<vmem_shared>> -> memref<16x8x128xf32, #tpu.memory_space<vmem_shared>>
        tpu.wait_dma2 semaphore(%run_scoped3A_25 : memref<!tpu.dma_semaphore, #tpu.memory_space<semaphore_mem>>) src(%dma_wait3A_35 : memref<16x8x128xf32, #tpu.memory_space<vmem_shared>>) dst(%arg6 : memref<16x8x128xf32, #tpu.memory_space<vmem>>)
        tpu.yield
      }) : () -> ()
      %scan3A_19 = arith.constant 0 : i32
      %scan3A_20 = arith.constant 0 : i32
      %scan3A_21 = arith.constant 64 : i32
      %scan3A_22 = arith.addi %scan3A_20, %scan3A_21 : i32
      %scan3A_23 = arith.constant 1 : i32
      scf.for %scan3A_25 = %scan3A_20 to %scan3A_22 step %scan3A_23  : i32 {
        %jit3A = arith.constant 8 : i32
        %div3A = arith.divsi %scan3A_25, %jit3A : i32
        %sign3A = arith.constant 0 : i32
        %sign3A_26 = arith.cmpi sgt, %scan3A_25, %sign3A : i32
        %sign3A_27 = arith.extui %sign3A_26 : i1 to i32
        %sign3A_28 = arith.constant 0 : i32
        %sign3A_29 = arith.cmpi slt, %scan3A_25, %sign3A_28 : i32
        %sign3A_30 = arith.extui %sign3A_29 : i1 to i32
        %sign3A_31 = arith.subi %sign3A_27, %sign3A_30 : i32
        %sign3A_32 = arith.constant 0 : i32
        %sign3A_33 = arith.cmpi sgt, %jit3A, %sign3A_32 : i32
        %sign3A_34 = arith.extui %sign3A_33 : i1 to i32
        %sign3A_35 = arith.constant 0 : i32
        %sign3A_36 = arith.cmpi slt, %jit3A, %sign3A_35 : i32
        %sign3A_37 = arith.extui %sign3A_36 : i1 to i32
        %sign3A_38 = arith.subi %sign3A_34, %sign3A_37 : i32
        %ne3A = arith.cmpi ne, %sign3A_31, %sign3A_38 : i32
        %rem3A = arith.remsi %scan3A_25, %jit3A : i32
        %ne3A_39 = arith.constant 0 : i32
        %ne3A_40 = arith.cmpi ne, %rem3A, %ne3A_39 : i32
        %and3A = arith.andi %ne3A, %ne3A_40 : i1
        %sub3A = arith.constant 1 : i32
        %sub3A_41 = arith.subi %div3A, %sub3A : i32
        %select_n3A = arith.select %and3A, %sub3A_41, %div3A : i32
        %jit3A_42 = arith.constant 8 : i32
        %eq3A = arith.constant 0 : i32
        %eq3A_43 = arith.cmpi eq, %jit3A_42, %eq3A : i32
        %jit3A_44 = arith.constant 1 : i32
        %select_n3A_45 = arith.select %eq3A_43, %jit3A_44, %jit3A_42 : i32
        %rem3A_46 = arith.remsi %scan3A_25, %select_n3A_45 : i32
        %ne3A_47 = arith.constant 0 : i32
        %ne3A_48 = arith.cmpi ne, %rem3A_46, %ne3A_47 : i32
        %lt3A_49 = arith.constant 0 : i32
        %lt3A_50 = arith.cmpi slt, %rem3A_46, %lt3A_49 : i32
        %lt3A_51 = arith.constant 0 : i32
        %lt3A_52 = arith.cmpi slt, %select_n3A_45, %lt3A_51 : i32
        %ne3A_53 = arith.xori %lt3A_50, %lt3A_52 : i1
        %and3A_54 = arith.andi %ne3A_53, %ne3A_48 : i1
        %add3A_55 = arith.addi %rem3A_46, %select_n3A_45 : i32
        %select_n3A_56 = arith.select %and3A_54, %add3A_55, %rem3A_46 : i32
        %mul3A_57 = arith.constant 16 : i32
        %mul3A_58 = arith.muli %select_n3A_56, %mul3A_57 : i32
        %get3A = arith.constant 0 : i32
        %get3A_59 = arith.index_cast %get3A : i32 to index
        %get3A_60 = arith.index_cast %select_n3A : i32 to index
        %get3A_61 = arith.index_cast %mul3A_58 : i32 to index
        %get3A_62 = tpu.vector_load %arg6[%get3A_59, %get3A_60, %get3A_61] {strides = array<i32>} : memref<16x8x128xf32, #tpu.memory_space<vmem>>, vector<16xf32>,
        %get3A_63 = arith.constant 1 : i32
        %get3A_64 = arith.index_cast %get3A_63 : i32 to index
        %get3A_65 = arith.index_cast %select_n3A : i32 to index
        %get3A_66 = arith.index_cast %mul3A_58 : i32 to index
        %get3A_67 = tpu.vector_load %arg6[%get3A_64, %get3A_65, %get3A_66] {strides = array<i32>} : memref<16x8x128xf32, #tpu.memory_space<vmem>>, vector<16xf32>,
        %add3A_68 = arith.addf %get3A_62, %get3A_67 : vector<16xf32>
        %get3A_69 = arith.constant 2 : i32
        %get3A_70 = arith.index_cast %get3A_69 : i32 to index
        %get3A_71 = arith.index_cast %select_n3A : i32 to index
        %get3A_72 = arith.index_cast %mul3A_58 : i32 to index
        %get3A_73 = tpu.vector_load %arg6[%get3A_70, %get3A_71, %get3A_72] {strides = array<i32>} : memref<16x8x128xf32, #tpu.memory_space<vmem>>, vector<16xf32>,
        %add3A_74 = arith.addf %add3A_68, %get3A_73 : vector<16xf32>
        %get3A_75 = arith.constant 3 : i32
        %get3A_76 = arith.index_cast %get3A_75 : i32 to index
        %get3A_77 = arith.index_cast %select_n3A : i32 to index
        %get3A_78 = arith.index_cast %mul3A_58 : i32 to index
        %get3A_79 = tpu.vector_load %arg6[%get3A_76, %get3A_77, %get3A_78] {strides = array<i32>} : memref<16x8x128xf32, #tpu.memory_space<vmem>>, vector<16xf32>,
        %add3A_80 = arith.addf %add3A_74, %get3A_79 : vector<16xf32>
        %get3A_81 = arith.constant 4 : i32
        %get3A_82 = arith.index_cast %get3A_81 : i32 to index
        %get3A_83 = arith.index_cast %select_n3A : i32 to index
        %get3A_84 = arith.index_cast %mul3A_58 : i32 to index
        %get3A_85 = tpu.vector_load %arg6[%get3A_82, %get3A_83, %get3A_84] {strides = array<i32>} : memref<16x8x128xf32, #tpu.memory_space<vmem>>, vector<16xf32>,
        %add3A_86 = arith.addf %add3A_80, %get3A_85 : vector<16xf32>
        %get3A_87 = arith.constant 5 : i32
        %get3A_88 = arith.index_cast %get3A_87 : i32 to index
        %get3A_89 = arith.index_cast %select_n3A : i32 to index
        %get3A_90 = arith.index_cast %mul3A_58 : i32 to index
        %get3A_91 = tpu.vector_load %arg6[%get3A_88, %get3A_89, %get3A_90] {strides = array<i32>} : memref<16x8x128xf32, #tpu.memory_space<vmem>>, vector<16xf32>,
        %add3A_92 = arith.addf %add3A_86, %get3A_91 : vector<16xf32>
        %get3A_93 = arith.constant 6 : i32
        %get3A_94 = arith.index_cast %get3A_93 : i32 to index
        %get3A_95 = arith.index_cast %select_n3A : i32 to index
        %get3A_96 = arith.index_cast %mul3A_58 : i32 to index
        %get3A_97 = tpu.vector_load %arg6[%get3A_94, %get3A_95, %get3A_96] {strides = array<i32>} : memref<16x8x128xf32, #tpu.memory_space<vmem>>, vector<16xf32>,
        %add3A_98 = arith.addf %add3A_92, %get3A_97 : vector<16xf32>
        %get3A_99 = arith.constant 7 : i32
        %get3A_100 = arith.index_cast %get3A_99 : i32 to index
        %get3A_101 = arith.index_cast %select_n3A : i32 to index
        %get3A_102 = arith.index_cast %mul3A_58 : i32 to index
        %get3A_103 = tpu.vector_load %arg6[%get3A_100, %get3A_101, %get3A_102] {strides = array<i32>} : memref<16x8x128xf32, #tpu.memory_space<vmem>>, vector<16xf32>,
        %add3A_104 = arith.addf %add3A_98, %get3A_103 : vector<16xf32>
        %get3A_105 = arith.constant 8 : i32
        %get3A_106 = arith.index_cast %get3A_105 : i32 to index
        %get3A_107 = arith.index_cast %select_n3A : i32 to index
        %get3A_108 = arith.index_cast %mul3A_58 : i32 to index
        %get3A_109 = tpu.vector_load %arg6[%get3A_106, %get3A_107, %get3A_108] {strides = array<i32>} : memref<16x8x128xf32, #tpu.memory_space<vmem>>, vector<16xf32>,
        %add3A_110 = arith.addf %add3A_104, %get3A_109 : vector<16xf32>
        %get3A_111 = arith.constant 9 : i32
        %get3A_112 = arith.index_cast %get3A_111 : i32 to index
        %get3A_113 = arith.index_cast %select_n3A : i32 to index
        %get3A_114 = arith.index_cast %mul3A_58 : i32 to index
        %get3A_115 = tpu.vector_load %arg6[%get3A_112, %get3A_113, %get3A_114] {strides = array<i32>} : memref<16x8x128xf32, #tpu.memory_space<vmem>>, vector<16xf32>,
        %add3A_116 = arith.addf %add3A_110, %get3A_115 : vector<16xf32>
        %get3A_117 = arith.constant 10 : i32
        %get3A_118 = arith.index_cast %get3A_117 : i32 to index
        %get3A_119 = arith.index_cast %select_n3A : i32 to index
        %get3A_120 = arith.index_cast %mul3A_58 : i32 to index
        %get3A_121 = tpu.vector_load %arg6[%get3A_118, %get3A_119, %get3A_120] {strides = array<i32>} : memref<16x8x128xf32, #tpu.memory_space<vmem>>, vector<16xf32>,
        %add3A_122 = arith.addf %add3A_116, %get3A_121 : vector<16xf32>
        %get3A_123 = arith.constant 11 : i32
        %get3A_124 = arith.index_cast %get3A_123 : i32 to index
        %get3A_125 = arith.index_cast %select_n3A : i32 to index
        %get3A_126 = arith.index_cast %mul3A_58 : i32 to index
        %get3A_127 = tpu.vector_load %arg6[%get3A_124, %get3A_125, %get3A_126] {strides = array<i32>} : memref<16x8x128xf32, #tpu.memory_space<vmem>>, vector<16xf32>,
        %add3A_128 = arith.addf %add3A_122, %get3A_127 : vector<16xf32>
        %get3A_129 = arith.constant 12 : i32
        %get3A_130 = arith.index_cast %get3A_129 : i32 to index
        %get3A_131 = arith.index_cast %select_n3A : i32 to index
        %get3A_132 = arith.index_cast %mul3A_58 : i32 to index
        %get3A_133 = tpu.vector_load %arg6[%get3A_130, %get3A_131, %get3A_132] {strides = array<i32>} : memref<16x8x128xf32, #tpu.memory_space<vmem>>, vector<16xf32>,
        %add3A_134 = arith.addf %add3A_128, %get3A_133 : vector<16xf32>
        %get3A_135 = arith.constant 13 : i32
        %get3A_136 = arith.index_cast %get3A_135 : i32 to index
        %get3A_137 = arith.index_cast %select_n3A : i32 to index
        %get3A_138 = arith.index_cast %mul3A_58 : i32 to index
        %get3A_139 = tpu.vector_load %arg6[%get3A_136, %get3A_137, %get3A_138] {strides = array<i32>} : memref<16x8x128xf32, #tpu.memory_space<vmem>>, vector<16xf32>,
        %add3A_140 = arith.addf %add3A_134, %get3A_139 : vector<16xf32>
        %get3A_141 = arith.constant 14 : i32
        %get3A_142 = arith.index_cast %get3A_141 : i32 to index
        %get3A_143 = arith.index_cast %select_n3A : i32 to index
        %get3A_144 = arith.index_cast %mul3A_58 : i32 to index
        %get3A_145 = tpu.vector_load %arg6[%get3A_142, %get3A_143, %get3A_144] {strides = array<i32>} : memref<16x8x128xf32, #tpu.memory_space<vmem>>, vector<16xf32>,
        %add3A_146 = arith.addf %add3A_140, %get3A_145 : vector<16xf32>
        %get3A_147 = arith.constant 15 : i32
        %get3A_148 = arith.index_cast %get3A_147 : i32 to index
        %get3A_149 = arith.index_cast %select_n3A : i32 to index
        %get3A_150 = arith.index_cast %mul3A_58 : i32 to index
        %get3A_151 = tpu.vector_load %arg6[%get3A_148, %get3A_149, %get3A_150] {strides = array<i32>} : memref<16x8x128xf32, #tpu.memory_space<vmem>>, vector<16xf32>,
        %add3A_152 = arith.addf %add3A_146, %get3A_151 : vector<16xf32>
        %swap3A = arith.constant 0 : i32
        %swap3A_153 = arith.index_cast %swap3A : i32 to index
        %swap3A_154 = arith.index_cast %select_n3A : i32 to index
        %swap3A_155 = arith.index_cast %mul3A_58 : i32 to index
        %swap3A_156 = tpu.vector_load %arg6[%swap3A_153, %swap3A_154, %swap3A_155] {strides = array<i32>} : memref<16x8x128xf32, #tpu.memory_space<vmem>>, vector<16xf32>,
        tpu.vector_store %arg6[%swap3A_153, %swap3A_154, %swap3A_155], %add3A_152 {strides = array<i32>} : memref<16x8x128xf32, #tpu.memory_space<vmem>>, vector<16xf32>,
      }
      %scan3A_24 = arith.constant 64 : i32
      %run_scoped3A = arith.constant 0 : i32
      "tpu.region"() ({
        %run_scoped3A_25 = tpu.sem_alloc : memref<!tpu.dma_semaphore, #tpu.memory_space<semaphore_mem>>
        %dma_start3A = arith.constant 0 : i32
        %dma_start3A_26 = arith.constant 0 : i32
        %dma_start3A_27 = tpu.memref_slice %arg6[%run_scoped3A, %dma_start3A, %dma_start3A_26] : memref<16x8x128xf32, #tpu.memory_space<vmem>> -> memref<1x8x128xf32, #tpu.memory_space<vmem>>
        %dma_start3A_28 = tpu.memref_squeeze %dma_start3A_27 : memref<1x8x128xf32, #tpu.memory_space<vmem>> -> memref<8x128xf32, #tpu.memory_space<vmem>>
        %dma_start3A_29 = arith.constant 0 : i32
        %dma_start3A_30 = tpu.memref_slice %arg3[%arg0, %multiple_of3A, %dma_start3A_29] : memref<2x80x128xf32, #tpu.memory_space<hbm>> -> memref<1x8x128xf32, #tpu.memory_space<hbm>>
        %dma_start3A_31 = tpu.memref_squeeze %dma_start3A_30 : memref<1x8x128xf32, #tpu.memory_space<hbm>> -> memref<8x128xf32, #tpu.memory_space<hbm>>
        %dma_start3A_32 = arith.constant 0 : i32
        %dma_start3A_33 = tpu.memref_slice %arg3[%arg0, %multiple_of3A, %dma_start3A_32] : memref<2x80x128xf32, #tpu.memory_space<hbm>> -> memref<1x8x128xf32, #tpu.memory_space<hbm>>
        %dma_start3A_34 = tpu.memref_squeeze %dma_start3A_33 : memref<1x8x128xf32, #tpu.memory_space<hbm>> -> memref<8x128xf32, #tpu.memory_space<hbm>>
        %dma_start3A_35 = arith.constant 0 : i32
        %dma_start3A_36 = arith.constant 0 : i32
        %dma_start3A_37 = tpu.memref_slice %arg6[%run_scoped3A, %dma_start3A_35, %dma_start3A_36] : memref<16x8x128xf32, #tpu.memory_space<vmem>> -> memref<1x8x128xf32, #tpu.memory_space<vmem>>
        %dma_start3A_38 = tpu.memref_squeeze %dma_start3A_37 : memref<1x8x128xf32, #tpu.memory_space<vmem>> -> memref<8x128xf32, #tpu.memory_space<vmem>>
        tpu.enqueue_dma source(%dma_start3A_38 : memref<8x128xf32, #tpu.memory_space<vmem>>) target(%dma_start3A_34 : memref<8x128xf32, #tpu.memory_space<hbm>>) target_semaphore(%run_scoped3A_25 : memref<!tpu.dma_semaphore, #tpu.memory_space<semaphore_mem>>)
        %dma_wait3A = arith.constant 0 : i32
        %dma_wait3A_39 = arith.constant 0 : i32
        %dma_wait3A_40 = tpu.memref_slice %arg6[%run_scoped3A, %dma_wait3A, %dma_wait3A_39] : memref<16x8x128xf32, #tpu.memory_space<vmem>> -> memref<1x8x128xf32, #tpu.memory_space<vmem>>
        %dma_wait3A_41 = tpu.memref_squeeze %dma_wait3A_40 : memref<1x8x128xf32, #tpu.memory_space<vmem>> -> memref<8x128xf32, #tpu.memory_space<vmem>>
        %dma_wait3A_42 = arith.constant 0 : i32
        %dma_wait3A_43 = tpu.memref_slice %arg3[%arg0, %multiple_of3A, %dma_wait3A_42] : memref<2x80x128xf32, #tpu.memory_space<hbm>> -> memref<1x8x128xf32, #tpu.memory_space<hbm>>
        %dma_wait3A_44 = tpu.memref_squeeze %dma_wait3A_43 : memref<1x8x128xf32, #tpu.memory_space<hbm>> -> memref<8x128xf32, #tpu.memory_space<hbm>>
        %dma_wait3A_45 = arith.constant 0 : i32
        %dma_wait3A_46 = tpu.memref_slice %arg3[%arg0, %multiple_of3A, %dma_wait3A_45] : memref<2x80x128xf32, #tpu.memory_space<hbm>> -> memref<1x8x128xf32, #tpu.memory_space<hbm>>
        %dma_wait3A_47 = tpu.memref_squeeze %dma_wait3A_46 : memref<1x8x128xf32, #tpu.memory_space<hbm>> -> memref<8x128xf32, #tpu.memory_space<hbm>>
        %dma_wait3A_48 = arith.constant 0 : i32
        %dma_wait3A_49 = arith.constant 0 : i32
        %dma_wait3A_50 = tpu.memref_slice %arg6[%run_scoped3A, %dma_wait3A_48, %dma_wait3A_49] : memref<16x8x128xf32, #tpu.memory_space<vmem>> -> memref<1x8x128xf32, #tpu.memory_space<vmem>>
        %dma_wait3A_51 = tpu.memref_squeeze %dma_wait3A_50 : memref<1x8x128xf32, #tpu.memory_space<vmem>> -> memref<8x128xf32, #tpu.memory_space<vmem>>
        tpu.wait_dma2 semaphore(%run_scoped3A_25 : memref<!tpu.dma_semaphore, #tpu.memory_space<semaphore_mem>>) src(%dma_wait3A_51 : memref<8x128xf32, #tpu.memory_space<vmem>>) dst(%dma_wait3A_47 : memref<8x128xf32, #tpu.memory_space<hbm>>)
        tpu.yield
      }) : () -> ()
    } else {
    }
    return
  }
}

#map = affine_map<(d0, d1) -> (0, 0)>
#map1 = affine_map<(d0, d1) -> (0, 0, 0)>
module attributes {stable_mosaic.version = 14 : i64} {
  func.func @_sc_scatter(%arg0: i32, %arg1: i32, %arg2: memref<10000x128xf32, #tpu.memory_space<hbm>>, %arg3: memref<2x2560x125xi32, #tpu.memory_space<hbm>>, %arg4: memref<10240x128xf32, #tpu.memory_space<hbm>>, %arg5: memref<2x10240x128xf32, #tpu.memory_space<hbm>>, %arg6: memref<48x125xi32, #tpu.memory_space<vmem>>, %arg7: memref<48x125xi32, #tpu.memory_space<vmem>>, %arg8: memref<125x128xf32, #tpu.memory_space<vmem>>, %arg9: memref<125x128xf32, #tpu.memory_space<vmem>>, %arg10: memref<10240x128xf32, #tpu.memory_space<vmem_shared>>, %arg11: memref<!tpu.dma_semaphore, #tpu.memory_space<semaphore_mem>>, %arg12: memref<!tpu.dma_semaphore, #tpu.memory_space<semaphore_mem>>, %arg13: memref<!tpu.dma_semaphore, #tpu.memory_space<semaphore_mem>>) attributes {dimension_semantics = [#tpu.dimension_semantics<core_parallel>, #tpu.dimension_semantics<subcore_parallel>], iteration_bounds = array<i64: 2, 16>, scalar_prefetch = 0 : i64, scratch_operands = 8 : i64, tpu.core_type = #tpu.core_type<sc_vector_subcore>, window_params = [{transform_indices = #map}, {transform_indices = #map1}, {transform_indices = #map}, {transform_indices = #map1}]} {
    %mul3A = arith.constant 640 : i32
    %mul3A_0 = arith.muli %arg1, %mul3A : i32
    %multiple_of3A = tpu.assume_multiple %mul3A_0, 8 : i32
    %mul3A_1 = arith.constant 2 : i32
    %mul3A_2 = arith.muli %arg1, %mul3A_1 : i32
    %add3A = arith.addi %mul3A_2, %arg0 : i32
    %mul3A_3 = arith.constant 80 : i32
    %mul3A_4 = arith.muli %add3A, %mul3A_3 : i32
    %multiple_of3A_5 = tpu.assume_multiple %mul3A_4, 8 : i32
    %dma_start3A = arith.constant 0 : i32
    %dma_start3A_6 = tpu.memref_slice %arg10[%multiple_of3A, %dma_start3A] : memref<10240x128xf32, #tpu.memory_space<vmem_shared>> -> memref<640x128xf32, #tpu.memory_space<vmem_shared>>
    %dma_start3A_7 = arith.constant 0 : i32
    %dma_start3A_8 = tpu.memref_slice %arg4[%multiple_of3A, %dma_start3A_7] : memref<10240x128xf32, #tpu.memory_space<hbm>> -> memref<640x128xf32, #tpu.memory_space<hbm>>
    tpu.enqueue_dma source(%dma_start3A_8 : memref<640x128xf32, #tpu.memory_space<hbm>>) target(%dma_start3A_6 : memref<640x128xf32, #tpu.memory_space<vmem_shared>>) target_semaphore(%arg12 : memref<!tpu.dma_semaphore, #tpu.memory_space<semaphore_mem>>)
    %dma_start3A_9 = arith.constant 0 : i32
    %dma_start3A_10 = arith.constant 0 : i32
    %dma_start3A_11 = arith.constant 0 : i32
    %dma_start3A_12 = tpu.memref_slice %arg6[%dma_start3A_10, %dma_start3A_11] : memref<48x125xi32, #tpu.memory_space<vmem>> -> memref<32x125xi32, #tpu.memory_space<vmem>>
    %dma_start3A_13 = arith.constant 0 : i32
    %dma_start3A_14 = tpu.memref_slice %arg3[%dma_start3A_9, %multiple_of3A_5, %dma_start3A_13] : memref<2x2560x125xi32, #tpu.memory_space<hbm>> -> memref<1x32x125xi32, #tpu.memory_space<hbm>>
    %dma_start3A_15 = tpu.memref_squeeze %dma_start3A_14 : memref<1x32x125xi32, #tpu.memory_space<hbm>> -> memref<32x125xi32, #tpu.memory_space<hbm>>
    %dma_start3A_16 = arith.constant 0 : i32
    %dma_start3A_17 = arith.constant 0 : i32
    %dma_start3A_18 = tpu.memref_slice %arg6[%dma_start3A_16, %dma_start3A_17] : memref<48x125xi32, #tpu.memory_space<vmem>> -> memref<32x125xi32, #tpu.memory_space<vmem>>
    %dma_start3A_19 = arith.constant 0 : i32
    %dma_start3A_20 = tpu.memref_slice %arg3[%dma_start3A_9, %multiple_of3A_5, %dma_start3A_19] : memref<2x2560x125xi32, #tpu.memory_space<hbm>> -> memref<1x32x125xi32, #tpu.memory_space<hbm>>
    %dma_start3A_21 = tpu.memref_squeeze %dma_start3A_20 : memref<1x32x125xi32, #tpu.memory_space<hbm>> -> memref<32x125xi32, #tpu.memory_space<hbm>>
    tpu.enqueue_dma source(%dma_start3A_21 : memref<32x125xi32, #tpu.memory_space<hbm>>) target(%dma_start3A_18 : memref<32x125xi32, #tpu.memory_space<vmem>>) target_semaphore(%arg11 : memref<!tpu.dma_semaphore, #tpu.memory_space<semaphore_mem>>)
    %dma_start3A_22 = arith.constant 1 : i32
    %dma_start3A_23 = arith.constant 0 : i32
    %dma_start3A_24 = arith.constant 0 : i32
    %dma_start3A_25 = tpu.memref_slice %arg7[%dma_start3A_23, %dma_start3A_24] : memref<48x125xi32, #tpu.memory_space<vmem>> -> memref<32x125xi32, #tpu.memory_space<vmem>>
    %dma_start3A_26 = arith.constant 0 : i32
    %dma_start3A_27 = tpu.memref_slice %arg3[%dma_start3A_22, %multiple_of3A_5, %dma_start3A_26] : memref<2x2560x125xi32, #tpu.memory_space<hbm>> -> memref<1x32x125xi32, #tpu.memory_space<hbm>>
    %dma_start3A_28 = tpu.memref_squeeze %dma_start3A_27 : memref<1x32x125xi32, #tpu.memory_space<hbm>> -> memref<32x125xi32, #tpu.memory_space<hbm>>
    %dma_start3A_29 = arith.constant 0 : i32
    %dma_start3A_30 = arith.constant 0 : i32
    %dma_start3A_31 = tpu.memref_slice %arg7[%dma_start3A_29, %dma_start3A_30] : memref<48x125xi32, #tpu.memory_space<vmem>> -> memref<32x125xi32, #tpu.memory_space<vmem>>
    %dma_start3A_32 = arith.constant 0 : i32
    %dma_start3A_33 = tpu.memref_slice %arg3[%dma_start3A_22, %multiple_of3A_5, %dma_start3A_32] : memref<2x2560x125xi32, #tpu.memory_space<hbm>> -> memref<1x32x125xi32, #tpu.memory_space<hbm>>
    %dma_start3A_34 = tpu.memref_squeeze %dma_start3A_33 : memref<1x32x125xi32, #tpu.memory_space<hbm>> -> memref<32x125xi32, #tpu.memory_space<hbm>>
    tpu.enqueue_dma source(%dma_start3A_34 : memref<32x125xi32, #tpu.memory_space<hbm>>) target(%dma_start3A_31 : memref<32x125xi32, #tpu.memory_space<vmem>>) target_semaphore(%arg11 : memref<!tpu.dma_semaphore, #tpu.memory_space<semaphore_mem>>)
    %add3A_35 = arith.constant 32 : i32
    %add3A_36 = arith.addi %multiple_of3A_5, %add3A_35 : i32
    %dma_start3A_37 = arith.constant 0 : i32
    %dma_start3A_38 = arith.constant 32 : i32
    %dma_start3A_39 = arith.constant 0 : i32
    %dma_start3A_40 = tpu.memref_slice %arg6[%dma_start3A_38, %dma_start3A_39] : memref<48x125xi32, #tpu.memory_space<vmem>> -> memref<16x125xi32, #tpu.memory_space<vmem>>
    %dma_start3A_41 = arith.constant 0 : i32
    %dma_start3A_42 = tpu.memref_slice %arg3[%dma_start3A_37, %add3A_36, %dma_start3A_41] : memref<2x2560x125xi32, #tpu.memory_space<hbm>> -> memref<1x16x125xi32, #tpu.memory_space<hbm>>
    %dma_start3A_43 = tpu.memref_squeeze %dma_start3A_42 : memref<1x16x125xi32, #tpu.memory_space<hbm>> -> memref<16x125xi32, #tpu.memory_space<hbm>>
    %dma_start3A_44 = arith.constant 32 : i32
    %dma_start3A_45 = arith.constant 0 : i32
    %dma_start3A_46 = tpu.memref_slice %arg6[%dma_start3A_44, %dma_start3A_45] : memref<48x125xi32, #tpu.memory_space<vmem>> -> memref<16x125xi32, #tpu.memory_space<vmem>>
    %dma_start3A_47 = arith.constant 0 : i32
    %dma_start3A_48 = tpu.memref_slice %arg3[%dma_start3A_37, %add3A_36, %dma_start3A_47] : memref<2x2560x125xi32, #tpu.memory_space<hbm>> -> memref<1x16x125xi32, #tpu.memory_space<hbm>>
    %dma_start3A_49 = tpu.memref_squeeze %dma_start3A_48 : memref<1x16x125xi32, #tpu.memory_space<hbm>> -> memref<16x125xi32, #tpu.memory_space<hbm>>
    tpu.enqueue_dma source(%dma_start3A_49 : memref<16x125xi32, #tpu.memory_space<hbm>>) target(%dma_start3A_46 : memref<16x125xi32, #tpu.memory_space<vmem>>) target_semaphore(%arg13 : memref<!tpu.dma_semaphore, #tpu.memory_space<semaphore_mem>>)
    %add3A_50 = arith.constant 32 : i32
    %add3A_51 = arith.addi %multiple_of3A_5, %add3A_50 : i32
    %dma_start3A_52 = arith.constant 1 : i32
    %dma_start3A_53 = arith.constant 32 : i32
    %dma_start3A_54 = arith.constant 0 : i32
    %dma_start3A_55 = tpu.memref_slice %arg7[%dma_start3A_53, %dma_start3A_54] : memref<48x125xi32, #tpu.memory_space<vmem>> -> memref<16x125xi32, #tpu.memory_space<vmem>>
    %dma_start3A_56 = arith.constant 0 : i32
    %dma_start3A_57 = tpu.memref_slice %arg3[%dma_start3A_52, %add3A_51, %dma_start3A_56] : memref<2x2560x125xi32, #tpu.memory_space<hbm>> -> memref<1x16x125xi32, #tpu.memory_space<hbm>>
    %dma_start3A_58 = tpu.memref_squeeze %dma_start3A_57 : memref<1x16x125xi32, #tpu.memory_space<hbm>> -> memref<16x125xi32, #tpu.memory_space<hbm>>
    %dma_start3A_59 = arith.constant 32 : i32
    %dma_start3A_60 = arith.constant 0 : i32
    %dma_start3A_61 = tpu.memref_slice %arg7[%dma_start3A_59, %dma_start3A_60] : memref<48x125xi32, #tpu.memory_space<vmem>> -> memref<16x125xi32, #tpu.memory_space<vmem>>
    %dma_start3A_62 = arith.constant 0 : i32
    %dma_start3A_63 = tpu.memref_slice %arg3[%dma_start3A_52, %add3A_51, %dma_start3A_62] : memref<2x2560x125xi32, #tpu.memory_space<hbm>> -> memref<1x16x125xi32, #tpu.memory_space<hbm>>
    %dma_start3A_64 = tpu.memref_squeeze %dma_start3A_63 : memref<1x16x125xi32, #tpu.memory_space<hbm>> -> memref<16x125xi32, #tpu.memory_space<hbm>>
    tpu.enqueue_dma source(%dma_start3A_64 : memref<16x125xi32, #tpu.memory_space<hbm>>) target(%dma_start3A_61 : memref<16x125xi32, #tpu.memory_space<vmem>>) target_semaphore(%arg13 : memref<!tpu.dma_semaphore, #tpu.memory_space<semaphore_mem>>)
    %dma_wait3A = arith.constant 0 : i32
    %dma_wait3A_65 = arith.constant 0 : i32
    %dma_wait3A_66 = arith.constant 0 : i32
    %dma_wait3A_67 = tpu.memref_slice %arg6[%dma_wait3A_65, %dma_wait3A_66] : memref<48x125xi32, #tpu.memory_space<vmem>> -> memref<32x125xi32, #tpu.memory_space<vmem>>
    %dma_wait3A_68 = arith.constant 0 : i32
    %dma_wait3A_69 = tpu.memref_slice %arg3[%dma_wait3A, %multiple_of3A_5, %dma_wait3A_68] : memref<2x2560x125xi32, #tpu.memory_space<hbm>> -> memref<1x32x125xi32, #tpu.memory_space<hbm>>
    %dma_wait3A_70 = tpu.memref_squeeze %dma_wait3A_69 : memref<1x32x125xi32, #tpu.memory_space<hbm>> -> memref<32x125xi32, #tpu.memory_space<hbm>>
    %dma_wait3A_71 = arith.constant 0 : i32
    %dma_wait3A_72 = arith.constant 0 : i32
    %dma_wait3A_73 = tpu.memref_slice %arg6[%dma_wait3A_71, %dma_wait3A_72] : memref<48x125xi32, #tpu.memory_space<vmem>> -> memref<32x125xi32, #tpu.memory_space<vmem>>
    %dma_wait3A_74 = arith.constant 0 : i32
    %dma_wait3A_75 = tpu.memref_slice %arg3[%dma_wait3A, %multiple_of3A_5, %dma_wait3A_74] : memref<2x2560x125xi32, #tpu.memory_space<hbm>> -> memref<1x32x125xi32, #tpu.memory_space<hbm>>
    %dma_wait3A_76 = tpu.memref_squeeze %dma_wait3A_75 : memref<1x32x125xi32, #tpu.memory_space<hbm>> -> memref<32x125xi32, #tpu.memory_space<hbm>>
    tpu.wait_dma2 semaphore(%arg11 : memref<!tpu.dma_semaphore, #tpu.memory_space<semaphore_mem>>) src(%dma_wait3A_76 : memref<32x125xi32, #tpu.memory_space<hbm>>) dst(%dma_wait3A_73 : memref<32x125xi32, #tpu.memory_space<vmem>>)
    %dma_wait3A_77 = arith.constant 1 : i32
    %dma_wait3A_78 = arith.constant 0 : i32
    %dma_wait3A_79 = arith.constant 0 : i32
    %dma_wait3A_80 = tpu.memref_slice %arg7[%dma_wait3A_78, %dma_wait3A_79] : memref<48x125xi32, #tpu.memory_space<vmem>> -> memref<32x125xi32, #tpu.memory_space<vmem>>
    %dma_wait3A_81 = arith.constant 0 : i32
    %dma_wait3A_82 = tpu.memref_slice %arg3[%dma_wait3A_77, %multiple_of3A_5, %dma_wait3A_81] : memref<2x2560x125xi32, #tpu.memory_space<hbm>> -> memref<1x32x125xi32, #tpu.memory_space<hbm>>
    %dma_wait3A_83 = tpu.memref_squeeze %dma_wait3A_82 : memref<1x32x125xi32, #tpu.memory_space<hbm>> -> memref<32x125xi32, #tpu.memory_space<hbm>>
    %dma_wait3A_84 = arith.constant 0 : i32
    %dma_wait3A_85 = arith.constant 0 : i32
    %dma_wait3A_86 = tpu.memref_slice %arg7[%dma_wait3A_84, %dma_wait3A_85] : memref<48x125xi32, #tpu.memory_space<vmem>> -> memref<32x125xi32, #tpu.memory_space<vmem>>
    %dma_wait3A_87 = arith.constant 0 : i32
    %dma_wait3A_88 = tpu.memref_slice %arg3[%dma_wait3A_77, %multiple_of3A_5, %dma_wait3A_87] : memref<2x2560x125xi32, #tpu.memory_space<hbm>> -> memref<1x32x125xi32, #tpu.memory_space<hbm>>
    %dma_wait3A_89 = tpu.memref_squeeze %dma_wait3A_88 : memref<1x32x125xi32, #tpu.memory_space<hbm>> -> memref<32x125xi32, #tpu.memory_space<hbm>>
    tpu.wait_dma2 semaphore(%arg11 : memref<!tpu.dma_semaphore, #tpu.memory_space<semaphore_mem>>) src(%dma_wait3A_89 : memref<32x125xi32, #tpu.memory_space<hbm>>) dst(%dma_wait3A_86 : memref<32x125xi32, #tpu.memory_space<vmem>>)
    %dma_wait3A_90 = arith.constant 0 : i32
    %dma_wait3A_91 = tpu.memref_slice %arg10[%multiple_of3A, %dma_wait3A_90] : memref<10240x128xf32, #tpu.memory_space<vmem_shared>> -> memref<640x128xf32, #tpu.memory_space<vmem_shared>>
    %dma_wait3A_92 = arith.constant 0 : i32
    %dma_wait3A_93 = tpu.memref_slice %arg4[%multiple_of3A, %dma_wait3A_92] : memref<10240x128xf32, #tpu.memory_space<hbm>> -> memref<640x128xf32, #tpu.memory_space<hbm>>
    tpu.wait_dma2 semaphore(%arg12 : memref<!tpu.dma_semaphore, #tpu.memory_space<semaphore_mem>>) src(%dma_wait3A_93 : memref<640x128xf32, #tpu.memory_space<hbm>>) dst(%dma_wait3A_91 : memref<640x128xf32, #tpu.memory_space<vmem_shared>>)
    %barrier3A = arith.constant 0 : index
    tpu.barrier barrier_id(%barrier3A)
    %dma_start3A_94 = arith.constant 0 : i32
    %dma_start3A_95 = arith.constant 0 : i32
    %dma_start3A_96 = tpu.memref_slice %arg6[%dma_start3A_94, %dma_start3A_95] : memref<48x125xi32, #tpu.memory_space<vmem>> -> memref<1x125xi32, #tpu.memory_space<vmem>>
    %dma_start3A_97 = tpu.memref_squeeze %dma_start3A_96 : memref<1x125xi32, #tpu.memory_space<vmem>> -> memref<125xi32, #tpu.memory_space<vmem>>
    %dma_start3A_98 = arith.constant 0 : i32
    %dma_start3A_99 = arith.constant 0 : i32
    %dma_start3A_100 = tpu.memref_slice %arg2[%dma_start3A_98, %dma_start3A_99] : memref<10000x128xf32, #tpu.memory_space<hbm>> -> memref<10000x128xf32, #tpu.memory_space<hbm>>
    tpu.enqueue_indirect_dma source(%dma_start3A_100 : memref<10000x128xf32, #tpu.memory_space<hbm>>) target(%arg8 : memref<125x128xf32, #tpu.memory_space<vmem>>) offsets(%dma_start3A_97 : memref<125xi32, #tpu.memory_space<vmem>>) semaphore(%arg11 : memref<!tpu.dma_semaphore, #tpu.memory_space<semaphore_mem>>)
    %scan3A = arith.constant 0 : i32
    %scan3A_101 = arith.constant 0 : i32
    %scan3A_102 = arith.constant 40 : i32
    %scan3A_103 = arith.addi %scan3A_101, %scan3A_102 : i32
    %scan3A_104 = arith.constant 1 : i32
    scf.for %scan3A_107 = %scan3A_101 to %scan3A_103 step %scan3A_104  : i32 {
      %mul3A_108 = arith.constant 2 : i32
      %mul3A_109 = arith.muli %mul3A_108, %scan3A_107 : i32
      %mul3A_110 = arith.constant 2 : i32
      %mul3A_111 = arith.muli %mul3A_110, %scan3A_107 : i32
      %add3A_112 = arith.constant 1 : i32
      %add3A_113 = arith.addi %mul3A_111, %add3A_112 : i32
      %rem3A = arith.constant 16 : i32
      %rem3A_114 = arith.remsi %mul3A_109, %rem3A : i32
      %eq3A = arith.constant 0 : i32
      %eq3A_115 = arith.cmpi eq, %rem3A_114, %eq3A : i32
      %gt3A = arith.constant 0 : i32
      %gt3A_116 = arith.cmpi sgt, %mul3A_109, %gt3A : i32
      %and3A = arith.andi %eq3A_115, %gt3A_116 : i1
      %convert_element_type3A = arith.extui %and3A : i1 to i32
      %cond3A = arith.constant 0 : i32
      %cond3A_117 = arith.cmpi ne, %convert_element_type3A, %cond3A : i32
      scf.if %cond3A_117 {
        %jit3A = arith.constant 16 : i32
        %div3A = arith.divsi %mul3A_109, %jit3A : i32
        %sign3A = arith.constant 0 : i32
        %sign3A_144 = arith.cmpi sgt, %mul3A_109, %sign3A : i32
        %sign3A_145 = arith.extui %sign3A_144 : i1 to i32
        %sign3A_146 = arith.constant 0 : i32
        %sign3A_147 = arith.cmpi slt, %mul3A_109, %sign3A_146 : i32
        %sign3A_148 = arith.extui %sign3A_147 : i1 to i32
        %sign3A_149 = arith.subi %sign3A_145, %sign3A_148 : i32
        %sign3A_150 = arith.constant 0 : i32
        %sign3A_151 = arith.cmpi sgt, %jit3A, %sign3A_150 : i32
        %sign3A_152 = arith.extui %sign3A_151 : i1 to i32
        %sign3A_153 = arith.constant 0 : i32
        %sign3A_154 = arith.cmpi slt, %jit3A, %sign3A_153 : i32
        %sign3A_155 = arith.extui %sign3A_154 : i1 to i32
        %sign3A_156 = arith.subi %sign3A_152, %sign3A_155 : i32
        %ne3A = arith.cmpi ne, %sign3A_149, %sign3A_156 : i32
        %rem3A_157 = arith.remsi %mul3A_109, %jit3A : i32
        %ne3A_158 = arith.constant 0 : i32
        %ne3A_159 = arith.cmpi ne, %rem3A_157, %ne3A_158 : i32
        %and3A_160 = arith.andi %ne3A, %ne3A_159 : i1
        %sub3A = arith.constant 1 : i32
        %sub3A_161 = arith.subi %div3A, %sub3A : i32
        %select_n3A = arith.select %and3A_160, %sub3A_161, %div3A : i32
        %add3A_162 = arith.constant 1 : i32
        %add3A_163 = arith.addi %select_n3A, %add3A_162 : i32
        %lt3A_164 = arith.constant 5 : i32
        %lt3A_165 = arith.cmpi slt, %add3A_163, %lt3A_164 : i32
        %convert_element_type3A_166 = arith.extui %lt3A_165 : i1 to i32
        %cond3A_167 = arith.constant 0 : i32
        %cond3A_168 = arith.cmpi ne, %convert_element_type3A_166, %cond3A_167 : i32
        scf.if %cond3A_168 {
          %add3A_176 = arith.constant 1 : i32
          %add3A_177 = arith.addi %select_n3A, %add3A_176 : i32
          %rem3A_178 = arith.constant 3 : i32
          %rem3A_179 = arith.remsi %add3A_177, %rem3A_178 : i32
          %mul3A_180 = arith.constant 16 : i32
          %mul3A_181 = arith.muli %rem3A_179, %mul3A_180 : i32
          %multiple_of3A_182 = tpu.assume_multiple %mul3A_181, 8 : i32
          %add3A_183 = arith.constant 1 : i32
          %add3A_184 = arith.addi %select_n3A, %add3A_183 : i32
          %mul3A_185 = arith.constant 16 : i32
          %mul3A_186 = arith.muli %add3A_184, %mul3A_185 : i32
          %add3A_187 = arith.addi %multiple_of3A_5, %mul3A_186 : i32
          %multiple_of3A_188 = tpu.assume_multiple %add3A_187, 8 : i32
          %dma_wait3A_189 = arith.constant 0 : i32
          %dma_wait3A_190 = arith.constant 0 : i32
          %dma_wait3A_191 = tpu.memref_slice %arg6[%multiple_of3A_182, %dma_wait3A_190] : memref<48x125xi32, #tpu.memory_space<vmem>> -> memref<16x125xi32, #tpu.memory_space<vmem>>
          %dma_wait3A_192 = arith.constant 0 : i32
          %dma_wait3A_193 = tpu.memref_slice %arg3[%dma_wait3A_189, %multiple_of3A_188, %dma_wait3A_192] : memref<2x2560x125xi32, #tpu.memory_space<hbm>> -> memref<1x16x125xi32, #tpu.memory_space<hbm>>
          %dma_wait3A_194 = tpu.memref_squeeze %dma_wait3A_193 : memref<1x16x125xi32, #tpu.memory_space<hbm>> -> memref<16x125xi32, #tpu.memory_space<hbm>>
          %dma_wait3A_195 = arith.constant 0 : i32
          %dma_wait3A_196 = tpu.memref_slice %arg6[%multiple_of3A_182, %dma_wait3A_195] : memref<48x125xi32, #tpu.memory_space<vmem>> -> memref<16x125xi32, #tpu.memory_space<vmem>>
          %dma_wait3A_197 = arith.constant 0 : i32
          %dma_wait3A_198 = tpu.memref_slice %arg3[%dma_wait3A_189, %multiple_of3A_188, %dma_wait3A_197] : memref<2x2560x125xi32, #tpu.memory_space<hbm>> -> memref<1x16x125xi32, #tpu.memory_space<hbm>>
          %dma_wait3A_199 = tpu.memref_squeeze %dma_wait3A_198 : memref<1x16x125xi32, #tpu.memory_space<hbm>> -> memref<16x125xi32, #tpu.memory_space<hbm>>
          tpu.wait_dma2 semaphore(%arg13 : memref<!tpu.dma_semaphore, #tpu.memory_space<semaphore_mem>>) src(%dma_wait3A_199 : memref<16x125xi32, #tpu.memory_space<hbm>>) dst(%dma_wait3A_196 : memref<16x125xi32, #tpu.memory_space<vmem>>)
          %dma_wait3A_200 = arith.constant 1 : i32
          %dma_wait3A_201 = arith.constant 0 : i32
          %dma_wait3A_202 = tpu.memref_slice %arg7[%multiple_of3A_182, %dma_wait3A_201] : memref<48x125xi32, #tpu.memory_space<vmem>> -> memref<16x125xi32, #tpu.memory_space<vmem>>
          %dma_wait3A_203 = arith.constant 0 : i32
          %dma_wait3A_204 = tpu.memref_slice %arg3[%dma_wait3A_200, %multiple_of3A_188, %dma_wait3A_203] : memref<2x2560x125xi32, #tpu.memory_space<hbm>> -> memref<1x16x125xi32, #tpu.memory_space<hbm>>
          %dma_wait3A_205 = tpu.memref_squeeze %dma_wait3A_204 : memref<1x16x125xi32, #tpu.memory_space<hbm>> -> memref<16x125xi32, #tpu.memory_space<hbm>>
          %dma_wait3A_206 = arith.constant 0 : i32
          %dma_wait3A_207 = tpu.memref_slice %arg7[%multiple_of3A_182, %dma_wait3A_206] : memref<48x125xi32, #tpu.memory_space<vmem>> -> memref<16x125xi32, #tpu.memory_space<vmem>>
          %dma_wait3A_208 = arith.constant 0 : i32
          %dma_wait3A_209 = tpu.memref_slice %arg3[%dma_wait3A_200, %multiple_of3A_188, %dma_wait3A_208] : memref<2x2560x125xi32, #tpu.memory_space<hbm>> -> memref<1x16x125xi32, #tpu.memory_space<hbm>>
          %dma_wait3A_210 = tpu.memref_squeeze %dma_wait3A_209 : memref<1x16x125xi32, #tpu.memory_space<hbm>> -> memref<16x125xi32, #tpu.memory_space<hbm>>
          tpu.wait_dma2 semaphore(%arg13 : memref<!tpu.dma_semaphore, #tpu.memory_space<semaphore_mem>>) src(%dma_wait3A_210 : memref<16x125xi32, #tpu.memory_space<hbm>>) dst(%dma_wait3A_207 : memref<16x125xi32, #tpu.memory_space<vmem>>)
        } else {
        }
        %add3A_169 = arith.constant 2 : i32
        %add3A_170 = arith.addi %select_n3A, %add3A_169 : i32
        %lt3A_171 = arith.constant 5 : i32
        %lt3A_172 = arith.cmpi slt, %add3A_170, %lt3A_171 : i32
        %convert_element_type3A_173 = arith.extui %lt3A_172 : i1 to i32
        %cond3A_174 = arith.constant 0 : i32
        %cond3A_175 = arith.cmpi ne, %convert_element_type3A_173, %cond3A_174 : i32
        scf.if %cond3A_175 {
          %add3A_176 = arith.constant 2 : i32
          %add3A_177 = arith.addi %select_n3A, %add3A_176 : i32
          %mul3A_178 = arith.constant 16 : i32
          %mul3A_179 = arith.muli %add3A_177, %mul3A_178 : i32
          %add3A_180 = arith.addi %multiple_of3A_5, %mul3A_179 : i32
          %multiple_of3A_181 = tpu.assume_multiple %add3A_180, 8 : i32
          %add3A_182 = arith.constant 2 : i32
          %add3A_183 = arith.addi %select_n3A, %add3A_182 : i32
          %rem3A_184 = arith.constant 3 : i32
          %rem3A_185 = arith.remsi %add3A_183, %rem3A_184 : i32
          %mul3A_186 = arith.constant 16 : i32
          %mul3A_187 = arith.muli %rem3A_185, %mul3A_186 : i32
          %multiple_of3A_188 = tpu.assume_multiple %mul3A_187, 8 : i32
          %dma_start3A_189 = arith.constant 0 : i32
          %dma_start3A_190 = arith.constant 0 : i32
          %dma_start3A_191 = tpu.memref_slice %arg6[%multiple_of3A_188, %dma_start3A_190] : memref<48x125xi32, #tpu.memory_space<vmem>> -> memref<16x125xi32, #tpu.memory_space<vmem>>
          %dma_start3A_192 = arith.constant 0 : i32
          %dma_start3A_193 = tpu.memref_slice %arg3[%dma_start3A_189, %multiple_of3A_181, %dma_start3A_192] : memref<2x2560x125xi32, #tpu.memory_space<hbm>> -> memref<1x16x125xi32, #tpu.memory_space<hbm>>
          %dma_start3A_194 = tpu.memref_squeeze %dma_start3A_193 : memref<1x16x125xi32, #tpu.memory_space<hbm>> -> memref<16x125xi32, #tpu.memory_space<hbm>>
          %dma_start3A_195 = arith.constant 0 : i32
          %dma_start3A_196 = tpu.memref_slice %arg6[%multiple_of3A_188, %dma_start3A_195] : memref<48x125xi32, #tpu.memory_space<vmem>> -> memref<16x125xi32, #tpu.memory_space<vmem>>
          %dma_start3A_197 = arith.constant 0 : i32
          %dma_start3A_198 = tpu.memref_slice %arg3[%dma_start3A_189, %multiple_of3A_181, %dma_start3A_197] : memref<2x2560x125xi32, #tpu.memory_space<hbm>> -> memref<1x16x125xi32, #tpu.memory_space<hbm>>
          %dma_start3A_199 = tpu.memref_squeeze %dma_start3A_198 : memref<1x16x125xi32, #tpu.memory_space<hbm>> -> memref<16x125xi32, #tpu.memory_space<hbm>>
          tpu.enqueue_dma source(%dma_start3A_199 : memref<16x125xi32, #tpu.memory_space<hbm>>) target(%dma_start3A_196 : memref<16x125xi32, #tpu.memory_space<vmem>>) target_semaphore(%arg13 : memref<!tpu.dma_semaphore, #tpu.memory_space<semaphore_mem>>)
          %dma_start3A_200 = arith.constant 1 : i32
          %dma_start3A_201 = arith.constant 0 : i32
          %dma_start3A_202 = tpu.memref_slice %arg7[%multiple_of3A_188, %dma_start3A_201] : memref<48x125xi32, #tpu.memory_space<vmem>> -> memref<16x125xi32, #tpu.memory_space<vmem>>
          %dma_start3A_203 = arith.constant 0 : i32
          %dma_start3A_204 = tpu.memref_slice %arg3[%dma_start3A_200, %multiple_of3A_181, %dma_start3A_203] : memref<2x2560x125xi32, #tpu.memory_space<hbm>> -> memref<1x16x125xi32, #tpu.memory_space<hbm>>
          %dma_start3A_205 = tpu.memref_squeeze %dma_start3A_204 : memref<1x16x125xi32, #tpu.memory_space<hbm>> -> memref<16x125xi32, #tpu.memory_space<hbm>>
          %dma_start3A_206 = arith.constant 0 : i32
          %dma_start3A_207 = tpu.memref_slice %arg7[%multiple_of3A_188, %dma_start3A_206] : memref<48x125xi32, #tpu.memory_space<vmem>> -> memref<16x125xi32, #tpu.memory_space<vmem>>
          %dma_start3A_208 = arith.constant 0 : i32
          %dma_start3A_209 = tpu.memref_slice %arg3[%dma_start3A_200, %multiple_of3A_181, %dma_start3A_208] : memref<2x2560x125xi32, #tpu.memory_space<hbm>> -> memref<1x16x125xi32, #tpu.memory_space<hbm>>
          %dma_start3A_210 = tpu.memref_squeeze %dma_start3A_209 : memref<1x16x125xi32, #tpu.memory_space<hbm>> -> memref<16x125xi32, #tpu.memory_space<hbm>>
          tpu.enqueue_dma source(%dma_start3A_210 : memref<16x125xi32, #tpu.memory_space<hbm>>) target(%dma_start3A_207 : memref<16x125xi32, #tpu.memory_space<vmem>>) target_semaphore(%arg13 : memref<!tpu.dma_semaphore, #tpu.memory_space<semaphore_mem>>)
        } else {
        }
      } else {
      }
      %rem3A_118 = arith.constant 48 : i32
      %rem3A_119 = arith.remsi %mul3A_109, %rem3A_118 : i32
      %rem3A_120 = arith.constant 48 : i32
      %rem3A_121 = arith.remsi %add3A_113, %rem3A_120 : i32
      %dma_start3A_122 = arith.constant 0 : i32
      %dma_start3A_123 = tpu.memref_slice %arg6[%rem3A_121, %dma_start3A_122] : memref<48x125xi32, #tpu.memory_space<vmem>> -> memref<1x125xi32, #tpu.memory_space<vmem>>
      %dma_start3A_124 = tpu.memref_squeeze %dma_start3A_123 : memref<1x125xi32, #tpu.memory_space<vmem>> -> memref<125xi32, #tpu.memory_space<vmem>>
      %dma_start3A_125 = arith.constant 0 : i32
      %dma_start3A_126 = arith.constant 0 : i32
      %dma_start3A_127 = tpu.memref_slice %arg2[%dma_start3A_125, %dma_start3A_126] : memref<10000x128xf32, #tpu.memory_space<hbm>> -> memref<10000x128xf32, #tpu.memory_space<hbm>>
      tpu.enqueue_indirect_dma source(%dma_start3A_127 : memref<10000x128xf32, #tpu.memory_space<hbm>>) target(%arg9 : memref<125x128xf32, #tpu.memory_space<vmem>>) offsets(%dma_start3A_124 : memref<125xi32, #tpu.memory_space<vmem>>) semaphore(%arg12 : memref<!tpu.dma_semaphore, #tpu.memory_space<semaphore_mem>>)
      %dma_wait3A_128 = arith.constant 0 : i32
      %dma_wait3A_129 = tpu.memref_slice %arg6[%rem3A_119, %dma_wait3A_128] : memref<48x125xi32, #tpu.memory_space<vmem>> -> memref<1x125xi32, #tpu.memory_space<vmem>>
      %dma_wait3A_130 = tpu.memref_squeeze %dma_wait3A_129 : memref<1x125xi32, #tpu.memory_space<vmem>> -> memref<125xi32, #tpu.memory_space<vmem>>
      %dma_wait3A_131 = arith.constant 0 : i32
      %dma_wait3A_132 = arith.constant 0 : i32
      %dma_wait3A_133 = tpu.memref_slice %arg2[%dma_wait3A_131, %dma_wait3A_132] : memref<10000x128xf32, #tpu.memory_space<hbm>> -> memref<10000x128xf32, #tpu.memory_space<hbm>>
      tpu.wait_indirect_dma semaphore(%arg11 : memref<!tpu.dma_semaphore, #tpu.memory_space<semaphore_mem>>) src(%dma_wait3A_133 : memref<10000x128xf32, #tpu.memory_space<hbm>>) dst(%arg8 : memref<125x128xf32, #tpu.memory_space<vmem>>)
      "tpu.region"() ({
        %run_scoped3A = tpu.sem_alloc : memref<!tpu.dma_semaphore, #tpu.memory_space<semaphore_mem>>
        %dma_start3A_144 = arith.constant 0 : i32
        %dma_start3A_145 = tpu.memref_slice %arg7[%rem3A_119, %dma_start3A_144] : memref<48x125xi32, #tpu.memory_space<vmem>> -> memref<1x125xi32, #tpu.memory_space<vmem>>
        %dma_start3A_146 = tpu.memref_squeeze %dma_start3A_145 : memref<1x125xi32, #tpu.memory_space<vmem>> -> memref<125xi32, #tpu.memory_space<vmem>>
        %dma_start3A_147 = arith.constant 0 : i32
        %dma_start3A_148 = arith.constant 0 : i32
        %dma_start3A_149 = tpu.memref_slice %arg10[%dma_start3A_147, %dma_start3A_148] : memref<10240x128xf32, #tpu.memory_space<vmem_shared>> -> memref<10240x128xf32, #tpu.memory_space<vmem_shared>>
        tpu.enqueue_indirect_dma source(%arg8 : memref<125x128xf32, #tpu.memory_space<vmem>>) target(%dma_start3A_149 : memref<10240x128xf32, #tpu.memory_space<vmem_shared>>) offsets(%dma_start3A_146 : memref<125xi32, #tpu.memory_space<vmem>>) semaphore(%run_scoped3A : memref<!tpu.dma_semaphore, #tpu.memory_space<semaphore_mem>>) {add = true}
        %dma_wait3A_150 = arith.constant 0 : i32
        %dma_wait3A_151 = tpu.memref_slice %arg7[%rem3A_119, %dma_wait3A_150] : memref<48x125xi32, #tpu.memory_space<vmem>> -> memref<1x125xi32, #tpu.memory_space<vmem>>
        %dma_wait3A_152 = tpu.memref_squeeze %dma_wait3A_151 : memref<1x125xi32, #tpu.memory_space<vmem>> -> memref<125xi32, #tpu.memory_space<vmem>>
        %dma_wait3A_153 = arith.constant 0 : i32
        %dma_wait3A_154 = arith.constant 0 : i32
        %dma_wait3A_155 = tpu.memref_slice %arg10[%dma_wait3A_153, %dma_wait3A_154] : memref<10240x128xf32, #tpu.memory_space<vmem_shared>> -> memref<10240x128xf32, #tpu.memory_space<vmem_shared>>
        tpu.wait_indirect_dma semaphore(%run_scoped3A : memref<!tpu.dma_semaphore, #tpu.memory_space<semaphore_mem>>) src(%arg8 : memref<125x128xf32, #tpu.memory_space<vmem>>) dst(%dma_wait3A_155 : memref<10240x128xf32, #tpu.memory_space<vmem_shared>>)
        tpu.yield
      }) : () -> ()
      %lt3A = arith.constant 39 : i32
      %lt3A_134 = arith.cmpi slt, %scan3A_107, %lt3A : i32
      %convert_element_type3A_135 = arith.extui %lt3A_134 : i1 to i32
      %cond3A_136 = arith.constant 0 : i32
      %cond3A_137 = arith.cmpi ne, %convert_element_type3A_135, %cond3A_136 : i32
      scf.if %cond3A_137 {
        %add3A_144 = arith.constant 2 : i32
        %add3A_145 = arith.addi %mul3A_109, %add3A_144 : i32
        %rem3A_146 = arith.constant 48 : i32
        %rem3A_147 = arith.remsi %add3A_145, %rem3A_146 : i32
        %dma_start3A_148 = arith.constant 0 : i32
        %dma_start3A_149 = tpu.memref_slice %arg6[%rem3A_147, %dma_start3A_148] : memref<48x125xi32, #tpu.memory_space<vmem>> -> memref<1x125xi32, #tpu.memory_space<vmem>>
        %dma_start3A_150 = tpu.memref_squeeze %dma_start3A_149 : memref<1x125xi32, #tpu.memory_space<vmem>> -> memref<125xi32, #tpu.memory_space<vmem>>
        %dma_start3A_151 = arith.constant 0 : i32
        %dma_start3A_152 = arith.constant 0 : i32
        %dma_start3A_153 = tpu.memref_slice %arg2[%dma_start3A_151, %dma_start3A_152] : memref<10000x128xf32, #tpu.memory_space<hbm>> -> memref<10000x128xf32, #tpu.memory_space<hbm>>
        tpu.enqueue_indirect_dma source(%dma_start3A_153 : memref<10000x128xf32, #tpu.memory_space<hbm>>) target(%arg8 : memref<125x128xf32, #tpu.memory_space<vmem>>) offsets(%dma_start3A_150 : memref<125xi32, #tpu.memory_space<vmem>>) semaphore(%arg11 : memref<!tpu.dma_semaphore, #tpu.memory_space<semaphore_mem>>)
      } else {
      }
      %dma_wait3A_138 = arith.constant 0 : i32
      %dma_wait3A_139 = tpu.memref_slice %arg6[%rem3A_121, %dma_wait3A_138] : memref<48x125xi32, #tpu.memory_space<vmem>> -> memref<1x125xi32, #tpu.memory_space<vmem>>
      %dma_wait3A_140 = tpu.memref_squeeze %dma_wait3A_139 : memref<1x125xi32, #tpu.memory_space<vmem>> -> memref<125xi32, #tpu.memory_space<vmem>>
      %dma_wait3A_141 = arith.constant 0 : i32
      %dma_wait3A_142 = arith.constant 0 : i32
      %dma_wait3A_143 = tpu.memref_slice %arg2[%dma_wait3A_141, %dma_wait3A_142] : memref<10000x128xf32, #tpu.memory_space<hbm>> -> memref<10000x128xf32, #tpu.memory_space<hbm>>
      tpu.wait_indirect_dma semaphore(%arg12 : memref<!tpu.dma_semaphore, #tpu.memory_space<semaphore_mem>>) src(%dma_wait3A_143 : memref<10000x128xf32, #tpu.memory_space<hbm>>) dst(%arg9 : memref<125x128xf32, #tpu.memory_space<vmem>>)
      "tpu.region"() ({
        %run_scoped3A = tpu.sem_alloc : memref<!tpu.dma_semaphore, #tpu.memory_space<semaphore_mem>>
        %dma_start3A_144 = arith.constant 0 : i32
        %dma_start3A_145 = tpu.memref_slice %arg7[%rem3A_121, %dma_start3A_144] : memref<48x125xi32, #tpu.memory_space<vmem>> -> memref<1x125xi32, #tpu.memory_space<vmem>>
        %dma_start3A_146 = tpu.memref_squeeze %dma_start3A_145 : memref<1x125xi32, #tpu.memory_space<vmem>> -> memref<125xi32, #tpu.memory_space<vmem>>
        %dma_start3A_147 = arith.constant 0 : i32
        %dma_start3A_148 = arith.constant 0 : i32
        %dma_start3A_149 = tpu.memref_slice %arg10[%dma_start3A_147, %dma_start3A_148] : memref<10240x128xf32, #tpu.memory_space<vmem_shared>> -> memref<10240x128xf32, #tpu.memory_space<vmem_shared>>
        tpu.enqueue_indirect_dma source(%arg9 : memref<125x128xf32, #tpu.memory_space<vmem>>) target(%dma_start3A_149 : memref<10240x128xf32, #tpu.memory_space<vmem_shared>>) offsets(%dma_start3A_146 : memref<125xi32, #tpu.memory_space<vmem>>) semaphore(%run_scoped3A : memref<!tpu.dma_semaphore, #tpu.memory_space<semaphore_mem>>) {add = true}
        %dma_wait3A_150 = arith.constant 0 : i32
        %dma_wait3A_151 = tpu.memref_slice %arg7[%rem3A_121, %dma_wait3A_150] : memref<48x125xi32, #tpu.memory_space<vmem>> -> memref<1x125xi32, #tpu.memory_space<vmem>>
        %dma_wait3A_152 = tpu.memref_squeeze %dma_wait3A_151 : memref<1x125xi32, #tpu.memory_space<vmem>> -> memref<125xi32, #tpu.memory_space<vmem>>
        %dma_wait3A_153 = arith.constant 0 : i32
        %dma_wait3A_154 = arith.constant 0 : i32
        %dma_wait3A_155 = tpu.memref_slice %arg10[%dma_wait3A_153, %dma_wait3A_154] : memref<10240x128xf32, #tpu.memory_space<vmem_shared>> -> memref<10240x128xf32, #tpu.memory_space<vmem_shared>>
        tpu.wait_indirect_dma semaphore(%run_scoped3A : memref<!tpu.dma_semaphore, #tpu.memory_space<semaphore_mem>>) src(%arg9 : memref<125x128xf32, #tpu.memory_space<vmem>>) dst(%dma_wait3A_155 : memref<10240x128xf32, #tpu.memory_space<vmem_shared>>)
        tpu.yield
      }) : () -> ()
    }
    %scan3A_105 = arith.constant 40 : i32
    %barrier3A_106 = arith.constant 0 : index
    tpu.barrier barrier_id(%barrier3A_106)
    "tpu.region"() ({
      %run_scoped3A = tpu.sem_alloc : memref<!tpu.dma_semaphore, #tpu.memory_space<semaphore_mem>>
      %dma_start3A_107 = arith.constant 0 : i32
      %dma_start3A_108 = tpu.memref_slice %arg5[%arg0, %multiple_of3A, %dma_start3A_107] : memref<2x10240x128xf32, #tpu.memory_space<hbm>> -> memref<1x640x128xf32, #tpu.memory_space<hbm>>
      %dma_start3A_109 = tpu.memref_squeeze %dma_start3A_108 : memref<1x640x128xf32, #tpu.memory_space<hbm>> -> memref<640x128xf32, #tpu.memory_space<hbm>>
      %dma_start3A_110 = arith.constant 0 : i32
      %dma_start3A_111 = tpu.memref_slice %arg10[%multiple_of3A, %dma_start3A_110] : memref<10240x128xf32, #tpu.memory_space<vmem_shared>> -> memref<640x128xf32, #tpu.memory_space<vmem_shared>>
      tpu.enqueue_dma source(%dma_start3A_111 : memref<640x128xf32, #tpu.memory_space<vmem_shared>>) target(%dma_start3A_109 : memref<640x128xf32, #tpu.memory_space<hbm>>) target_semaphore(%run_scoped3A : memref<!tpu.dma_semaphore, #tpu.memory_space<semaphore_mem>>)
      %dma_wait3A_112 = arith.constant 0 : i32
      %dma_wait3A_113 = tpu.memref_slice %arg5[%arg0, %multiple_of3A, %dma_wait3A_112] : memref<2x10240x128xf32, #tpu.memory_space<hbm>> -> memref<1x640x128xf32, #tpu.memory_space<hbm>>
      %dma_wait3A_114 = tpu.memref_squeeze %dma_wait3A_113 : memref<1x640x128xf32, #tpu.memory_space<hbm>> -> memref<640x128xf32, #tpu.memory_space<hbm>>
      %dma_wait3A_115 = arith.constant 0 : i32
      %dma_wait3A_116 = tpu.memref_slice %arg10[%multiple_of3A, %dma_wait3A_115] : memref<10240x128xf32, #tpu.memory_space<vmem_shared>> -> memref<640x128xf32, #tpu.memory_space<vmem_shared>>
      tpu.wait_dma2 semaphore(%run_scoped3A : memref<!tpu.dma_semaphore, #tpu.memory_space<semaphore_mem>>) src(%dma_wait3A_116 : memref<640x128xf32, #tpu.memory_space<vmem_shared>>) dst(%dma_wait3A_114 : memref<640x128xf32, #tpu.memory_space<hbm>>)
      tpu.yield
    }) : () -> ()
    return
  }
}

#map = affine_map<(d0, d1) -> (0, 0)>
#map1 = affine_map<(d0, d1) -> (0, 0, 0)>
module attributes {stable_mosaic.version = 14 : i64} {
  func.func @_sc_scatter(%arg0: i32, %arg1: i32, %arg2: memref<10000x128xf32, #tpu.memory_space<hbm>>, %arg3: memref<2x2560x125xi32, #tpu.memory_space<hbm>>, %arg4: memref<10240x128xf32, #tpu.memory_space<hbm>>, %arg5: memref<2x10240x128xf32, #tpu.memory_space<hbm>>, %arg6: memref<48x125xi32, #tpu.memory_space<vmem>>, %arg7: memref<48x125xi32, #tpu.memory_space<vmem>>, %arg8: memref<125x128xf32, #tpu.memory_space<vmem>>, %arg9: memref<125x128xf32, #tpu.memory_space<vmem>>, %arg10: memref<10240x128xf32, #tpu.memory_space<vmem_shared>>, %arg11: memref<!tpu.dma_semaphore, #tpu.memory_space<semaphore_mem>>, %arg12: memref<!tpu.dma_semaphore, #tpu.memory_space<semaphore_mem>>, %arg13: memref<!tpu.dma_semaphore, #tpu.memory_space<semaphore_mem>>) attributes {dimension_semantics = [#tpu.dimension_semantics<core_parallel>, #tpu.dimension_semantics<subcore_parallel>], iteration_bounds = array<i64: 2, 16>, scalar_prefetch = 0 : i64, scratch_operands = 8 : i64, tpu.core_type = #tpu.core_type<sc_vector_subcore>, window_params = [{transform_indices = #map}, {transform_indices = #map1}, {transform_indices = #map}, {transform_indices = #map1}]} {
    %mul3A = arith.constant 640 : i32
    %mul3A_0 = arith.muli %arg1, %mul3A : i32
    %multiple_of3A = tpu.assume_multiple %mul3A_0, 8 : i32
    %mul3A_1 = arith.constant 2 : i32
    %mul3A_2 = arith.muli %arg1, %mul3A_1 : i32
    %add3A = arith.addi %mul3A_2, %arg0 : i32
    %mul3A_3 = arith.constant 80 : i32
    %mul3A_4 = arith.muli %add3A, %mul3A_3 : i32
    %multiple_of3A_5 = tpu.assume_multiple %mul3A_4, 8 : i32
    %dma_start3A = arith.constant 0 : i32
    %dma_start3A_6 = tpu.memref_slice %arg10[%multiple_of3A, %dma_start3A] : memref<10240x128xf32, #tpu.memory_space<vmem_shared>> -> memref<640x128xf32, #tpu.memory_space<vmem_shared>>
    %dma_start3A_7 = arith.constant 0 : i32
    %dma_start3A_8 = tpu.memref_slice %arg4[%multiple_of3A, %dma_start3A_7] : memref<10240x128xf32, #tpu.memory_space<hbm>> -> memref<640x128xf32, #tpu.memory_space<hbm>>
    tpu.enqueue_dma source(%dma_start3A_8 : memref<640x128xf32, #tpu.memory_space<hbm>>) target(%dma_start3A_6 : memref<640x128xf32, #tpu.memory_space<vmem_shared>>) target_semaphore(%arg12 : memref<!tpu.dma_semaphore, #tpu.memory_space<semaphore_mem>>)
    %dma_start3A_9 = arith.constant 0 : i32
    %dma_start3A_10 = arith.constant 0 : i32
    %dma_start3A_11 = arith.constant 0 : i32
    %dma_start3A_12 = tpu.memref_slice %arg6[%dma_start3A_10, %dma_start3A_11] : memref<48x125xi32, #tpu.memory_space<vmem>> -> memref<32x125xi32, #tpu.memory_space<vmem>>
    %dma_start3A_13 = arith.constant 0 : i32
    %dma_start3A_14 = tpu.memref_slice %arg3[%dma_start3A_9, %multiple_of3A_5, %dma_start3A_13] : memref<2x2560x125xi32, #tpu.memory_space<hbm>> -> memref<1x32x125xi32, #tpu.memory_space<hbm>>
    %dma_start3A_15 = tpu.memref_squeeze %dma_start3A_14 : memref<1x32x125xi32, #tpu.memory_space<hbm>> -> memref<32x125xi32, #tpu.memory_space<hbm>>
    %dma_start3A_16 = arith.constant 0 : i32
    %dma_start3A_17 = arith.constant 0 : i32
    %dma_start3A_18 = tpu.memref_slice %arg6[%dma_start3A_16, %dma_start3A_17] : memref<48x125xi32, #tpu.memory_space<vmem>> -> memref<32x125xi32, #tpu.memory_space<vmem>>
    %dma_start3A_19 = arith.constant 0 : i32
    %dma_start3A_20 = tpu.memref_slice %arg3[%dma_start3A_9, %multiple_of3A_5, %dma_start3A_19] : memref<2x2560x125xi32, #tpu.memory_space<hbm>> -> memref<1x32x125xi32, #tpu.memory_space<hbm>>
    %dma_start3A_21 = tpu.memref_squeeze %dma_start3A_20 : memref<1x32x125xi32, #tpu.memory_space<hbm>> -> memref<32x125xi32, #tpu.memory_space<hbm>>
    tpu.enqueue_dma source(%dma_start3A_21 : memref<32x125xi32, #tpu.memory_space<hbm>>) target(%dma_start3A_18 : memref<32x125xi32, #tpu.memory_space<vmem>>) target_semaphore(%arg11 : memref<!tpu.dma_semaphore, #tpu.memory_space<semaphore_mem>>)
    %dma_start3A_22 = arith.constant 1 : i32
    %dma_start3A_23 = arith.constant 0 : i32
    %dma_start3A_24 = arith.constant 0 : i32
    %dma_start3A_25 = tpu.memref_slice %arg7[%dma_start3A_23, %dma_start3A_24] : memref<48x125xi32, #tpu.memory_space<vmem>> -> memref<32x125xi32, #tpu.memory_space<vmem>>
    %dma_start3A_26 = arith.constant 0 : i32
    %dma_start3A_27 = tpu.memref_slice %arg3[%dma_start3A_22, %multiple_of3A_5, %dma_start3A_26] : memref<2x2560x125xi32, #tpu.memory_space<hbm>> -> memref<1x32x125xi32, #tpu.memory_space<hbm>>
    %dma_start3A_28 = tpu.memref_squeeze %dma_start3A_27 : memref<1x32x125xi32, #tpu.memory_space<hbm>> -> memref<32x125xi32, #tpu.memory_space<hbm>>
    %dma_start3A_29 = arith.constant 0 : i32
    %dma_start3A_30 = arith.constant 0 : i32
    %dma_start3A_31 = tpu.memref_slice %arg7[%dma_start3A_29, %dma_start3A_30] : memref<48x125xi32, #tpu.memory_space<vmem>> -> memref<32x125xi32, #tpu.memory_space<vmem>>
    %dma_start3A_32 = arith.constant 0 : i32
    %dma_start3A_33 = tpu.memref_slice %arg3[%dma_start3A_22, %multiple_of3A_5, %dma_start3A_32] : memref<2x2560x125xi32, #tpu.memory_space<hbm>> -> memref<1x32x125xi32, #tpu.memory_space<hbm>>
    %dma_start3A_34 = tpu.memref_squeeze %dma_start3A_33 : memref<1x32x125xi32, #tpu.memory_space<hbm>> -> memref<32x125xi32, #tpu.memory_space<hbm>>
    tpu.enqueue_dma source(%dma_start3A_34 : memref<32x125xi32, #tpu.memory_space<hbm>>) target(%dma_start3A_31 : memref<32x125xi32, #tpu.memory_space<vmem>>) target_semaphore(%arg11 : memref<!tpu.dma_semaphore, #tpu.memory_space<semaphore_mem>>)
    %add3A_35 = arith.constant 32 : i32
    %add3A_36 = arith.addi %multiple_of3A_5, %add3A_35 : i32
    %dma_start3A_37 = arith.constant 0 : i32
    %dma_start3A_38 = arith.constant 32 : i32
    %dma_start3A_39 = arith.constant 0 : i32
    %dma_start3A_40 = tpu.memref_slice %arg6[%dma_start3A_38, %dma_start3A_39] : memref<48x125xi32, #tpu.memory_space<vmem>> -> memref<16x125xi32, #tpu.memory_space<vmem>>
    %dma_start3A_41 = arith.constant 0 : i32
    %dma_start3A_42 = tpu.memref_slice %arg3[%dma_start3A_37, %add3A_36, %dma_start3A_41] : memref<2x2560x125xi32, #tpu.memory_space<hbm>> -> memref<1x16x125xi32, #tpu.memory_space<hbm>>
    %dma_start3A_43 = tpu.memref_squeeze %dma_start3A_42 : memref<1x16x125xi32, #tpu.memory_space<hbm>> -> memref<16x125xi32, #tpu.memory_space<hbm>>
    %dma_start3A_44 = arith.constant 32 : i32
    %dma_start3A_45 = arith.constant 0 : i32
    %dma_start3A_46 = tpu.memref_slice %arg6[%dma_start3A_44, %dma_start3A_45] : memref<48x125xi32, #tpu.memory_space<vmem>> -> memref<16x125xi32, #tpu.memory_space<vmem>>
    %dma_start3A_47 = arith.constant 0 : i32
    %dma_start3A_48 = tpu.memref_slice %arg3[%dma_start3A_37, %add3A_36, %dma_start3A_47] : memref<2x2560x125xi32, #tpu.memory_space<hbm>> -> memref<1x16x125xi32, #tpu.memory_space<hbm>>
    %dma_start3A_49 = tpu.memref_squeeze %dma_start3A_48 : memref<1x16x125xi32, #tpu.memory_space<hbm>> -> memref<16x125xi32, #tpu.memory_space<hbm>>
    tpu.enqueue_dma source(%dma_start3A_49 : memref<16x125xi32, #tpu.memory_space<hbm>>) target(%dma_start3A_46 : memref<16x125xi32, #tpu.memory_space<vmem>>) target_semaphore(%arg13 : memref<!tpu.dma_semaphore, #tpu.memory_space<semaphore_mem>>)
    %add3A_50 = arith.constant 32 : i32
    %add3A_51 = arith.addi %multiple_of3A_5, %add3A_50 : i32
    %dma_start3A_52 = arith.constant 1 : i32
    %dma_start3A_53 = arith.constant 32 : i32
    %dma_start3A_54 = arith.constant 0 : i32
    %dma_start3A_55 = tpu.memref_slice %arg7[%dma_start3A_53, %dma_start3A_54] : memref<48x125xi32, #tpu.memory_space<vmem>> -> memref<16x125xi32, #tpu.memory_space<vmem>>
    %dma_start3A_56 = arith.constant 0 : i32
    %dma_start3A_57 = tpu.memref_slice %arg3[%dma_start3A_52, %add3A_51, %dma_start3A_56] : memref<2x2560x125xi32, #tpu.memory_space<hbm>> -> memref<1x16x125xi32, #tpu.memory_space<hbm>>
    %dma_start3A_58 = tpu.memref_squeeze %dma_start3A_57 : memref<1x16x125xi32, #tpu.memory_space<hbm>> -> memref<16x125xi32, #tpu.memory_space<hbm>>
    %dma_start3A_59 = arith.constant 32 : i32
    %dma_start3A_60 = arith.constant 0 : i32
    %dma_start3A_61 = tpu.memref_slice %arg7[%dma_start3A_59, %dma_start3A_60] : memref<48x125xi32, #tpu.memory_space<vmem>> -> memref<16x125xi32, #tpu.memory_space<vmem>>
    %dma_start3A_62 = arith.constant 0 : i32
    %dma_start3A_63 = tpu.memref_slice %arg3[%dma_start3A_52, %add3A_51, %dma_start3A_62] : memref<2x2560x125xi32, #tpu.memory_space<hbm>> -> memref<1x16x125xi32, #tpu.memory_space<hbm>>
    %dma_start3A_64 = tpu.memref_squeeze %dma_start3A_63 : memref<1x16x125xi32, #tpu.memory_space<hbm>> -> memref<16x125xi32, #tpu.memory_space<hbm>>
    tpu.enqueue_dma source(%dma_start3A_64 : memref<16x125xi32, #tpu.memory_space<hbm>>) target(%dma_start3A_61 : memref<16x125xi32, #tpu.memory_space<vmem>>) target_semaphore(%arg13 : memref<!tpu.dma_semaphore, #tpu.memory_space<semaphore_mem>>)
    %dma_wait3A = arith.constant 0 : i32
    %dma_wait3A_65 = arith.constant 0 : i32
    %dma_wait3A_66 = arith.constant 0 : i32
    %dma_wait3A_67 = tpu.memref_slice %arg6[%dma_wait3A_65, %dma_wait3A_66] : memref<48x125xi32, #tpu.memory_space<vmem>> -> memref<32x125xi32, #tpu.memory_space<vmem>>
    %dma_wait3A_68 = arith.constant 0 : i32
    %dma_wait3A_69 = tpu.memref_slice %arg3[%dma_wait3A, %multiple_of3A_5, %dma_wait3A_68] : memref<2x2560x125xi32, #tpu.memory_space<hbm>> -> memref<1x32x125xi32, #tpu.memory_space<hbm>>
    %dma_wait3A_70 = tpu.memref_squeeze %dma_wait3A_69 : memref<1x32x125xi32, #tpu.memory_space<hbm>> -> memref<32x125xi32, #tpu.memory_space<hbm>>
    %dma_wait3A_71 = arith.constant 0 : i32
    %dma_wait3A_72 = arith.constant 0 : i32
    %dma_wait3A_73 = tpu.memref_slice %arg6[%dma_wait3A_71, %dma_wait3A_72] : memref<48x125xi32, #tpu.memory_space<vmem>> -> memref<32x125xi32, #tpu.memory_space<vmem>>
    %dma_wait3A_74 = arith.constant 0 : i32
    %dma_wait3A_75 = tpu.memref_slice %arg3[%dma_wait3A, %multiple_of3A_5, %dma_wait3A_74] : memref<2x2560x125xi32, #tpu.memory_space<hbm>> -> memref<1x32x125xi32, #tpu.memory_space<hbm>>
    %dma_wait3A_76 = tpu.memref_squeeze %dma_wait3A_75 : memref<1x32x125xi32, #tpu.memory_space<hbm>> -> memref<32x125xi32, #tpu.memory_space<hbm>>
    tpu.wait_dma2 semaphore(%arg11 : memref<!tpu.dma_semaphore, #tpu.memory_space<semaphore_mem>>) src(%dma_wait3A_76 : memref<32x125xi32, #tpu.memory_space<hbm>>) dst(%dma_wait3A_73 : memref<32x125xi32, #tpu.memory_space<vmem>>)
    %dma_wait3A_77 = arith.constant 1 : i32
    %dma_wait3A_78 = arith.constant 0 : i32
    %dma_wait3A_79 = arith.constant 0 : i32
    %dma_wait3A_80 = tpu.memref_slice %arg7[%dma_wait3A_78, %dma_wait3A_79] : memref<48x125xi32, #tpu.memory_space<vmem>> -> memref<32x125xi32, #tpu.memory_space<vmem>>
    %dma_wait3A_81 = arith.constant 0 : i32
    %dma_wait3A_82 = tpu.memref_slice %arg3[%dma_wait3A_77, %multiple_of3A_5, %dma_wait3A_81] : memref<2x2560x125xi32, #tpu.memory_space<hbm>> -> memref<1x32x125xi32, #tpu.memory_space<hbm>>
    %dma_wait3A_83 = tpu.memref_squeeze %dma_wait3A_82 : memref<1x32x125xi32, #tpu.memory_space<hbm>> -> memref<32x125xi32, #tpu.memory_space<hbm>>
    %dma_wait3A_84 = arith.constant 0 : i32
    %dma_wait3A_85 = arith.constant 0 : i32
    %dma_wait3A_86 = tpu.memref_slice %arg7[%dma_wait3A_84, %dma_wait3A_85] : memref<48x125xi32, #tpu.memory_space<vmem>> -> memref<32x125xi32, #tpu.memory_space<vmem>>
    %dma_wait3A_87 = arith.constant 0 : i32
    %dma_wait3A_88 = tpu.memref_slice %arg3[%dma_wait3A_77, %multiple_of3A_5, %dma_wait3A_87] : memref<2x2560x125xi32, #tpu.memory_space<hbm>> -> memref<1x32x125xi32, #tpu.memory_space<hbm>>
    %dma_wait3A_89 = tpu.memref_squeeze %dma_wait3A_88 : memref<1x32x125xi32, #tpu.memory_space<hbm>> -> memref<32x125xi32, #tpu.memory_space<hbm>>
    tpu.wait_dma2 semaphore(%arg11 : memref<!tpu.dma_semaphore, #tpu.memory_space<semaphore_mem>>) src(%dma_wait3A_89 : memref<32x125xi32, #tpu.memory_space<hbm>>) dst(%dma_wait3A_86 : memref<32x125xi32, #tpu.memory_space<vmem>>)
    %dma_wait3A_90 = arith.constant 0 : i32
    %dma_wait3A_91 = tpu.memref_slice %arg10[%multiple_of3A, %dma_wait3A_90] : memref<10240x128xf32, #tpu.memory_space<vmem_shared>> -> memref<640x128xf32, #tpu.memory_space<vmem_shared>>
    %dma_wait3A_92 = arith.constant 0 : i32
    %dma_wait3A_93 = tpu.memref_slice %arg4[%multiple_of3A, %dma_wait3A_92] : memref<10240x128xf32, #tpu.memory_space<hbm>> -> memref<640x128xf32, #tpu.memory_space<hbm>>
    tpu.wait_dma2 semaphore(%arg12 : memref<!tpu.dma_semaphore, #tpu.memory_space<semaphore_mem>>) src(%dma_wait3A_93 : memref<640x128xf32, #tpu.memory_space<hbm>>) dst(%dma_wait3A_91 : memref<640x128xf32, #tpu.memory_space<vmem_shared>>)
    %barrier3A = arith.constant 0 : index
    tpu.barrier barrier_id(%barrier3A)
    %dma_start3A_94 = arith.constant 0 : i32
    %dma_start3A_95 = arith.constant 0 : i32
    %dma_start3A_96 = tpu.memref_slice %arg6[%dma_start3A_94, %dma_start3A_95] : memref<48x125xi32, #tpu.memory_space<vmem>> -> memref<1x125xi32, #tpu.memory_space<vmem>>
    %dma_start3A_97 = tpu.memref_squeeze %dma_start3A_96 : memref<1x125xi32, #tpu.memory_space<vmem>> -> memref<125xi32, #tpu.memory_space<vmem>>
    %dma_start3A_98 = arith.constant 0 : i32
    %dma_start3A_99 = arith.constant 0 : i32
    %dma_start3A_100 = tpu.memref_slice %arg2[%dma_start3A_98, %dma_start3A_99] : memref<10000x128xf32, #tpu.memory_space<hbm>> -> memref<10000x128xf32, #tpu.memory_space<hbm>>
    tpu.enqueue_indirect_dma source(%dma_start3A_100 : memref<10000x128xf32, #tpu.memory_space<hbm>>) target(%arg8 : memref<125x128xf32, #tpu.memory_space<vmem>>) offsets(%dma_start3A_97 : memref<125xi32, #tpu.memory_space<vmem>>) semaphore(%arg11 : memref<!tpu.dma_semaphore, #tpu.memory_space<semaphore_mem>>)
    %scan3A = arith.constant 0 : i32
    %scan3A_101 = arith.constant 0 : i32
    %scan3A_102 = arith.constant 40 : i32
    %scan3A_103 = arith.addi %scan3A_101, %scan3A_102 : i32
    %scan3A_104 = arith.constant 1 : i32
    scf.for %scan3A_107 = %scan3A_101 to %scan3A_103 step %scan3A_104  : i32 {
      %mul3A_108 = arith.constant 2 : i32
      %mul3A_109 = arith.muli %mul3A_108, %scan3A_107 : i32
      %mul3A_110 = arith.constant 2 : i32
      %mul3A_111 = arith.muli %mul3A_110, %scan3A_107 : i32
      %add3A_112 = arith.constant 1 : i32
      %add3A_113 = arith.addi %mul3A_111, %add3A_112 : i32
      %rem3A = arith.constant 16 : i32
      %rem3A_114 = arith.remsi %mul3A_109, %rem3A : i32
      %eq3A = arith.constant 0 : i32
      %eq3A_115 = arith.cmpi eq, %rem3A_114, %eq3A : i32
      %gt3A = arith.constant 0 : i32
      %gt3A_116 = arith.cmpi sgt, %mul3A_109, %gt3A : i32
      %and3A = arith.andi %eq3A_115, %gt3A_116 : i1
      %convert_element_type3A = arith.extui %and3A : i1 to i32
      %cond3A = arith.constant 0 : i32
      %cond3A_117 = arith.cmpi ne, %convert_element_type3A, %cond3A : i32
      scf.if %cond3A_117 {
        %jit3A = arith.constant 16 : i32
        %div3A = arith.divsi %mul3A_109, %jit3A : i32
        %sign3A = arith.constant 0 : i32
        %sign3A_144 = arith.cmpi sgt, %mul3A_109, %sign3A : i32
        %sign3A_145 = arith.extui %sign3A_144 : i1 to i32
        %sign3A_146 = arith.constant 0 : i32
        %sign3A_147 = arith.cmpi slt, %mul3A_109, %sign3A_146 : i32
        %sign3A_148 = arith.extui %sign3A_147 : i1 to i32
        %sign3A_149 = arith.subi %sign3A_145, %sign3A_148 : i32
        %sign3A_150 = arith.constant 0 : i32
        %sign3A_151 = arith.cmpi sgt, %jit3A, %sign3A_150 : i32
        %sign3A_152 = arith.extui %sign3A_151 : i1 to i32
        %sign3A_153 = arith.constant 0 : i32
        %sign3A_154 = arith.cmpi slt, %jit3A, %sign3A_153 : i32
        %sign3A_155 = arith.extui %sign3A_154 : i1 to i32
        %sign3A_156 = arith.subi %sign3A_152, %sign3A_155 : i32
        %ne3A = arith.cmpi ne, %sign3A_149, %sign3A_156 : i32
        %rem3A_157 = arith.remsi %mul3A_109, %jit3A : i32
        %ne3A_158 = arith.constant 0 : i32
        %ne3A_159 = arith.cmpi ne, %rem3A_157, %ne3A_158 : i32
        %and3A_160 = arith.andi %ne3A, %ne3A_159 : i1
        %sub3A = arith.constant 1 : i32
        %sub3A_161 = arith.subi %div3A, %sub3A : i32
        %select_n3A = arith.select %and3A_160, %sub3A_161, %div3A : i32
        %add3A_162 = arith.constant 1 : i32
        %add3A_163 = arith.addi %select_n3A, %add3A_162 : i32
        %lt3A_164 = arith.constant 5 : i32
        %lt3A_165 = arith.cmpi slt, %add3A_163, %lt3A_164 : i32
        %convert_element_type3A_166 = arith.extui %lt3A_165 : i1 to i32
        %cond3A_167 = arith.constant 0 : i32
        %cond3A_168 = arith.cmpi ne, %convert_element_type3A_166, %cond3A_167 : i32
        scf.if %cond3A_168 {
          %add3A_176 = arith.constant 1 : i32
          %add3A_177 = arith.addi %select_n3A, %add3A_176 : i32
          %rem3A_178 = arith.constant 3 : i32
          %rem3A_179 = arith.remsi %add3A_177, %rem3A_178 : i32
          %mul3A_180 = arith.constant 16 : i32
          %mul3A_181 = arith.muli %rem3A_179, %mul3A_180 : i32
          %multiple_of3A_182 = tpu.assume_multiple %mul3A_181, 8 : i32
          %add3A_183 = arith.constant 1 : i32
          %add3A_184 = arith.addi %select_n3A, %add3A_183 : i32
          %mul3A_185 = arith.constant 16 : i32
          %mul3A_186 = arith.muli %add3A_184, %mul3A_185 : i32
          %add3A_187 = arith.addi %multiple_of3A_5, %mul3A_186 : i32
          %multiple_of3A_188 = tpu.assume_multiple %add3A_187, 8 : i32
          %dma_wait3A_189 = arith.constant 0 : i32
          %dma_wait3A_190 = arith.constant 0 : i32
          %dma_wait3A_191 = tpu.memref_slice %arg6[%multiple_of3A_182, %dma_wait3A_190] : memref<48x125xi32, #tpu.memory_space<vmem>> -> memref<16x125xi32, #tpu.memory_space<vmem>>
          %dma_wait3A_192 = arith.constant 0 : i32
          %dma_wait3A_193 = tpu.memref_slice %arg3[%dma_wait3A_189, %multiple_of3A_188, %dma_wait3A_192] : memref<2x2560x125xi32, #tpu.memory_space<hbm>> -> memref<1x16x125xi32, #tpu.memory_space<hbm>>
          %dma_wait3A_194 = tpu.memref_squeeze %dma_wait3A_193 : memref<1x16x125xi32, #tpu.memory_space<hbm>> -> memref<16x125xi32, #tpu.memory_space<hbm>>
          %dma_wait3A_195 = arith.constant 0 : i32
          %dma_wait3A_196 = tpu.memref_slice %arg6[%multiple_of3A_182, %dma_wait3A_195] : memref<48x125xi32, #tpu.memory_space<vmem>> -> memref<16x125xi32, #tpu.memory_space<vmem>>
          %dma_wait3A_197 = arith.constant 0 : i32
          %dma_wait3A_198 = tpu.memref_slice %arg3[%dma_wait3A_189, %multiple_of3A_188, %dma_wait3A_197] : memref<2x2560x125xi32, #tpu.memory_space<hbm>> -> memref<1x16x125xi32, #tpu.memory_space<hbm>>
          %dma_wait3A_199 = tpu.memref_squeeze %dma_wait3A_198 : memref<1x16x125xi32, #tpu.memory_space<hbm>> -> memref<16x125xi32, #tpu.memory_space<hbm>>
          tpu.wait_dma2 semaphore(%arg13 : memref<!tpu.dma_semaphore, #tpu.memory_space<semaphore_mem>>) src(%dma_wait3A_199 : memref<16x125xi32, #tpu.memory_space<hbm>>) dst(%dma_wait3A_196 : memref<16x125xi32, #tpu.memory_space<vmem>>)
          %dma_wait3A_200 = arith.constant 1 : i32
          %dma_wait3A_201 = arith.constant 0 : i32
          %dma_wait3A_202 = tpu.memref_slice %arg7[%multiple_of3A_182, %dma_wait3A_201] : memref<48x125xi32, #tpu.memory_space<vmem>> -> memref<16x125xi32, #tpu.memory_space<vmem>>
          %dma_wait3A_203 = arith.constant 0 : i32
          %dma_wait3A_204 = tpu.memref_slice %arg3[%dma_wait3A_200, %multiple_of3A_188, %dma_wait3A_203] : memref<2x2560x125xi32, #tpu.memory_space<hbm>> -> memref<1x16x125xi32, #tpu.memory_space<hbm>>
          %dma_wait3A_205 = tpu.memref_squeeze %dma_wait3A_204 : memref<1x16x125xi32, #tpu.memory_space<hbm>> -> memref<16x125xi32, #tpu.memory_space<hbm>>
          %dma_wait3A_206 = arith.constant 0 : i32
          %dma_wait3A_207 = tpu.memref_slice %arg7[%multiple_of3A_182, %dma_wait3A_206] : memref<48x125xi32, #tpu.memory_space<vmem>> -> memref<16x125xi32, #tpu.memory_space<vmem>>
          %dma_wait3A_208 = arith.constant 0 : i32
          %dma_wait3A_209 = tpu.memref_slice %arg3[%dma_wait3A_200, %multiple_of3A_188, %dma_wait3A_208] : memref<2x2560x125xi32, #tpu.memory_space<hbm>> -> memref<1x16x125xi32, #tpu.memory_space<hbm>>
          %dma_wait3A_210 = tpu.memref_squeeze %dma_wait3A_209 : memref<1x16x125xi32, #tpu.memory_space<hbm>> -> memref<16x125xi32, #tpu.memory_space<hbm>>
          tpu.wait_dma2 semaphore(%arg13 : memref<!tpu.dma_semaphore, #tpu.memory_space<semaphore_mem>>) src(%dma_wait3A_210 : memref<16x125xi32, #tpu.memory_space<hbm>>) dst(%dma_wait3A_207 : memref<16x125xi32, #tpu.memory_space<vmem>>)
        } else {
        }
        %add3A_169 = arith.constant 2 : i32
        %add3A_170 = arith.addi %select_n3A, %add3A_169 : i32
        %lt3A_171 = arith.constant 5 : i32
        %lt3A_172 = arith.cmpi slt, %add3A_170, %lt3A_171 : i32
        %convert_element_type3A_173 = arith.extui %lt3A_172 : i1 to i32
        %cond3A_174 = arith.constant 0 : i32
        %cond3A_175 = arith.cmpi ne, %convert_element_type3A_173, %cond3A_174 : i32
        scf.if %cond3A_175 {
          %add3A_176 = arith.constant 2 : i32
          %add3A_177 = arith.addi %select_n3A, %add3A_176 : i32
          %mul3A_178 = arith.constant 16 : i32
          %mul3A_179 = arith.muli %add3A_177, %mul3A_178 : i32
          %add3A_180 = arith.addi %multiple_of3A_5, %mul3A_179 : i32
          %multiple_of3A_181 = tpu.assume_multiple %add3A_180, 8 : i32
          %add3A_182 = arith.constant 2 : i32
          %add3A_183 = arith.addi %select_n3A, %add3A_182 : i32
          %rem3A_184 = arith.constant 3 : i32
          %rem3A_185 = arith.remsi %add3A_183, %rem3A_184 : i32
          %mul3A_186 = arith.constant 16 : i32
          %mul3A_187 = arith.muli %rem3A_185, %mul3A_186 : i32
          %multiple_of3A_188 = tpu.assume_multiple %mul3A_187, 8 : i32
          %dma_start3A_189 = arith.constant 0 : i32
          %dma_start3A_190 = arith.constant 0 : i32
          %dma_start3A_191 = tpu.memref_slice %arg6[%multiple_of3A_188, %dma_start3A_190] : memref<48x125xi32, #tpu.memory_space<vmem>> -> memref<16x125xi32, #tpu.memory_space<vmem>>
          %dma_start3A_192 = arith.constant 0 : i32
          %dma_start3A_193 = tpu.memref_slice %arg3[%dma_start3A_189, %multiple_of3A_181, %dma_start3A_192] : memref<2x2560x125xi32, #tpu.memory_space<hbm>> -> memref<1x16x125xi32, #tpu.memory_space<hbm>>
          %dma_start3A_194 = tpu.memref_squeeze %dma_start3A_193 : memref<1x16x125xi32, #tpu.memory_space<hbm>> -> memref<16x125xi32, #tpu.memory_space<hbm>>
          %dma_start3A_195 = arith.constant 0 : i32
          %dma_start3A_196 = tpu.memref_slice %arg6[%multiple_of3A_188, %dma_start3A_195] : memref<48x125xi32, #tpu.memory_space<vmem>> -> memref<16x125xi32, #tpu.memory_space<vmem>>
          %dma_start3A_197 = arith.constant 0 : i32
          %dma_start3A_198 = tpu.memref_slice %arg3[%dma_start3A_189, %multiple_of3A_181, %dma_start3A_197] : memref<2x2560x125xi32, #tpu.memory_space<hbm>> -> memref<1x16x125xi32, #tpu.memory_space<hbm>>
          %dma_start3A_199 = tpu.memref_squeeze %dma_start3A_198 : memref<1x16x125xi32, #tpu.memory_space<hbm>> -> memref<16x125xi32, #tpu.memory_space<hbm>>
          tpu.enqueue_dma source(%dma_start3A_199 : memref<16x125xi32, #tpu.memory_space<hbm>>) target(%dma_start3A_196 : memref<16x125xi32, #tpu.memory_space<vmem>>) target_semaphore(%arg13 : memref<!tpu.dma_semaphore, #tpu.memory_space<semaphore_mem>>)
          %dma_start3A_200 = arith.constant 1 : i32
          %dma_start3A_201 = arith.constant 0 : i32
          %dma_start3A_202 = tpu.memref_slice %arg7[%multiple_of3A_188, %dma_start3A_201] : memref<48x125xi32, #tpu.memory_space<vmem>> -> memref<16x125xi32, #tpu.memory_space<vmem>>
          %dma_start3A_203 = arith.constant 0 : i32
          %dma_start3A_204 = tpu.memref_slice %arg3[%dma_start3A_200, %multiple_of3A_181, %dma_start3A_203] : memref<2x2560x125xi32, #tpu.memory_space<hbm>> -> memref<1x16x125xi32, #tpu.memory_space<hbm>>
          %dma_start3A_205 = tpu.memref_squeeze %dma_start3A_204 : memref<1x16x125xi32, #tpu.memory_space<hbm>> -> memref<16x125xi32, #tpu.memory_space<hbm>>
          %dma_start3A_206 = arith.constant 0 : i32
          %dma_start3A_207 = tpu.memref_slice %arg7[%multiple_of3A_188, %dma_start3A_206] : memref<48x125xi32, #tpu.memory_space<vmem>> -> memref<16x125xi32, #tpu.memory_space<vmem>>
          %dma_start3A_208 = arith.constant 0 : i32
          %dma_start3A_209 = tpu.memref_slice %arg3[%dma_start3A_200, %multiple_of3A_181, %dma_start3A_208] : memref<2x2560x125xi32, #tpu.memory_space<hbm>> -> memref<1x16x125xi32, #tpu.memory_space<hbm>>
          %dma_start3A_210 = tpu.memref_squeeze %dma_start3A_209 : memref<1x16x125xi32, #tpu.memory_space<hbm>> -> memref<16x125xi32, #tpu.memory_space<hbm>>
          tpu.enqueue_dma source(%dma_start3A_210 : memref<16x125xi32, #tpu.memory_space<hbm>>) target(%dma_start3A_207 : memref<16x125xi32, #tpu.memory_space<vmem>>) target_semaphore(%arg13 : memref<!tpu.dma_semaphore, #tpu.memory_space<semaphore_mem>>)
        } else {
        }
      } else {
      }
      %rem3A_118 = arith.constant 48 : i32
      %rem3A_119 = arith.remsi %mul3A_109, %rem3A_118 : i32
      %rem3A_120 = arith.constant 48 : i32
      %rem3A_121 = arith.remsi %add3A_113, %rem3A_120 : i32
      %dma_start3A_122 = arith.constant 0 : i32
      %dma_start3A_123 = tpu.memref_slice %arg6[%rem3A_121, %dma_start3A_122] : memref<48x125xi32, #tpu.memory_space<vmem>> -> memref<1x125xi32, #tpu.memory_space<vmem>>
      %dma_start3A_124 = tpu.memref_squeeze %dma_start3A_123 : memref<1x125xi32, #tpu.memory_space<vmem>> -> memref<125xi32, #tpu.memory_space<vmem>>
      %dma_start3A_125 = arith.constant 0 : i32
      %dma_start3A_126 = arith.constant 0 : i32
      %dma_start3A_127 = tpu.memref_slice %arg2[%dma_start3A_125, %dma_start3A_126] : memref<10000x128xf32, #tpu.memory_space<hbm>> -> memref<10000x128xf32, #tpu.memory_space<hbm>>
      tpu.enqueue_indirect_dma source(%dma_start3A_127 : memref<10000x128xf32, #tpu.memory_space<hbm>>) target(%arg9 : memref<125x128xf32, #tpu.memory_space<vmem>>) offsets(%dma_start3A_124 : memref<125xi32, #tpu.memory_space<vmem>>) semaphore(%arg12 : memref<!tpu.dma_semaphore, #tpu.memory_space<semaphore_mem>>)
      %dma_wait3A_128 = arith.constant 0 : i32
      %dma_wait3A_129 = tpu.memref_slice %arg6[%rem3A_119, %dma_wait3A_128] : memref<48x125xi32, #tpu.memory_space<vmem>> -> memref<1x125xi32, #tpu.memory_space<vmem>>
      %dma_wait3A_130 = tpu.memref_squeeze %dma_wait3A_129 : memref<1x125xi32, #tpu.memory_space<vmem>> -> memref<125xi32, #tpu.memory_space<vmem>>
      %dma_wait3A_131 = arith.constant 0 : i32
      %dma_wait3A_132 = arith.constant 0 : i32
      %dma_wait3A_133 = tpu.memref_slice %arg2[%dma_wait3A_131, %dma_wait3A_132] : memref<10000x128xf32, #tpu.memory_space<hbm>> -> memref<10000x128xf32, #tpu.memory_space<hbm>>
      tpu.wait_indirect_dma semaphore(%arg11 : memref<!tpu.dma_semaphore, #tpu.memory_space<semaphore_mem>>) src(%dma_wait3A_133 : memref<10000x128xf32, #tpu.memory_space<hbm>>) dst(%arg8 : memref<125x128xf32, #tpu.memory_space<vmem>>)
      "tpu.region"() ({
        %run_scoped3A = tpu.sem_alloc : memref<!tpu.dma_semaphore, #tpu.memory_space<semaphore_mem>>
        %dma_start3A_144 = arith.constant 0 : i32
        %dma_start3A_145 = tpu.memref_slice %arg7[%rem3A_119, %dma_start3A_144] : memref<48x125xi32, #tpu.memory_space<vmem>> -> memref<1x125xi32, #tpu.memory_space<vmem>>
        %dma_start3A_146 = tpu.memref_squeeze %dma_start3A_145 : memref<1x125xi32, #tpu.memory_space<vmem>> -> memref<125xi32, #tpu.memory_space<vmem>>
        %dma_start3A_147 = arith.constant 0 : i32
        %dma_start3A_148 = arith.constant 0 : i32
        %dma_start3A_149 = tpu.memref_slice %arg10[%dma_start3A_147, %dma_start3A_148] : memref<10240x128xf32, #tpu.memory_space<vmem_shared>> -> memref<10240x128xf32, #tpu.memory_space<vmem_shared>>
        tpu.enqueue_indirect_dma source(%arg8 : memref<125x128xf32, #tpu.memory_space<vmem>>) target(%dma_start3A_149 : memref<10240x128xf32, #tpu.memory_space<vmem_shared>>) offsets(%dma_start3A_146 : memref<125xi32, #tpu.memory_space<vmem>>) semaphore(%run_scoped3A : memref<!tpu.dma_semaphore, #tpu.memory_space<semaphore_mem>>) {add = true}
        %dma_wait3A_150 = arith.constant 0 : i32
        %dma_wait3A_151 = tpu.memref_slice %arg7[%rem3A_119, %dma_wait3A_150] : memref<48x125xi32, #tpu.memory_space<vmem>> -> memref<1x125xi32, #tpu.memory_space<vmem>>
        %dma_wait3A_152 = tpu.memref_squeeze %dma_wait3A_151 : memref<1x125xi32, #tpu.memory_space<vmem>> -> memref<125xi32, #tpu.memory_space<vmem>>
        %dma_wait3A_153 = arith.constant 0 : i32
        %dma_wait3A_154 = arith.constant 0 : i32
        %dma_wait3A_155 = tpu.memref_slice %arg10[%dma_wait3A_153, %dma_wait3A_154] : memref<10240x128xf32, #tpu.memory_space<vmem_shared>> -> memref<10240x128xf32, #tpu.memory_space<vmem_shared>>
        tpu.wait_indirect_dma semaphore(%run_scoped3A : memref<!tpu.dma_semaphore, #tpu.memory_space<semaphore_mem>>) src(%arg8 : memref<125x128xf32, #tpu.memory_space<vmem>>) dst(%dma_wait3A_155 : memref<10240x128xf32, #tpu.memory_space<vmem_shared>>)
        tpu.yield
      }) : () -> ()
      %lt3A = arith.constant 39 : i32
      %lt3A_134 = arith.cmpi slt, %scan3A_107, %lt3A : i32
      %convert_element_type3A_135 = arith.extui %lt3A_134 : i1 to i32
      %cond3A_136 = arith.constant 0 : i32
      %cond3A_137 = arith.cmpi ne, %convert_element_type3A_135, %cond3A_136 : i32
      scf.if %cond3A_137 {
        %add3A_144 = arith.constant 2 : i32
        %add3A_145 = arith.addi %mul3A_109, %add3A_144 : i32
        %rem3A_146 = arith.constant 48 : i32
        %rem3A_147 = arith.remsi %add3A_145, %rem3A_146 : i32
        %dma_start3A_148 = arith.constant 0 : i32
        %dma_start3A_149 = tpu.memref_slice %arg6[%rem3A_147, %dma_start3A_148] : memref<48x125xi32, #tpu.memory_space<vmem>> -> memref<1x125xi32, #tpu.memory_space<vmem>>
        %dma_start3A_150 = tpu.memref_squeeze %dma_start3A_149 : memref<1x125xi32, #tpu.memory_space<vmem>> -> memref<125xi32, #tpu.memory_space<vmem>>
        %dma_start3A_151 = arith.constant 0 : i32
        %dma_start3A_152 = arith.constant 0 : i32
        %dma_start3A_153 = tpu.memref_slice %arg2[%dma_start3A_151, %dma_start3A_152] : memref<10000x128xf32, #tpu.memory_space<hbm>> -> memref<10000x128xf32, #tpu.memory_space<hbm>>
        tpu.enqueue_indirect_dma source(%dma_start3A_153 : memref<10000x128xf32, #tpu.memory_space<hbm>>) target(%arg8 : memref<125x128xf32, #tpu.memory_space<vmem>>) offsets(%dma_start3A_150 : memref<125xi32, #tpu.memory_space<vmem>>) semaphore(%arg11 : memref<!tpu.dma_semaphore, #tpu.memory_space<semaphore_mem>>)
      } else {
      }
      %dma_wait3A_138 = arith.constant 0 : i32
      %dma_wait3A_139 = tpu.memref_slice %arg6[%rem3A_121, %dma_wait3A_138] : memref<48x125xi32, #tpu.memory_space<vmem>> -> memref<1x125xi32, #tpu.memory_space<vmem>>
      %dma_wait3A_140 = tpu.memref_squeeze %dma_wait3A_139 : memref<1x125xi32, #tpu.memory_space<vmem>> -> memref<125xi32, #tpu.memory_space<vmem>>
      %dma_wait3A_141 = arith.constant 0 : i32
      %dma_wait3A_142 = arith.constant 0 : i32
      %dma_wait3A_143 = tpu.memref_slice %arg2[%dma_wait3A_141, %dma_wait3A_142] : memref<10000x128xf32, #tpu.memory_space<hbm>> -> memref<10000x128xf32, #tpu.memory_space<hbm>>
      tpu.wait_indirect_dma semaphore(%arg12 : memref<!tpu.dma_semaphore, #tpu.memory_space<semaphore_mem>>) src(%dma_wait3A_143 : memref<10000x128xf32, #tpu.memory_space<hbm>>) dst(%arg9 : memref<125x128xf32, #tpu.memory_space<vmem>>)
      "tpu.region"() ({
        %run_scoped3A = tpu.sem_alloc : memref<!tpu.dma_semaphore, #tpu.memory_space<semaphore_mem>>
        %dma_start3A_144 = arith.constant 0 : i32
        %dma_start3A_145 = tpu.memref_slice %arg7[%rem3A_121, %dma_start3A_144] : memref<48x125xi32, #tpu.memory_space<vmem>> -> memref<1x125xi32, #tpu.memory_space<vmem>>
        %dma_start3A_146 = tpu.memref_squeeze %dma_start3A_145 : memref<1x125xi32, #tpu.memory_space<vmem>> -> memref<125xi32, #tpu.memory_space<vmem>>
        %dma_start3A_147 = arith.constant 0 : i32
        %dma_start3A_148 = arith.constant 0 : i32
        %dma_start3A_149 = tpu.memref_slice %arg10[%dma_start3A_147, %dma_start3A_148] : memref<10240x128xf32, #tpu.memory_space<vmem_shared>> -> memref<10240x128xf32, #tpu.memory_space<vmem_shared>>
        tpu.enqueue_indirect_dma source(%arg9 : memref<125x128xf32, #tpu.memory_space<vmem>>) target(%dma_start3A_149 : memref<10240x128xf32, #tpu.memory_space<vmem_shared>>) offsets(%dma_start3A_146 : memref<125xi32, #tpu.memory_space<vmem>>) semaphore(%run_scoped3A : memref<!tpu.dma_semaphore, #tpu.memory_space<semaphore_mem>>) {add = true}
        %dma_wait3A_150 = arith.constant 0 : i32
        %dma_wait3A_151 = tpu.memref_slice %arg7[%rem3A_121, %dma_wait3A_150] : memref<48x125xi32, #tpu.memory_space<vmem>> -> memref<1x125xi32, #tpu.memory_space<vmem>>
        %dma_wait3A_152 = tpu.memref_squeeze %dma_wait3A_151 : memref<1x125xi32, #tpu.memory_space<vmem>> -> memref<125xi32, #tpu.memory_space<vmem>>
        %dma_wait3A_153 = arith.constant 0 : i32
        %dma_wait3A_154 = arith.constant 0 : i32
        %dma_wait3A_155 = tpu.memref_slice %arg10[%dma_wait3A_153, %dma_wait3A_154] : memref<10240x128xf32, #tpu.memory_space<vmem_shared>> -> memref<10240x128xf32, #tpu.memory_space<vmem_shared>>
        tpu.wait_indirect_dma semaphore(%run_scoped3A : memref<!tpu.dma_semaphore, #tpu.memory_space<semaphore_mem>>) src(%arg9 : memref<125x128xf32, #tpu.memory_space<vmem>>) dst(%dma_wait3A_155 : memref<10240x128xf32, #tpu.memory_space<vmem_shared>>)
        tpu.yield
      }) : () -> ()
    }
    %scan3A_105 = arith.constant 40 : i32
    %barrier3A_106 = arith.constant 0 : index
    tpu.barrier barrier_id(%barrier3A_106)
    "tpu.region"() ({
      %run_scoped3A = tpu.sem_alloc : memref<!tpu.dma_semaphore, #tpu.memory_space<semaphore_mem>>
      %dma_start3A_107 = arith.constant 0 : i32
      %dma_start3A_108 = tpu.memref_slice %arg5[%arg0, %multiple_of3A, %dma_start3A_107] : memref<2x10240x128xf32, #tpu.memory_space<hbm>> -> memref<1x640x128xf32, #tpu.memory_space<hbm>>
      %dma_start3A_109 = tpu.memref_squeeze %dma_start3A_108 : memref<1x640x128xf32, #tpu.memory_space<hbm>> -> memref<640x128xf32, #tpu.memory_space<hbm>>
      %dma_start3A_110 = arith.constant 0 : i32
      %dma_start3A_111 = tpu.memref_slice %arg10[%multiple_of3A, %dma_start3A_110] : memref<10240x128xf32, #tpu.memory_space<vmem_shared>> -> memref<640x128xf32, #tpu.memory_space<vmem_shared>>
      tpu.enqueue_dma source(%dma_start3A_111 : memref<640x128xf32, #tpu.memory_space<vmem_shared>>) target(%dma_start3A_109 : memref<640x128xf32, #tpu.memory_space<hbm>>) target_semaphore(%run_scoped3A : memref<!tpu.dma_semaphore, #tpu.memory_space<semaphore_mem>>)
      %dma_wait3A_112 = arith.constant 0 : i32
      %dma_wait3A_113 = tpu.memref_slice %arg5[%arg0, %multiple_of3A, %dma_wait3A_112] : memref<2x10240x128xf32, #tpu.memory_space<hbm>> -> memref<1x640x128xf32, #tpu.memory_space<hbm>>
      %dma_wait3A_114 = tpu.memref_squeeze %dma_wait3A_113 : memref<1x640x128xf32, #tpu.memory_space<hbm>> -> memref<640x128xf32, #tpu.memory_space<hbm>>
      %dma_wait3A_115 = arith.constant 0 : i32
      %dma_wait3A_116 = tpu.memref_slice %arg10[%multiple_of3A, %dma_wait3A_115] : memref<10240x128xf32, #tpu.memory_space<vmem_shared>> -> memref<640x128xf32, #tpu.memory_space<vmem_shared>>
      tpu.wait_dma2 semaphore(%run_scoped3A : memref<!tpu.dma_semaphore, #tpu.memory_space<semaphore_mem>>) src(%dma_wait3A_116 : memref<640x128xf32, #tpu.memory_space<vmem_shared>>) dst(%dma_wait3A_114 : memref<640x128xf32, #tpu.memory_space<hbm>>)
      tpu.yield
    }) : () -> ()
    return
  }
}

module attributes {stable_mosaic.version = 14 : i64} {
  func.func @body(%arg0: i32, %arg1: memref<5000x128xf32, #tpu.memory_space<vmem>>, %arg2: memref<128x128xf32, #tpu.memory_space<vmem>>, %arg3: memref<128x128xf32, #tpu.memory_space<vmem>>, %arg4: memref<1x128xf32, #tpu.memory_space<vmem>>, %arg5: memref<5000x128xf32, #tpu.memory_space<vmem>>, %arg6: memref<5000x128xf32, #tpu.memory_space<vmem>>) attributes {dimension_semantics = [#tpu.dimension_semantics<arbitrary>], iteration_bounds = array<i64: 2>, scalar_prefetch = 0 : i64, scratch_operands = 0 : i64, tpu.core_type = #tpu.core_type<tc>, window_params = [{transform_indices = @transform_0, window_bounds = array<i64: 5000, 128>}, {pipeline_mode = #tpu.pipeline_mode<synchronous>, transform_indices = @transform_1, window_bounds = array<i64: 128, 128>}, {pipeline_mode = #tpu.pipeline_mode<synchronous>, transform_indices = @transform_2, window_bounds = array<i64: 128, 128>}, {pipeline_mode = #tpu.pipeline_mode<synchronous>, transform_indices = @transform_3, window_bounds = array<i64: 1, 128>}, {transform_indices = @transform_4, window_bounds = array<i64: 5000, 128>}, {transform_indices = @transform_5, window_bounds = array<i64: 5000, 128>}]} {
    %get3A = arith.constant 0 : index
    %get3A_0 = arith.constant 0 : index
    %get3A_1 = vector.load %arg1[%get3A, %get3A_0] : memref<5000x128xf32, #tpu.memory_space<vmem>>, vector<5000x128xf32>
    %get3A_2 = arith.constant 0 : index
    %get3A_3 = arith.constant 0 : index
    %get3A_4 = vector.load %arg2[%get3A_2, %get3A_3] : memref<128x128xf32, #tpu.memory_space<vmem>>, vector<128x128xf32>
    %dot_general3A = arith.constant dense<0.000000e+00> : vector<5000x128xf32>
    %dot_general3A_5 = tpu.matmul %get3A_1, %get3A_4, %dot_general3A {dimension_numbers = #tpu.dot_dimension_numbers<[1], [0], [0], [1], [0, 0, 1, 1], [], []>, transpose_lhs_hint = false} : vector<5000x128xf32>, vector<128x128xf32>, vector<5000x128xf32> -> vector<5000x128xf32>
    %swap3A = arith.constant 0 : index
    %swap3A_6 = arith.constant 0 : index
    %swap3A_7 = vector.load %arg5[%swap3A, %swap3A_6] : memref<5000x128xf32, #tpu.memory_space<vmem>>, vector<5000x128xf32>
    tpu.vector_store %arg5[%swap3A, %swap3A_6], %dot_general3A_5 {strides = array<i32>} : memref<5000x128xf32, #tpu.memory_space<vmem>>, vector<5000x128xf32>,
    %get3A_8 = arith.constant 0 : index
    %get3A_9 = arith.constant 0 : index
    %get3A_10 = vector.load %arg3[%get3A_8, %get3A_9] : memref<128x128xf32, #tpu.memory_space<vmem>>, vector<128x128xf32>
    %dot_general3A_11 = arith.constant dense<0.000000e+00> : vector<5000x128xf32>
    %dot_general3A_12 = tpu.matmul %get3A_1, %get3A_10, %dot_general3A_11 {dimension_numbers = #tpu.dot_dimension_numbers<[1], [0], [0], [1], [0, 0, 1, 1], [], []>, transpose_lhs_hint = false} : vector<5000x128xf32>, vector<128x128xf32>, vector<5000x128xf32> -> vector<5000x128xf32>
    %get3A_13 = arith.constant 0 : index
    %get3A_14 = arith.constant 0 : index
    %get3A_15 = vector.load %arg4[%get3A_13, %get3A_14] : memref<1x128xf32, #tpu.memory_space<vmem>>, vector<1x128xf32>
    %add3A = vector.broadcast %get3A_15 : vector<1x128xf32> to vector<5000x128xf32>
    %add3A_16 = arith.addf %dot_general3A_12, %add3A : vector<5000x128xf32>
    %swap3A_17 = arith.constant 0 : index
    %swap3A_18 = arith.constant 0 : index
    %swap3A_19 = vector.load %arg6[%swap3A_17, %swap3A_18] : memref<5000x128xf32, #tpu.memory_space<vmem>>, vector<5000x128xf32>
    tpu.vector_store %arg6[%swap3A_17, %swap3A_18], %add3A_16 {strides = array<i32>} : memref<5000x128xf32, #tpu.memory_space<vmem>>, vector<5000x128xf32>,
    return
  }
  func.func @transform_0(%arg0: i32) -> (i32, i32) {
    %c0_i32 = arith.constant 0 : i32
    %c0_i32_0 = arith.constant 0 : i32
    return %arg0, %c0_i32 : i32, i32
  }
  func.func @transform_1(%arg0: i32) -> (i32, i32) {
    %c0_i32 = arith.constant 0 : i32
    %c0_i32_0 = arith.constant 0 : i32
    %c0_i32_1 = arith.constant 0 : i32
    return %c0_i32, %c0_i32_0 : i32, i32
  }
  func.func @transform_2(%arg0: i32) -> (i32, i32) {
    %c0_i32 = arith.constant 0 : i32
    %c0_i32_0 = arith.constant 0 : i32
    %c0_i32_1 = arith.constant 0 : i32
    return %c0_i32, %c0_i32_0 : i32, i32
  }
  func.func @transform_3(%arg0: i32) -> (i32, i32) {
    %c0_i32 = arith.constant 0 : i32
    %c0_i32_0 = arith.constant 0 : i32
    %c0_i32_1 = arith.constant 0 : i32
    return %c0_i32, %c0_i32_0 : i32, i32
  }
  func.func @transform_4(%arg0: i32) -> (i32, i32) {
    %c0_i32 = arith.constant 0 : i32
    %c0_i32_0 = arith.constant 0 : i32
    return %arg0, %c0_i32 : i32, i32
  }
  func.func @transform_5(%arg0: i32) -> (i32, i32) {
    %c0_i32 = arith.constant 0 : i32
    %c0_i32_0 = arith.constant 0 : i32
    return %arg0, %c0_i32 : i32, i32
  }
}

module attributes {stable_mosaic.version = 14 : i64} {
  func.func @body(%arg0: i32, %arg1: memref<2x5000x128xf32, #tpu.memory_space<vmem>>, %arg2: memref<2x5000x1xf32, #tpu.memory_space<vmem>>, %arg3: memref<5000x128xf32, #tpu.memory_space<vmem>>, %arg4: memref<128x128xf32, #tpu.memory_space<vmem>>, %arg5: memref<128x128xf32, #tpu.memory_space<vmem>>, %arg6: memref<1x128xf32, #tpu.memory_space<vmem>>, %arg7: memref<5000x128xf32, #tpu.memory_space<vmem>>, %arg8: memref<5000x128xf32, #tpu.memory_space<vmem>>) attributes {dimension_semantics = [#tpu.dimension_semantics<arbitrary>], iteration_bounds = array<i64: 2>, scalar_prefetch = 0 : i64, scratch_operands = 0 : i64, tpu.core_type = #tpu.core_type<tc>, window_params = [{transform_indices = @transform_0, window_bounds = array<i64: 2, 5000, 128>}, {transform_indices = @transform_1, window_bounds = array<i64: 2, 5000, 1>}, {transform_indices = @transform_2, window_bounds = array<i64: 5000, 128>}, {pipeline_mode = #tpu.pipeline_mode<synchronous>, transform_indices = @transform_3, window_bounds = array<i64: 128, 128>}, {pipeline_mode = #tpu.pipeline_mode<synchronous>, transform_indices = @transform_4, window_bounds = array<i64: 128, 128>}, {pipeline_mode = #tpu.pipeline_mode<synchronous>, transform_indices = @transform_5, window_bounds = array<i64: 1, 128>}, {transform_indices = @transform_6, window_bounds = array<i64: 5000, 128>}, {transform_indices = @transform_7, window_bounds = array<i64: 5000, 128>}]} {
    %get3A = arith.constant 0 : index
    %get3A_0 = arith.constant 0 : index
    %get3A_1 = arith.constant 0 : index
    %get3A_2 = vector.load %arg1[%get3A, %get3A_0, %get3A_1] : memref<2x5000x128xf32, #tpu.memory_space<vmem>>, vector<1x5000x128xf32>
    %get3A_3 = vector.shape_cast %get3A_2 : vector<1x5000x128xf32> to vector<5000x128xf32>
    %get3A_4 = arith.constant 1 : index
    %get3A_5 = arith.constant 0 : index
    %get3A_6 = arith.constant 0 : index
    %get3A_7 = vector.load %arg1[%get3A_4, %get3A_5, %get3A_6] : memref<2x5000x128xf32, #tpu.memory_space<vmem>>, vector<1x5000x128xf32>
    %get3A_8 = vector.shape_cast %get3A_7 : vector<1x5000x128xf32> to vector<5000x128xf32>
    %add3A = arith.addf %get3A_3, %get3A_8 : vector<5000x128xf32>
    %get3A_9 = arith.constant 0 : index
    %get3A_10 = arith.constant 0 : index
    %get3A_11 = arith.constant 0 : index
    %get3A_12 = vector.load %arg2[%get3A_9, %get3A_10, %get3A_11] : memref<2x5000x1xf32, #tpu.memory_space<vmem>>, vector<1x5000x1xf32>
    %get3A_13 = vector.shape_cast %get3A_12 : vector<1x5000x1xf32> to vector<5000x1xf32>
    %get3A_14 = arith.constant 1 : index
    %get3A_15 = arith.constant 0 : index
    %get3A_16 = arith.constant 0 : index
    %get3A_17 = vector.load %arg2[%get3A_14, %get3A_15, %get3A_16] : memref<2x5000x1xf32, #tpu.memory_space<vmem>>, vector<1x5000x1xf32>
    %get3A_18 = vector.shape_cast %get3A_17 : vector<1x5000x1xf32> to vector<5000x1xf32>
    %add3A_19 = arith.addf %get3A_13, %get3A_18 : vector<5000x1xf32>
    %max3A = arith.constant 1.000000e+00 : f32
    %max3A_20 = vector.broadcast %max3A : f32 to vector<5000x1xf32>
    %max3A_21 = arith.maximumf %add3A_19, %max3A_20 : vector<5000x1xf32>
    %div3A = arith.constant 1.000000e+00 : f32
    %div3A_22 = vector.broadcast %div3A : f32 to vector<5000x1xf32>
    %div3A_23 = arith.divf %div3A_22, %max3A_21 : vector<5000x1xf32>
    %mul3A = vector.broadcast %div3A_23 : vector<5000x1xf32> to vector<5000x128xf32>
    %mul3A_24 = arith.mulf %add3A, %mul3A : vector<5000x128xf32>
    %get3A_25 = arith.constant 0 : index
    %get3A_26 = arith.constant 0 : index
    %get3A_27 = vector.load %arg3[%get3A_25, %get3A_26] : memref<5000x128xf32, #tpu.memory_space<vmem>>, vector<5000x128xf32>
    %add3A_28 = arith.addf %mul3A_24, %get3A_27 : vector<5000x128xf32>
    %mul3A_29 = arith.mulf %add3A_28, %add3A_28 : vector<5000x128xf32>
    %reduce_sum3A = arith.constant dense<0.000000e+00> : vector<5000xf32>
    %reduce_sum3A_30 = vector.multi_reduction <add>, %mul3A_29, %reduce_sum3A [1] : vector<5000x128xf32> to vector<5000xf32>
    %broadcast_in_dim3A = vector.shape_cast %reduce_sum3A_30 : vector<5000xf32> to vector<5000x1xf32>
    %sqrt3A = math.sqrt %broadcast_in_dim3A : vector<5000x1xf32>
    %max3A_31 = arith.constant 9.99999996E-13 : f32
    %max3A_32 = vector.broadcast %max3A_31 : f32 to vector<5000x1xf32>
    %max3A_33 = arith.maximumf %sqrt3A, %max3A_32 : vector<5000x1xf32>
    %div3A_34 = vector.broadcast %max3A_33 : vector<5000x1xf32> to vector<5000x128xf32>
    %div3A_35 = arith.divf %add3A_28, %div3A_34 : vector<5000x128xf32>
    %max3A_36 = arith.constant 0.000000e+00 : f32
    %max3A_37 = vector.broadcast %max3A_36 : f32 to vector<5000x128xf32>
    %max3A_38 = arith.maximumf %div3A_35, %max3A_37 : vector<5000x128xf32>
    %get3A_39 = arith.constant 0 : index
    %get3A_40 = arith.constant 0 : index
    %get3A_41 = vector.load %arg4[%get3A_39, %get3A_40] : memref<128x128xf32, #tpu.memory_space<vmem>>, vector<128x128xf32>
    %dot_general3A = arith.constant dense<0.000000e+00> : vector<5000x128xf32>
    %dot_general3A_42 = tpu.matmul %max3A_38, %get3A_41, %dot_general3A {dimension_numbers = #tpu.dot_dimension_numbers<[1], [0], [0], [1], [0, 0, 1, 1], [], []>, transpose_lhs_hint = false} : vector<5000x128xf32>, vector<128x128xf32>, vector<5000x128xf32> -> vector<5000x128xf32>
    %swap3A = arith.constant 0 : index
    %swap3A_43 = arith.constant 0 : index
    %swap3A_44 = vector.load %arg7[%swap3A, %swap3A_43] : memref<5000x128xf32, #tpu.memory_space<vmem>>, vector<5000x128xf32>
    tpu.vector_store %arg7[%swap3A, %swap3A_43], %dot_general3A_42 {strides = array<i32>} : memref<5000x128xf32, #tpu.memory_space<vmem>>, vector<5000x128xf32>,
    %get3A_45 = arith.constant 0 : index
    %get3A_46 = arith.constant 0 : index
    %get3A_47 = vector.load %arg5[%get3A_45, %get3A_46] : memref<128x128xf32, #tpu.memory_space<vmem>>, vector<128x128xf32>
    %dot_general3A_48 = arith.constant dense<0.000000e+00> : vector<5000x128xf32>
    %dot_general3A_49 = tpu.matmul %max3A_38, %get3A_47, %dot_general3A_48 {dimension_numbers = #tpu.dot_dimension_numbers<[1], [0], [0], [1], [0, 0, 1, 1], [], []>, transpose_lhs_hint = false} : vector<5000x128xf32>, vector<128x128xf32>, vector<5000x128xf32> -> vector<5000x128xf32>
    %get3A_50 = arith.constant 0 : index
    %get3A_51 = arith.constant 0 : index
    %get3A_52 = vector.load %arg6[%get3A_50, %get3A_51] : memref<1x128xf32, #tpu.memory_space<vmem>>, vector<1x128xf32>
    %add3A_53 = vector.broadcast %get3A_52 : vector<1x128xf32> to vector<5000x128xf32>
    %add3A_54 = arith.addf %dot_general3A_49, %add3A_53 : vector<5000x128xf32>
    %swap3A_55 = arith.constant 0 : index
    %swap3A_56 = arith.constant 0 : index
    %swap3A_57 = vector.load %arg8[%swap3A_55, %swap3A_56] : memref<5000x128xf32, #tpu.memory_space<vmem>>, vector<5000x128xf32>
    tpu.vector_store %arg8[%swap3A_55, %swap3A_56], %add3A_54 {strides = array<i32>} : memref<5000x128xf32, #tpu.memory_space<vmem>>, vector<5000x128xf32>,
    return
  }
  func.func @transform_0(%arg0: i32) -> (i32, i32, i32) {
    %c0_i32 = arith.constant 0 : i32
    %c0_i32_0 = arith.constant 0 : i32
    %c0_i32_1 = arith.constant 0 : i32
    return %c0_i32, %arg0, %c0_i32_0 : i32, i32, i32
  }
  func.func @transform_1(%arg0: i32) -> (i32, i32, i32) {
    %c0_i32 = arith.constant 0 : i32
    %c0_i32_0 = arith.constant 0 : i32
    %c0_i32_1 = arith.constant 0 : i32
    return %c0_i32, %arg0, %c0_i32_0 : i32, i32, i32
  }
  func.func @transform_2(%arg0: i32) -> (i32, i32) {
    %c0_i32 = arith.constant 0 : i32
    %c0_i32_0 = arith.constant 0 : i32
    return %arg0, %c0_i32 : i32, i32
  }
  func.func @transform_3(%arg0: i32) -> (i32, i32) {
    %c0_i32 = arith.constant 0 : i32
    %c0_i32_0 = arith.constant 0 : i32
    %c0_i32_1 = arith.constant 0 : i32
    return %c0_i32, %c0_i32_0 : i32, i32
  }
  func.func @transform_4(%arg0: i32) -> (i32, i32) {
    %c0_i32 = arith.constant 0 : i32
    %c0_i32_0 = arith.constant 0 : i32
    %c0_i32_1 = arith.constant 0 : i32
    return %c0_i32, %c0_i32_0 : i32, i32
  }
  func.func @transform_5(%arg0: i32) -> (i32, i32) {
    %c0_i32 = arith.constant 0 : i32
    %c0_i32_0 = arith.constant 0 : i32
    %c0_i32_1 = arith.constant 0 : i32
    return %c0_i32, %c0_i32_0 : i32, i32
  }
  func.func @transform_6(%arg0: i32) -> (i32, i32) {
    %c0_i32 = arith.constant 0 : i32
    %c0_i32_0 = arith.constant 0 : i32
    return %arg0, %c0_i32 : i32, i32
  }
  func.func @transform_7(%arg0: i32) -> (i32, i32) {
    %c0_i32 = arith.constant 0 : i32
    %c0_i32_0 = arith.constant 0 : i32
    return %arg0, %c0_i32 : i32, i32
  }
}

module attributes {stable_mosaic.version = 14 : i64} {
  func.func @body(%arg0: i32, %arg1: memref<2x5000x128xf32, #tpu.memory_space<vmem>>, %arg2: memref<2x5000x1xf32, #tpu.memory_space<vmem>>, %arg3: memref<5000x128xf32, #tpu.memory_space<vmem>>, %arg4: memref<5000x128xf32, #tpu.memory_space<vmem>>) attributes {dimension_semantics = [#tpu.dimension_semantics<arbitrary>], iteration_bounds = array<i64: 2>, scalar_prefetch = 0 : i64, scratch_operands = 0 : i64, tpu.core_type = #tpu.core_type<tc>, window_params = [{transform_indices = @transform_0, window_bounds = array<i64: 2, 5000, 128>}, {transform_indices = @transform_1, window_bounds = array<i64: 2, 5000, 1>}, {transform_indices = @transform_2, window_bounds = array<i64: 5000, 128>}, {transform_indices = @transform_3, window_bounds = array<i64: 5000, 128>}]} {
    %get3A = arith.constant 0 : index
    %get3A_0 = arith.constant 0 : index
    %get3A_1 = arith.constant 0 : index
    %get3A_2 = vector.load %arg1[%get3A, %get3A_0, %get3A_1] : memref<2x5000x128xf32, #tpu.memory_space<vmem>>, vector<1x5000x128xf32>
    %get3A_3 = vector.shape_cast %get3A_2 : vector<1x5000x128xf32> to vector<5000x128xf32>
    %get3A_4 = arith.constant 1 : index
    %get3A_5 = arith.constant 0 : index
    %get3A_6 = arith.constant 0 : index
    %get3A_7 = vector.load %arg1[%get3A_4, %get3A_5, %get3A_6] : memref<2x5000x128xf32, #tpu.memory_space<vmem>>, vector<1x5000x128xf32>
    %get3A_8 = vector.shape_cast %get3A_7 : vector<1x5000x128xf32> to vector<5000x128xf32>
    %add3A = arith.addf %get3A_3, %get3A_8 : vector<5000x128xf32>
    %get3A_9 = arith.constant 0 : index
    %get3A_10 = arith.constant 0 : index
    %get3A_11 = arith.constant 0 : index
    %get3A_12 = vector.load %arg2[%get3A_9, %get3A_10, %get3A_11] : memref<2x5000x1xf32, #tpu.memory_space<vmem>>, vector<1x5000x1xf32>
    %get3A_13 = vector.shape_cast %get3A_12 : vector<1x5000x1xf32> to vector<5000x1xf32>
    %get3A_14 = arith.constant 1 : index
    %get3A_15 = arith.constant 0 : index
    %get3A_16 = arith.constant 0 : index
    %get3A_17 = vector.load %arg2[%get3A_14, %get3A_15, %get3A_16] : memref<2x5000x1xf32, #tpu.memory_space<vmem>>, vector<1x5000x1xf32>
    %get3A_18 = vector.shape_cast %get3A_17 : vector<1x5000x1xf32> to vector<5000x1xf32>
    %add3A_19 = arith.addf %get3A_13, %get3A_18 : vector<5000x1xf32>
    %max3A = arith.constant 1.000000e+00 : f32
    %max3A_20 = vector.broadcast %max3A : f32 to vector<5000x1xf32>
    %max3A_21 = arith.maximumf %add3A_19, %max3A_20 : vector<5000x1xf32>
    %div3A = arith.constant 1.000000e+00 : f32
    %div3A_22 = vector.broadcast %div3A : f32 to vector<5000x1xf32>
    %div3A_23 = arith.divf %div3A_22, %max3A_21 : vector<5000x1xf32>
    %mul3A = vector.broadcast %div3A_23 : vector<5000x1xf32> to vector<5000x128xf32>
    %mul3A_24 = arith.mulf %add3A, %mul3A : vector<5000x128xf32>
    %get3A_25 = arith.constant 0 : index
    %get3A_26 = arith.constant 0 : index
    %get3A_27 = vector.load %arg3[%get3A_25, %get3A_26] : memref<5000x128xf32, #tpu.memory_space<vmem>>, vector<5000x128xf32>
    %add3A_28 = arith.addf %mul3A_24, %get3A_27 : vector<5000x128xf32>
    %mul3A_29 = arith.mulf %add3A_28, %add3A_28 : vector<5000x128xf32>
    %reduce_sum3A = arith.constant dense<0.000000e+00> : vector<5000xf32>
    %reduce_sum3A_30 = vector.multi_reduction <add>, %mul3A_29, %reduce_sum3A [1] : vector<5000x128xf32> to vector<5000xf32>
    %broadcast_in_dim3A = vector.shape_cast %reduce_sum3A_30 : vector<5000xf32> to vector<5000x1xf32>
    %sqrt3A = math.sqrt %broadcast_in_dim3A : vector<5000x1xf32>
    %max3A_31 = arith.constant 9.99999996E-13 : f32
    %max3A_32 = vector.broadcast %max3A_31 : f32 to vector<5000x1xf32>
    %max3A_33 = arith.maximumf %sqrt3A, %max3A_32 : vector<5000x1xf32>
    %div3A_34 = vector.broadcast %max3A_33 : vector<5000x1xf32> to vector<5000x128xf32>
    %div3A_35 = arith.divf %add3A_28, %div3A_34 : vector<5000x128xf32>
    %swap3A = arith.constant 0 : index
    %swap3A_36 = arith.constant 0 : index
    %swap3A_37 = vector.load %arg4[%swap3A, %swap3A_36] : memref<5000x128xf32, #tpu.memory_space<vmem>>, vector<5000x128xf32>
    tpu.vector_store %arg4[%swap3A, %swap3A_36], %div3A_35 {strides = array<i32>} : memref<5000x128xf32, #tpu.memory_space<vmem>>, vector<5000x128xf32>,
    return
  }
  func.func @transform_0(%arg0: i32) -> (i32, i32, i32) {
    %c0_i32 = arith.constant 0 : i32
    %c0_i32_0 = arith.constant 0 : i32
    %c0_i32_1 = arith.constant 0 : i32
    return %c0_i32, %arg0, %c0_i32_0 : i32, i32, i32
  }
  func.func @transform_1(%arg0: i32) -> (i32, i32, i32) {
    %c0_i32 = arith.constant 0 : i32
    %c0_i32_0 = arith.constant 0 : i32
    %c0_i32_1 = arith.constant 0 : i32
    return %c0_i32, %arg0, %c0_i32_0 : i32, i32, i32
  }
  func.func @transform_2(%arg0: i32) -> (i32, i32) {
    %c0_i32 = arith.constant 0 : i32
    %c0_i32_0 = arith.constant 0 : i32
    return %arg0, %c0_i32 : i32, i32
  }
  func.func @transform_3(%arg0: i32) -> (i32, i32) {
    %c0_i32 = arith.constant 0 : i32
    %c0_i32_0 = arith.constant 0 : i32
    return %arg0, %c0_i32 : i32, i32
  }
}

</mosaic_0001>

<sc_bundles>
// kernel: kernel.10.cloned.1.call-start
scs
__scs_entry_jumppad:
0x0: {  	(pc) =	sbr.rel $0x88, $3  }
0x1: {  	(tag) =	ssettag $0x0;
	lr =	simm.s32 $0x1  }
0x2: {  	[smem:$0x3F96] =	sst lr;
	_ =	strace $0xD0000000  }
0x3: {  	_ = 	snop  }
0x4: {  	_ = 	snop  }
0x5: {  	_ = 	snop  }
0x6: {  	_ = 	snop  }
0x7: {  	_ = 	snop  }
__scs_overlays_trampoline_lowered:
0x8: {  	[smem:$0x3FA5] =	sst s0  }
0x9: {  	[smem:$0x3FA6] =	sst s1  }
0xa: {  	[smem:$0x3FA7] =	sst s2  }
0xb: {  	[smem:$0x3FA8] =	sst s3  }
0xc: {  	[smem:$0x3FA9] =	sst s4  }
0xd: {  	[smem:$0x3FAA] =	sst s5  }
0xe: {  	[smem:$0x3FAB] =	sst s6  }
0xf: {  	[smem:$0x3FAC] =	sst s7  }
0x10: {  	[smem:$0x3FAD] =	sst s8  }
0x11: {  	[smem:$0x3FAE] =	sst s9;
	s0 =	simm.s32 @!p0 $0x0  }
0x12: {  	s1 =	sld [smem:$0x3F94];
	s0 =	simm.s32 @p0 $0x1  }
0x13: {  	[smem:$0x3FAF] =	sst s0;
	s0 =	simm.s32 @!p1 $0x0  }
0x14: {  	s2 =	sld [smem:$0x3F93];
	s0 =	simm.s32 @p1 $0x1  }
0x15: {  	[smem:$0x3FB0] =	sst s0;
	s0 =	simm.s32 @!p2 $0x0  }
0x16: {  	s3 =	sld [smem:$0x3FDB];
	s0 =	simm.s32 @p2 $0x1  }
0x17: {  	s4 =	simm.s32 $0x1BF5;
	[smem:$0x3FB2] =	sst s0  }
0x18: {  	s0 =	sld [smem:$0x3F95];
	_ =	swait.ge [sflag:s4], $0x0  }
0x19: {  	s7 =	sld [smem:$0x3F96]  }
0x1a: {  	s8 =	sadd.s32 $0xFFFFE003, lr  }
0x1b: {  	s9 =	sadd.s32 $0xFFFFFEF7, lr;
	s5 =	simm.s32 $0xFFFFFFFF;
	p2 =	slt.u32 s8, $0xFFFFF086  }
0x1c: {  	p1 =	slt.u32 s9, $0xF7A;
	s5 =	simm.s32 @!p2 $0x0  }
0x1d: {  	s5 =	simm.s32 @p1 $0x1;
	p0 =	seq.s32 s7, s2  }
0x1e: {  	s7 =	smul.u32 @!p0 $0xF7A, s2;
	p2 =	seq.s32 @!p0 s5, $0x0  }
0x1f: {  	s9 =	smul.u32 $0xF7A, s1;
	s8 =	simm.s32 @!p0 $0x1BF5;
	p2 =	por !p2, p0  }
0x20: {  	[sflag:s8] =	ssyncset.s32 @!p0 $0xFFFFF086;
	s6 =	sadd.s32 @!p0 s3, s7;
	s7 =	simm.s32 @!p0 $0x108  }
0x21: {  	s3 =	sadd.s32 s3, s9;
	s6 =	sadd.s32 @!p0 $0x88, s6;
	s7 =	simm.s32 @p2 $0x1082  }
0x22: {  	[simem:s7], [sflag:s8] =	dma.local @!p0 [hbm:s6], $0xF7A  }
0x23: {  	s9 =	sor.u32 $0xD0000000, s2;
	s6 =	simm.s32 $0x108;
	_ =	swait.ge @!p0 [sflag:s8], $0x0  }
0x24: {  	s3 =	sadd.s32 $0x88, s3;
	s6 =	simm.s32 @!p1 $0x1082;
	[sflag:s4] =	ssyncset.s32 $0xFFFFF086  }
0x25: {  	[simem:s6], [sflag:s4] =	dma.local [hbm:s3], $0xF7A  }
0x26: {  	[smem:$0x3F96] =	sst s1;
	(tag) =	ssettag s2;
	_ =	strace s9  }
0x27: {  	s1 =	sld [smem:$0x3FA6]  }
0x28: {  	s2 =	sld [smem:$0x3FA7]  }
0x29: {  	s4 =	sld [smem:$0x3FA9]  }
0x2a: {  	p0 =	seq.s32 s5, $0x0;
	s5 =	sld [smem:$0x3FAA]  }
0x2b: {  	s6 =	sld [smem:$0x3FAB]  }
0x2c: {  	s7 =	sld [smem:$0x3FAC]  }
0x2d: {  	s3 =	simm.s32 $0x108;
	s8 =	sld [smem:$0x3FAD]  }
0x2e: {  	s3 =	simm.s32 @!p0 $0x1082;
	s9 =	sld [smem:$0x3FAE]  }
0x2f: {  	lr =	sadd.s32 s0, s3;
	s0 =	sld [smem:$0x3FA5]  }
0x30: {  	s3 =	sld [smem:$0x3FA8]  }
0x31: {  	[smem:$0x3FB1] =	sst s10  }
0x32: {  	s10 =	sld [smem:$0x3FAF];
	_ =	sdelay $0x3  }
0x33: {  	p0 =	seq.s32 s10, $0x1;
	s10 =	sld [smem:$0x3FB1];
	_ =	sdelay $0x3  }
0x34: {  	[smem:$0x3FB1] =	sst s10  }
0x35: {  	s10 =	sld [smem:$0x3FB0];
	_ =	sdelay $0x3  }
0x36: {  	p1 =	seq.s32 s10, $0x1;
	s10 =	sld [smem:$0x3FB1];
	_ =	sdelay $0x3  }
0x37: {  	[smem:$0x3FB1] =	sst s10  }
0x38: {  	s10 =	sld [smem:$0x3FB2]  }
0x39: {  	_ = 	snop;
	(pc) =	sbr.ind lr, $3  }
0x3a: {  	_ = 	snop  }
0x3b: {  	_ = 	snop  }
0x3c: {  	p2 =	seq.s32 s10, $0x1;
	s10 =	sld [smem:$0x3FB1]  }
0x3d: {  	_ =	shalt  }
0x3e: {  	_ =	shalt  }
0x3f: {  	_ =	shalt  }
0x40: {  	_ =	shalt  }
0x41: {  	_ =	shalt  }
0x42: {  	_ =	shalt  }
0x43: {  	_ =	shalt  }
0x44: {  	_ =	shalt  }
0x45: {  	_ =	shalt  }
0x46: {  	_ =	shalt  }
0x47: {  	_ =	shalt  }
0x48: {  	_ =	shalt  }
0x49: {  	_ =	shalt  }
0x4a: {  	_ =	shalt  }
0x4b: {  	_ =	shalt  }
0x4c: {  	_ =	shalt  }
0x4d: {  	_ =	shalt  }
0x4e: {  	_ =	shalt  }
0x4f: {  	_ =	shalt  }
0x50: {  	_ =	shalt  }
0x51: {  	_ =	shalt  }
0x52: {  	_ =	shalt  }
0x53: {  	_ =	shalt  }
0x54: {  	_ =	shalt  }
0x55: {  	_ =	shalt  }
0x56: {  	_ =	shalt  }
0x57: {  	_ =	shalt  }
0x58: {  	_ =	shalt  }
0x59: {  	_ =	shalt  }
0x5a: {  	_ =	shalt  }
0x5b: {  	_ =	shalt  }
0x5c: {  	_ =	shalt  }
0x5d: {  	_ =	shalt  }
0x5e: {  	_ =	shalt  }
0x5f: {  	_ =	shalt  }
0x60: {  	_ =	shalt  }
0x61: {  	_ =	shalt  }
0x62: {  	_ =	shalt  }
0x63: {  	_ =	shalt  }
0x64: {  	_ =	shalt  }
0x65: {  	_ =	shalt  }
0x66: {  	_ =	shalt  }
0x67: {  	_ =	shalt  }
0x68: {  	_ =	shalt  }
0x69: {  	_ =	shalt  }
0x6a: {  	_ =	shalt  }
0x6b: {  	_ =	shalt  }
0x6c: {  	_ =	shalt  }
0x6d: {  	_ =	shalt  }
0x6e: {  	_ =	shalt  }
0x6f: {  	_ =	shalt  }
0x70: {  	_ =	shalt  }
0x71: {  	_ =	shalt  }
0x72: {  	_ =	shalt  }
0x73: {  	_ =	shalt  }
0x74: {  	_ =	shalt  }
0x75: {  	_ =	shalt  }
0x76: {  	_ =	shalt  }
0x77: {  	_ =	shalt  }
0x78: {  	_ =	shalt  }
0x79: {  	_ =	shalt  }
0x7a: {  	_ =	shalt  }
0x7b: {  	_ =	shalt  }
0x7c: {  	_ =	shalt  }
0x7d: {  	_ =	shalt  }
0x7e: {  	_ =	shalt  }
0x7f: {  	_ =	shalt  }
0x80: {  	_ =	shalt  }
0x81: {  	_ =	shalt  }
0x82: {  	_ =	shalt  }
0x83: {  	_ =	shalt  }
0x84: {  	_ =	shalt  }
0x85: {  	_ =	shalt  }
0x86: {  	_ =	shalt  }
0x87: {  	_ =	shalt  }
.Lfunc_end0:
.L_simem_size_0:
called_computation_lowered:
.L_overlay_start_0:
0x88: {  	s2 =	sld [smem:$0x3FD9]  }
0x89: {  	s3 =	sld [smem:$0x3FFE];
	_ =	sdelay $0x1  }
0x8a: {  	s1 =	srdreg.scid  }
0x8b: {  	s0 =	sand.u32 $0x1, s1  }
0x8c: {  	s16 =	sshll.u32 s0, $0xA;
	s2 =	sadd.s32 s3, s2  }
0x8d: {  	s2 =	sadd.s32 s2, s16  }
0x8e: {  	[smem:$0x3FBD] =	sst s2  }
0x8f: {  	_ = 	snop  }
0x90: {  	(tm) =	ssettm $0x1  }
0x91: {  	s17 =	sld [smem:$0x3FFB];
	_ =	sdelay $0x3  }
0x92: {  	_ =	strace s17  }
0x93: {  	s2 =	sld [smem:$0x3FFC];
	_ =	sdelay $0x3  }
0x94: {  	_ =	strace s2  }
0x95: {  	s2 =	sld [smem:$0x3FFD];
	_ =	sdelay $0x3  }
0x96: {  	_ =	strace s2  }
0x97: {  	_ =	strace $0x8FFFFFFF  }
0x98: {  	s18 =	sld [smem:$0x3FDB];
	_ =	sdelay $0x1  }
0x99: {  	s19 =	simm.s32 $_scs_section_size  }
0x9a: {  	s4 =	simm.s32 $_size__tile_overlayer_lowered;
	s5 =	simm.s32 $_tile_overlayer_lowered  }
0x9b: {  	s22 =	simm.s32 $0x1BFF;
	s21 =	sshll.u32 s5, $0x1;
	s2 =	sadd.s32 s19, s18  }
0x9c: {  	s6 =	simm.s32 $0x0;
	s20 =	sshll.u32 s4, $0x1;
	s4 =	sadd.s32 s21, s2  }
0x9d: {  	[timem:s6], [sflag:s22] =	dma.local [hbm:s4], s20  }
0x9e: {  	_ =	swait.ge [sflag:s22], s20  }
0x9f: {  	s3 =	ssub.s32 $0x0, s20;
	[sflag:s22] =	ssyncset.done $0x0  }
0xa0: {  	[sflag:s22] =	ssyncadd.s32 s3;
	_ =	sdelay $0x1  }
0xa1: {  	s23 =	simm.s32 $0x1B8B  }
0xa2: {  	_ =	swait.ge [sflag:s23], $0x1  }
0xa3: {  	[sflag:s23] =	ssyncset.done $0x0  }
0xa4: {  	s25 =	simm.s32 $0x1B8E;
	s24 =	sld [smem:$0x3FFE];
	[sflag:s23] =	ssyncadd.s32 $0xFFFFFFFF  }
0xa5: {  	s26 =	simm.s32 $execute0_lowered;
	[smem:$0x3FD2] =	sst s25  }
0xa6: {  	s4 =	sshll.u32 s26, $0x1;
	_ =	strace $0x80000046;
	[dreg:$0x1] =	wrdreg $0xFFFFFFFF  }
0xa7: {  	s28 =	simm.s32 $_size_execute0_lowered;
	s2 =	sadd.s32 s2, s4;
	[dreg:$0x0] =	wrdreg $0x0  }
0xa8: {  	s4 =	sshll.u32 s28, $0x1;
	[dreg:$0x2] =	wrdreg s2  }
0xa9: {  	[dreg:$0x3] =	wrdreg s4  }
0xaa: {  	[dreg:$0x4] =	wrdreg $0xC0  }
0xab: {  	_ =	task [dreg:s6], $0x5FFFF  }
0xac: {  	[dreg:$0x1] =	wrdreg $0xFFFFFFFF  }
0xad: {  	[dreg:$0x0] =	wrdreg $0x60  }
0xae: {  	[dreg:$0x2] =	wrdreg s24  }
0xaf: {  	[dreg:$0x3] =	wrdreg $0x90000  }
0xb0: {  	[dreg:$0x4] =	wrdreg $0x9  }
0xb1: {  	_ =	task.clear_ibuf [dreg:s6], $0x5FFFF;
	_ =	strace $0x90000046  }
0xb2: {  	s29 =	simm.s32 $0x9;
	_ =	strace $0x80000048  }
0xb3: {  	_ =	swait.ge [sflag:s29], $0x1  }
0xb4: {  	[sflag:s29] =	ssyncadd.s32 $0xFFFFFFFF  }
0xb5: {  	_ =	strace $0x90000048  }
0xb6: {  	_ =	sfence  }
0xb7: {  	s30 =	sld [smem:$0x0];
	_ =	sdelay $0x2  }
0xb8: {  	s31 =	sshll.u32 s1, $0xD;
	s1 =	sshrl.u32 s1, $0x2  }
0xb9: {  	s3 =	sand.u32 $0x4000, s31;
	s1 =	sadd.s32 s1, s30  }
0xba: {  	s0 =	sor.u32 s3, s0;
	s1 =	sshll.u32 s1, $0x11  }
0xbb: {  	s0 =	sor.u32 s1, s0  }
0xbc: {  	s0 =	sadd.s32 $0x8F2B, s0  }
0xbd: {  	[sflag:s0] =	ssyncadd.remote.s32 $0x1  }
0xbe: {  	_ =	sfence.sel $0xFFFF  }
0xbf: {  	[dreg:$0x0] =	wrdreg $0xFFFFFFFF;
	(pc) =	sbr.abs _section_cstart, $3  }
0xc0: {  	[dreg:$0x1] =	wrdreg $0xFFFFFFFF  }
0xc1: {  	_ =	task.clear_ibuf [dreg:s6], $0x2FFFF;
	_ =	strace $0x9FFFFFFF  }
0xc2: {  	(tm) =	ssettm $0x7FFFFFFF  }
0xc3: {  	_ =	shalt  }
tec
execute0_lowered:
.L_overlay_start_1:
0x0: {  	(tag) =	ssettag $0x1  }
0x1: {  	s3 =	rddreg [dreg:$0x0]  }
0x2: {  	s5 =	rddreg [dreg:$0x1];
	s2 =	srdreg.scid  }
0x3: {  	s1 =	stileid.u32;
	s0 =	rddreg [dreg:$0x2]  }
0x4: {  	s11 =	simm.s32 $0x5000;
	s12 =	simm.s32 $0x0;
	s4 =	sand.u32 $0x1, s2  }
0x5: {  	s6 =	sshll.u32 s1, $0x1;
	s2 =	simm.s32 $0x0;
	s8 =	sshll.u32 s1, $0xA  }
0x6: {  	s9 =	smul.u32 $0xA000, s1;
	p0 =	sgt.u32 s1, $0x9;
	s6 =	sor.u32 s4, s6  }
0x7: {  	s7 =	smul.u32 $0x2800, s4;
	[smem:$0x7FF] =	sst s2;
	s4 =	ssub.s32 $0x2, s4  }
0x8: {  	s6 =	smul.u32 $0x500, s6;
	_ =	strace $0x80000047;
	s31 =	sshrl.u32 s4, $0x1  }
.Ltmp0:
0x9: {  	s9 =	sshrl.u32 s9, $0x2;
	s7 =	sadd.s32 s8, s7;
	(pc) =	sbr.rel .LBB2_1-.Ltmp0, $4  }
0xa: {  	s10 =	ssub.s32 s4, s31;
	s4 =	sadd.s32 s9, s5;
	s5 =	sadd.s32 s8, s5  }
0xb: {  	s8 =	simm.s32 $0x1;
	s6 =	sadd.s32 s6, s3;
	s7 =	sshrl.u32 s7, $0x3  }
0xc: {  	s9 =	simm.s32 $0x2800;
	s7 =	sadd.s32 s7, s3;
	s3 =	sadd.s32 $0x3600, s6  }
0xd: {  	v0 =	vimm.f32 $0.0e+00;
	v1 =	vimm.f32 $1.000000000e+00;
	s6 =	sadd.s32 $0xD600, s7;
	s7 =	smax.u32 s10, $0x1;
	s10 =	simm.s32 $0x400  }
.LBB2_8:
0xe: {  	v3 =	vld [tilespmem:s13+$0x5000];
	_ =	sdelay $0x1  }
0xf: {  	v4 =	vld [tilespmem:s13+$0x5800];
	_ =	sdelay $0x1  }
0x10: {  	v5 =	vld [tilespmem:s13+$0x5C00]  }
0x11: {  	v2 =	vadd.f32 v2, v3  }
0x12: {  	v3 =	vld [tilespmem:s13+$0x6000]  }
0x13: {  	v2 =	vadd.f32 v4, v2  }
0x14: {  	v56 =	vld [tilespmem:s13+$0x6400]  }
0x15: {  	v2 =	vadd.f32 v5, v2  }
0x16: {  	v57 =	vld [tilespmem:s13+$0x6800]  }
0x17: {  	v2 =	vadd.f32 v3, v2  }
0x18: {  	v3 =	vld [tilespmem:s13+$0x6C00]  }
0x19: {  	v2 =	vadd.f32 v56, v2  }
0x1a: {  	v58 =	vld [tilespmem:s13+$0x7000]  }
0x1b: {  	v2 =	vadd.f32 v57, v2  }
0x1c: {  	v59 =	vld [tilespmem:s13+$0x7400]  }
0x1d: {  	v2 =	vadd.f32 v3, v2  }
0x1e: {  	v3 =	vld [tilespmem:s13+$0x7800]  }
0x1f: {  	v2 =	vadd.f32 v58, v2  }
0x20: {  	v60 =	vld [tilespmem:s13+$0x7C00]  }
0x21: {  	v2 =	vadd.f32 v59, v2  }
0x22: {  	v61 =	vld [tilespmem:s13+$0x8000]  }
0x23: {  	v2 =	vadd.f32 v3, v2  }
0x24: {  	v3 =	vld [tilespmem:s13+$0x8400]  }
0x25: {  	v2 =	vadd.f32 v60, v2  }
0x26: {  	v62 =	vld [tilespmem:s13+$0x8800]  }
0x27: {  	v2 =	vadd.f32 v61, v2  }
0x28: {  	v63 =	vld [tilespmem:s13+$0x8C00]  }
0x29: {  	v2 =	vadd.f32 v3, v2;
	_ =	sdelay $0x1  }
0x2a: {  	v2 =	vadd.f32 v62, v2;
	_ =	sdelay $0x1  }
0x2b: {  	v2 =	vadd.f32 v63, v2;
	_ =	sdelay $0x1  }
0x2c: {  	[tilespmem:s13+$0x5000] =	vst v2  }
0x2d: {  	[hbm4b:s6+s2] =	stream.linear.scatter [tilespmem:s11], [sflag:$0x1], $0x400, $0x38;
	[tilespmem:$0xB800] =	vst v63  }
0x2e: {  	_ =	swait.ge [sflag:s8], $0x400  }
0x2f: {  	[sflag:s8] =	ssyncset.done $0x0  }
0x30: {  	[sflag:s8] =	ssyncadd.s32 $0xFFFFFC00  }
.LBB2_9:
0x31: {  	s12 =	sadd.s32 $0x1, s12  }
0x32: {  	p1 =	sne.s32 s12, s7  }
.Ltmp1:
0x33: {  	_ = 	snop;
	(pc) =	sbr.rel @!p1 .LBB2_10-.Ltmp1, $1  }
0x34: {  	_ =	sdelay $0x3  }
.LBB2_1:
0x35: {  	s13 =	simm.s32 $0x0;
	s14 =	simm.s32 $0x200  }
.LBB2_2:
0x36: {  	p1 =	sne.s32 s14, $0x9E00;
	[tilespmem:s13+$0x2870] =	vst v0  }
0x37: {  	[tilespmem:s13+$0x2800] =	vst v0  }
0x38: {  	[tilespmem:s13+$0x2810] =	vst v0  }
.Ltmp2:
0x39: {  	[tilespmem:s13+$0x2820] =	vst v0;
	(pc) =	sbr.rel @p1 .LBB2_2-.Ltmp2, $4  }
0x3a: {  	[tilespmem:s13+$0x2830] =	vst v0  }
0x3b: {  	[tilespmem:s13+$0x2840] =	vst v0  }
0x3c: {  	[tilespmem:s13+$0x2850] =	vst v0  }
0x3d: {  	[tilespmem:s13+$0x2860] =	vst v0;
	s13 =	sshra.s32 s14, $0x2;
	s14 =	sadd.s32 $0x200, s14  }
0x3e: {  	[tilespmem:s13+$0x2870] =	vst v0  }
0x3f: {  	[tilespmem:s13+$0x2800] =	vst v0  }
0x40: {  	[tilespmem:s13+$0x2810] =	vst v0  }
0x41: {  	[tilespmem:s13+$0x2820] =	vst v0  }
0x42: {  	[tilespmem:s13+$0x2830] =	vst v0  }
0x43: {  	[tilespmem:s13+$0x2840] =	vst v0  }
0x44: {  	[tilespmem:s13+$0x2850] =	vst v0  }
0x45: {  	[tilespmem:s13+$0x2860] =	vst v0;
	s13 =	simm.s32 $0x0  }
0x46: {  	[tilespmem:s13], [sflag:$0x1] =	stream.linear.gather [hbm4b:s3+s13], $0x2800, $0x38;
	[tilespmem:$0xB800] =	vst v63  }
0x47: {  	_ =	swait.ge [sflag:s8], $0x2800  }
0x48: {  	[sflag:s8] =	ssyncset.done $0x0  }
0x49: {  	[sflag:s8] =	ssyncadd.s32 $0xFFFFD800  }
.LBB2_4:
0x4a: {  	s14 =	sshra.s32 s13, $0x2  }
0x4b: {  	v2 =	vld [tilespmem:s14+$0x0];
	_ =	sdelay $0x7  }
0x4c: {  	[tilespmem:v2+s9+$0x0] =	vst.idx.add.f32.msk $0xffff, v1  }
0x4d: {  	v2 =	vld [tilespmem:s14+$0x10];
	_ =	sdelay $0x7  }
0x4e: {  	[tilespmem:v2+s9+$0x0] =	vst.idx.add.f32.msk $0xffff, v1  }
0x4f: {  	v2 =	vld [tilespmem:s14+$0x20];
	_ =	sdelay $0x7  }
0x50: {  	[tilespmem:v2+s9+$0x0] =	vst.idx.add.f32.msk $0xffff, v1  }
0x51: {  	v2 =	vld [tilespmem:s14+$0x30];
	_ =	sdelay $0x7  }
0x52: {  	[tilespmem:v2+s9+$0x0] =	vst.idx.add.f32.msk $0xffff, v1  }
0x53: {  	v2 =	vld [tilespmem:s14+$0x40];
	_ =	sdelay $0x7  }
0x54: {  	[tilespmem:v2+s9+$0x0] =	vst.idx.add.f32.msk $0xffff, v1  }
0x55: {  	v2 =	vld [tilespmem:s14+$0x50];
	_ =	sdelay $0x7  }
0x56: {  	[tilespmem:v2+s9+$0x0] =	vst.idx.add.f32.msk $0xffff, v1  }
0x57: {  	v2 =	vld [tilespmem:s14+$0x60];
	_ =	sdelay $0x7  }
0x58: {  	[tilespmem:v2+s9+$0x0] =	vst.idx.add.f32.msk $0xffff, v1  }
0x59: {  	v2 =	vld [tilespmem:s14+$0x70];
	_ =	sdelay $0x2  }
0x5a: {  	p1 =	sne.s32 s13, $0x9E00  }
.Ltmp3:
0x5b: {  	_ = 	snop;
	(pc) =	sbr.rel @p1 .LBB2_4-.Ltmp3, $2  }
0x5c: {  	_ =	sdelay $0x2  }
0x5d: {  	s13 =	sadd.s32 $0x200, s13;
	[tilespmem:v2+s9+$0x0] =	vst.idx.add.f32.msk $0xffff, v1  }
0x5e: {  	[spmem:s4] =	stream.linear.scatter [tilespmem:s9], [sflag:$0x1], $0x2800, $0x38;
	[tilespmem:$0xB800] =	vst v63  }
.Ltmp4:
0x5f: {  	_ =	swait.ge [sflag:s8], $0x2800;
	(pc) =	sbr.rel @p0 .LBB2_9-.Ltmp4, $3  }
0x60: {  	[sflag:s8] =	ssyncset.done $0x0  }
0x61: {  	[sflag:s8] =	ssyncadd.s32 $0xFFFFD800  }
0x62: {  	[bflag:$0x0] =	sbarrier.arrive $0xFFFF;
	_ =	sdelay $0x1  }
0x63: {  	[tilespmem:s11], [sflag:$0x1] =	stream.strided.gather [spmem:s5], $0x4000, s9, s10, $0x38;
	[tilespmem:$0xB800] =	vst v63  }
0x64: {  	_ =	swait.ge [sflag:s8], $0x4000  }
0x65: {  	s13 =	simm.s32 $0x0;
	[sflag:s8] =	ssyncset.done $0x0  }
0x66: {  	s13 =	sand.u32 $0x3F0, s13;
	[sflag:s8] =	ssyncadd.s32 $0xFFFFC000  }
0x67: {  	s14 =	simm.s32 $0x10;
	v2 =	vld [tilespmem:s13+$0x5400]  }
.LBB2_7:
0x68: {  	p1 =	sne.s32 s14, $0x3F0;
	v3 =	vld [tilespmem:s13+$0x5000];
	_ =	sdelay $0x1  }
0x69: {  	v4 =	vld [tilespmem:s13+$0x5800];
	_ =	sdelay $0x1  }
0x6a: {  	v5 =	vld [tilespmem:s13+$0x5C00]  }
0x6b: {  	v2 =	vadd.f32 v2, v3  }
0x6c: {  	v3 =	vld [tilespmem:s13+$0x6000]  }
0x6d: {  	v2 =	vadd.f32 v4, v2  }
0x6e: {  	v4 =	vld [tilespmem:s13+$0x6400]  }
0x6f: {  	v2 =	vadd.f32 v5, v2  }
0x70: {  	v5 =	vld [tilespmem:s13+$0x6800]  }
0x71: {  	v2 =	vadd.f32 v3, v2  }
0x72: {  	v3 =	vld [tilespmem:s13+$0x6C00]  }
0x73: {  	v2 =	vadd.f32 v4, v2  }
0x74: {  	v4 =	vld [tilespmem:s13+$0x7000]  }
0x75: {  	v2 =	vadd.f32 v5, v2  }
0x76: {  	v5 =	vld [tilespmem:s13+$0x7400]  }
0x77: {  	v2 =	vadd.f32 v3, v2  }
0x78: {  	v3 =	vld [tilespmem:s13+$0x7800]  }
0x79: {  	v2 =	vadd.f32 v4, v2  }
0x7a: {  	v4 =	vld [tilespmem:s13+$0x7C00]  }
0x7b: {  	v2 =	vadd.f32 v5, v2  }
0x7c: {  	v5 =	vld [tilespmem:s13+$0x8000]  }
0x7d: {  	v2 =	vadd.f32 v3, v2  }
0x7e: {  	v3 =	vld [tilespmem:s13+$0x8400]  }
0x7f: {  	v2 =	vadd.f32 v4, v2  }
0x80: {  	v4 =	vld [tilespmem:s13+$0x8800]  }
0x81: {  	v2 =	vadd.f32 v5, v2  }
0x82: {  	v5 =	vld [tilespmem:s13+$0x8C00]  }
0x83: {  	v2 =	vadd.f32 v3, v2;
	_ =	sdelay $0x1  }
.Ltmp5:
0x84: {  	v2 =	vadd.f32 v4, v2;
	(pc) =	sbr.rel @p1 .LBB2_7-.Ltmp5, $4  }
0x85: {  	_ = 	snop  }
0x86: {  	v3 =	vadd.f32 v5, v2  }
0x87: {  	s15 =	sand.u32 $0x3F0, s14  }
0x88: {  	s14 =	sadd.s32 $0x10, s14;
	v2 =	vld [tilespmem:s15+$0x5400];
	[tilespmem:s13+$0x5000] =	vst v3;
	s13 =	smov.u32 s15  }
.Ltmp6:
0x89: {  	_ = 	snop;
	(pc) =	sbr.rel .LBB2_8-.Ltmp6, $1  }
0x8a: {  	_ =	sdelay $0x3  }
.LBB2_10:
0x8b: {  	_ =	sfence.sel $0x180000  }
0x8c: {  	[bflag:$0x0] =	sbarrier.arrive $0xFFFF  }
0x8d: {  	p0 =	sne.s32 s1, $0x0;
	_ =	strace $0x90000047  }
0x8e: {  	s0 =	sadd.s32 @!p0 $0x100000, s0;
	[bflag:$0x2] =	sbarrier.arrive $0xFFFF  }
0x8f: {  	[sflag:s0] =	ssyncadd.tile.s32 @!p0 $0x1;
	_ =	shalt  }
.Lfunc_end2:
_tile_overlayer_lowered:
.L_overlay_start_2:
0x90: {  	(tag) =	ssettag $0x2  }
0x91: {  	s0 =	rddreg [dreg:$0x0];
	s2 =	stileid.u32  }
0x92: {  	s1 =	rddreg [dreg:$0x1];
	p0 =	sne.s32 s2, $0x0  }
0x93: {  	s3 =	rddreg [dreg:$0x2];
	[bflag:$0x3] =	sbarrier.arrive $0xFFFF;
	s2 =	simm.s32 @!p0 $0x1C01  }
0x94: {  	[timem:s3], [sflag:s2] =	dma.local @!p0 [hbm:s0], s1  }
0x95: {  	s0 =	simm.s32 @!p0 $0x1  }
0x96: {  	_ =	swait.ge @!p0 [sflag:s0], s1  }
0x97: {  	s1 =	ssub.s32 @!p0 $0x0, s1;
	[sflag:s0] =	ssyncset.done @!p0 $0x0  }
0x98: {  	[sflag:s0] =	ssyncadd.s32 @!p0 s1  }
0x99: {  	[bflag:$0x3] =	sbarrier.arrive $0xFFFF  }
0x9a: {  	_ =	shalt  }

// kernel: kernel.13.cloned.1.call-start
scs
__scs_entry_jumppad:
0x0: {  	(pc) =	sbr.rel $0x88, $3  }
0x1: {  	(tag) =	ssettag $0x0;
	lr =	simm.s32 $0x1  }
0x2: {  	[smem:$0x3F96] =	sst lr;
	_ =	strace $0xD0000000  }
0x3: {  	_ = 	snop  }
0x4: {  	_ = 	snop  }
0x5: {  	_ = 	snop  }
0x6: {  	_ = 	snop  }
0x7: {  	_ = 	snop  }
__scs_overlays_trampoline_lowered:
0x8: {  	[smem:$0x3FA5] =	sst s0  }
0x9: {  	[smem:$0x3FA6] =	sst s1  }
0xa: {  	[smem:$0x3FA7] =	sst s2  }
0xb: {  	[smem:$0x3FA8] =	sst s3  }
0xc: {  	[smem:$0x3FA9] =	sst s4  }
0xd: {  	[smem:$0x3FAA] =	sst s5  }
0xe: {  	[smem:$0x3FAB] =	sst s6  }
0xf: {  	[smem:$0x3FAC] =	sst s7  }
0x10: {  	[smem:$0x3FAD] =	sst s8  }
0x11: {  	[smem:$0x3FAE] =	sst s9;
	s0 =	simm.s32 @!p0 $0x0  }
0x12: {  	s1 =	sld [smem:$0x3F94];
	s0 =	simm.s32 @p0 $0x1  }
0x13: {  	[smem:$0x3FAF] =	sst s0;
	s0 =	simm.s32 @!p1 $0x0  }
0x14: {  	s2 =	sld [smem:$0x3F93];
	s0 =	simm.s32 @p1 $0x1  }
0x15: {  	[smem:$0x3FB0] =	sst s0;
	s0 =	simm.s32 @!p2 $0x0  }
0x16: {  	s3 =	sld [smem:$0x3FDB];
	s0 =	simm.s32 @p2 $0x1  }
0x17: {  	s4 =	simm.s32 $0x1BF5;
	[smem:$0x3FB2] =	sst s0  }
0x18: {  	s0 =	sld [smem:$0x3F95];
	_ =	swait.ge [sflag:s4], $0x0  }
0x19: {  	s7 =	sld [smem:$0x3F96]  }
0x1a: {  	s8 =	sadd.s32 $0xFFFFE003, lr  }
0x1b: {  	s9 =	sadd.s32 $0xFFFFFEF7, lr;
	s5 =	simm.s32 $0xFFFFFFFF;
	p2 =	slt.u32 s8, $0xFFFFF086  }
0x1c: {  	p1 =	slt.u32 s9, $0xF7A;
	s5 =	simm.s32 @!p2 $0x0  }
0x1d: {  	s5 =	simm.s32 @p1 $0x1;
	p0 =	seq.s32 s7, s2  }
0x1e: {  	s7 =	smul.u32 @!p0 $0xF7A, s2;
	p2 =	seq.s32 @!p0 s5, $0x0  }
0x1f: {  	s9 =	smul.u32 $0xF7A, s1;
	s8 =	simm.s32 @!p0 $0x1BF5;
	p2 =	por !p2, p0  }
0x20: {  	[sflag:s8] =	ssyncset.s32 @!p0 $0xFFFFF086;
	s6 =	sadd.s32 @!p0 s3, s7;
	s7 =	simm.s32 @!p0 $0x108  }
0x21: {  	s3 =	sadd.s32 s3, s9;
	s6 =	sadd.s32 @!p0 $0x88, s6;
	s7 =	simm.s32 @p2 $0x1082  }
0x22: {  	[simem:s7], [sflag:s8] =	dma.local @!p0 [hbm:s6], $0xF7A  }
0x23: {  	s9 =	sor.u32 $0xD0000000, s2;
	s6 =	simm.s32 $0x108;
	_ =	swait.ge @!p0 [sflag:s8], $0x0  }
0x24: {  	s3 =	sadd.s32 $0x88, s3;
	s6 =	simm.s32 @!p1 $0x1082;
	[sflag:s4] =	ssyncset.s32 $0xFFFFF086  }
0x25: {  	[simem:s6], [sflag:s4] =	dma.local [hbm:s3], $0xF7A  }
0x26: {  	[smem:$0x3F96] =	sst s1;
	(tag) =	ssettag s2;
	_ =	strace s9  }
0x27: {  	s1 =	sld [smem:$0x3FA6]  }
0x28: {  	s2 =	sld [smem:$0x3FA7]  }
0x29: {  	s4 =	sld [smem:$0x3FA9]  }
0x2a: {  	p0 =	seq.s32 s5, $0x0;
	s5 =	sld [smem:$0x3FAA]  }
0x2b: {  	s6 =	sld [smem:$0x3FAB]  }
0x2c: {  	s7 =	sld [smem:$0x3FAC]  }
0x2d: {  	s3 =	simm.s32 $0x108;
	s8 =	sld [smem:$0x3FAD]  }
0x2e: {  	s3 =	simm.s32 @!p0 $0x1082;
	s9 =	sld [smem:$0x3FAE]  }
0x2f: {  	lr =	sadd.s32 s0, s3;
	s0 =	sld [smem:$0x3FA5]  }
0x30: {  	s3 =	sld [smem:$0x3FA8]  }
0x31: {  	[smem:$0x3FB1] =	sst s10  }
0x32: {  	s10 =	sld [smem:$0x3FAF];
	_ =	sdelay $0x3  }
0x33: {  	p0 =	seq.s32 s10, $0x1;
	s10 =	sld [smem:$0x3FB1];
	_ =	sdelay $0x3  }
0x34: {  	[smem:$0x3FB1] =	sst s10  }
0x35: {  	s10 =	sld [smem:$0x3FB0];
	_ =	sdelay $0x3  }
0x36: {  	p1 =	seq.s32 s10, $0x1;
	s10 =	sld [smem:$0x3FB1];
	_ =	sdelay $0x3  }
0x37: {  	[smem:$0x3FB1] =	sst s10  }
0x38: {  	s10 =	sld [smem:$0x3FB2]  }
0x39: {  	_ = 	snop;
	(pc) =	sbr.ind lr, $3  }
0x3a: {  	_ = 	snop  }
0x3b: {  	_ = 	snop  }
0x3c: {  	p2 =	seq.s32 s10, $0x1;
	s10 =	sld [smem:$0x3FB1]  }
0x3d: {  	_ =	shalt  }
0x3e: {  	_ =	shalt  }
0x3f: {  	_ =	shalt  }
0x40: {  	_ =	shalt  }
0x41: {  	_ =	shalt  }
0x42: {  	_ =	shalt  }
0x43: {  	_ =	shalt  }
0x44: {  	_ =	shalt  }
0x45: {  	_ =	shalt  }
0x46: {  	_ =	shalt  }
0x47: {  	_ =	shalt  }
0x48: {  	_ =	shalt  }
0x49: {  	_ =	shalt  }
0x4a: {  	_ =	shalt  }
0x4b: {  	_ =	shalt  }
0x4c: {  	_ =	shalt  }
0x4d: {  	_ =	shalt  }
0x4e: {  	_ =	shalt  }
0x4f: {  	_ =	shalt  }
0x50: {  	_ =	shalt  }
0x51: {  	_ =	shalt  }
0x52: {  	_ =	shalt  }
0x53: {  	_ =	shalt  }
0x54: {  	_ =	shalt  }
0x55: {  	_ =	shalt  }
0x56: {  	_ =	shalt  }
0x57: {  	_ =	shalt  }
0x58: {  	_ =	shalt  }
0x59: {  	_ =	shalt  }
0x5a: {  	_ =	shalt  }
0x5b: {  	_ =	shalt  }
0x5c: {  	_ =	shalt  }
0x5d: {  	_ =	shalt  }
0x5e: {  	_ =	shalt  }
0x5f: {  	_ =	shalt  }
0x60: {  	_ =	shalt  }
0x61: {  	_ =	shalt  }
0x62: {  	_ =	shalt  }
0x63: {  	_ =	shalt  }
0x64: {  	_ =	shalt  }
0x65: {  	_ =	shalt  }
0x66: {  	_ =	shalt  }
0x67: {  	_ =	shalt  }
0x68: {  	_ =	shalt  }
0x69: {  	_ =	shalt  }
0x6a: {  	_ =	shalt  }
0x6b: {  	_ =	shalt  }
0x6c: {  	_ =	shalt  }
0x6d: {  	_ =	shalt  }
0x6e: {  	_ =	shalt  }
0x6f: {  	_ =	shalt  }
0x70: {  	_ =	shalt  }
0x71: {  	_ =	shalt  }
0x72: {  	_ =	shalt  }
0x73: {  	_ =	shalt  }
0x74: {  	_ =	shalt  }
0x75: {  	_ =	shalt  }
0x76: {  	_ =	shalt  }
0x77: {  	_ =	shalt  }
0x78: {  	_ =	shalt  }
0x79: {  	_ =	shalt  }
0x7a: {  	_ =	shalt  }
0x7b: {  	_ =	shalt  }
0x7c: {  	_ =	shalt  }
0x7d: {  	_ =	shalt  }
0x7e: {  	_ =	shalt  }
0x7f: {  	_ =	shalt  }
0x80: {  	_ =	shalt  }
0x81: {  	_ =	shalt  }
0x82: {  	_ =	shalt  }
0x83: {  	_ =	shalt  }
0x84: {  	_ =	shalt  }
0x85: {  	_ =	shalt  }
0x86: {  	_ =	shalt  }
0x87: {  	_ =	shalt  }
.Lfunc_end0:
.L_simem_size_0:
called_computation.1_lowered:
.L_overlay_start_0:
0x88: {  	s2 =	sld [smem:$0x3FD9]  }
0x89: {  	s3 =	sld [smem:$0x3FFE];
	_ =	sdelay $0x1  }
0x8a: {  	s1 =	srdreg.scid  }
0x8b: {  	s0 =	sand.u32 $0x1, s1  }
0x8c: {  	s17 =	sshll.u32 s0, $0xA;
	s2 =	sadd.s32 s3, s2  }
0x8d: {  	s2 =	sadd.s32 s2, s17  }
0x8e: {  	[smem:$0x3FBD] =	sst s2  }
0x8f: {  	_ = 	snop  }
0x90: {  	s18 =	sld [smem:$0x3FD0];
	(tm) =	ssettm $0x1  }
0x91: {  	s19 =	sld [smem:$0x3FFB];
	_ =	sdelay $0x3  }
0x92: {  	_ =	strace s19  }
0x93: {  	s2 =	sld [smem:$0x3FFC];
	_ =	sdelay $0x3  }
0x94: {  	_ =	strace s2  }
0x95: {  	s2 =	sld [smem:$0x3FFD];
	_ =	sdelay $0x3  }
0x96: {  	_ =	strace s2  }
0x97: {  	_ =	strace $0x8FFFFFFF  }
0x98: {  	s20 =	sld [smem:$0x3FDB];
	_ =	sdelay $0x1  }
0x99: {  	s4 =	simm.s32 $_scs_section_size  }
0x9a: {  	s5 =	simm.s32 $_size__tile_overlayer_lowered;
	s6 =	simm.s32 $_tile_overlayer_lowered  }
0x9b: {  	s7 =	simm.s32 $0x1BFF;
	s21 =	sshll.u32 s6, $0x1;
	s4 =	sadd.s32 s4, s20  }
0x9c: {  	s22 =	simm.s32 $0x0;
	s5 =	sshll.u32 s5, $0x1;
	s6 =	sadd.s32 s21, s4  }
0x9d: {  	[timem:s22], [sflag:s7] =	dma.local [hbm:s6], s5  }
0x9e: {  	_ =	swait.ge [sflag:s7], s5  }
0x9f: {  	s5 =	ssub.s32 $0x0, s5;
	[sflag:s7] =	ssyncset.done $0x0  }
0xa0: {  	[sflag:s7] =	ssyncadd.s32 s5;
	_ =	sdelay $0x1  }
0xa1: {  	s23 =	simm.s32 $0x1B8B  }
0xa2: {  	_ =	swait.ge [sflag:s23], $0x1  }
0xa3: {  	[sflag:s23] =	ssyncset.done $0x0  }
0xa4: {  	[sflag:s23] =	ssyncadd.s32 $0xFFFFFFFF  }
0xa5: {  	s5 =	sld [smem:$0x0]  }
0xa6: {  	s6 =	sand.u32 $0xFFFFFFFE, s1  }
0xa7: {  	p0 =	sne.s32 s1, s6  }
0xa8: {  	s6 =	sshll.u32 @p0 s6, $0xE  }
0xa9: {  	s6 =	sadd.s32 @p0 $0x11B8D, s6;
	s7 =	sshll.u32 @p0 s5, $0x11  }
0xaa: {  	s6 =	sor.u32 @p0 s7, s6  }
0xab: {  	[sflag:s6] =	ssyncadd.remote.s32 @p0 $0x1;
	_ =	sdelay $0x1  }
0xac: {  	s6 =	simm.s32 @p0 $0x1B8D  }
0xad: {  	_ =	swait.eq @p0 [sflag:s6], $0x1  }
0xae: {  	[sflag:s6] =	ssyncadd.s32 @p0 $0xFFFFFFFF  }
0xaf: {  	s7 =	sshll.u32 @!p0 s1, $0xE  }
0xb0: {  	s7 =	sor.u32 @!p0 $0x4000, s7;
	s6 =	simm.s32 @!p0 $0x1B8D  }
0xb1: {  	s5 =	sshll.u32 @!p0 s5, $0x11;
	s7 =	sadd.s32 @!p0 $0x11B8D, s7;
	_ =	swait.eq @!p0 [sflag:s6], $0x1  }
0xb2: {  	s5 =	sor.u32 @!p0 s5, s7;
	[sflag:s6] =	ssyncadd.s32 @!p0 $0xFFFFFFFF  }
0xb3: {  	s25 =	simm.s32 $0x1B8E;
	s24 =	sld [smem:$0x3FFE];
	[sflag:s5] =	ssyncadd.remote.s32 @!p0 $0x1  }
0xb4: {  	s26 =	simm.s32 $execute0_lowered;
	[smem:$0x3FD2] =	sst s25  }
0xb5: {  	s6 =	sshll.u32 s26, $0x1;
	_ =	strace $0x80000049;
	[dreg:$0x1] =	wrdreg $0xFFFFFFFF  }
0xb6: {  	s28 =	simm.s32 $_size_execute0_lowered;
	s4 =	sadd.s32 s4, s6;
	[dreg:$0x0] =	wrdreg $0x0  }
0xb7: {  	s6 =	sshll.u32 s28, $0x1;
	[dreg:$0x2] =	wrdreg s4  }
0xb8: {  	[dreg:$0x3] =	wrdreg s6  }
0xb9: {  	[dreg:$0x4] =	wrdreg $0xC0  }
0xba: {  	_ =	task [dreg:s22], $0x5FFFF  }
0xbb: {  	[dreg:$0x1] =	wrdreg $0xFFFFFFFF  }
0xbc: {  	[dreg:$0x0] =	wrdreg $0x60  }
0xbd: {  	[dreg:$0x2] =	wrdreg s18  }
0xbe: {  	[dreg:$0x3] =	wrdreg s24  }
0xbf: {  	[dreg:$0x4] =	wrdreg $0xB0000  }
0xc0: {  	[dreg:$0x5] =	wrdreg $0xA  }
0xc1: {  	_ =	task.clear_ibuf [dreg:s22], $0x6FFFF;
	_ =	strace $0x90000049  }
0xc2: {  	s29 =	simm.s32 $0xA;
	_ =	strace $0x8000004B  }
0xc3: {  	_ =	swait.ge [sflag:s29], $0x1  }
0xc4: {  	[sflag:s29] =	ssyncadd.s32 $0xFFFFFFFF  }
0xc5: {  	_ =	strace $0x9000004B  }
0xc6: {  	_ =	sfence  }
0xc7: {  	s30 =	sld [smem:$0x0];
	_ =	sdelay $0x2  }
0xc8: {  	s31 =	sshll.u32 s1, $0xD;
	s1 =	sshrl.u32 s1, $0x2  }
0xc9: {  	s4 =	sand.u32 $0x4000, s31;
	s1 =	sadd.s32 s1, s30  }
0xca: {  	s0 =	sor.u32 s4, s0;
	s1 =	sshll.u32 s1, $0x11  }
0xcb: {  	s0 =	sor.u32 s1, s0  }
0xcc: {  	s0 =	sadd.s32 $0x8F2B, s0  }
0xcd: {  	[sflag:s0] =	ssyncadd.remote.s32 $0x1  }
0xce: {  	_ =	sfence.sel $0xFFFF  }
0xcf: {  	[dreg:$0x0] =	wrdreg $0xFFFFFFFF;
	(pc) =	sbr.abs _section_cstart, $3  }
0xd0: {  	[dreg:$0x1] =	wrdreg $0xFFFFFFFF  }
0xd1: {  	_ =	task.clear_ibuf [dreg:s22], $0x2FFFF;
	_ =	strace $0x9FFFFFFF  }
0xd2: {  	(tm) =	ssettm $0x7FFFFFFF  }
0xd3: {  	_ =	shalt  }
tec
execute0_lowered:
.L_overlay_start_1:
0x0: {  	(tag) =	ssettag $0x1  }
0x1: {  	s1 =	rddreg [dreg:$0x0]  }
0x2: {  	s7 =	rddreg [dreg:$0x1]  }
0x3: {  	s3 =	rddreg [dreg:$0x2];
	s4 =	simm.s32 $0x0;
	s0 =	stileid.u32  }
0x4: {  	s5 =	srdreg.scid;
	s18 =	simm.s32 $0x1000;
	s19 =	simm.s32 $0x2800  }
0x5: {  	s20 =	simm.s32 $0x1;
	s21 =	simm.s32 $0x2;
	s22 =	simm.s32 $0x7D  }
0x6: {  	s23 =	simm.s32 $0x3000;
	s24 =	simm.s32 $0x7000;
	[smem:$0x7FF] =	sst s4  }
0x7: {  	s6 =	smul.u32 $0x14000, s0;
	s8 =	sand.u32 $0x1, s5;
	s5 =	sadd.s32 $0xE000, s7  }
0x8: {  	s11 =	sshll.u32 s0, $0x1;
	s26 =	smul.u32 $0x50000, s0;
	_ =	strace $0x8000004A  }
0x9: {  	s9 =	smul.u32 $0x140000, s8;
	s25 =	sor.u32 s8, s11;
	s8 =	ssub.s32 $0x2, s8  }
0xa: {  	s10 =	sshrl.u32 s6, $0x3;
	s29 =	sshrl.u32 s8, $0x1;
	s30 =	sshrl.u32 s26, $0x2  }
0xb: {  	s26 =	simm.s32 $0x0;
	s6 =	sadd.s32 s6, s9;
	s28 =	sadd.s32 s10, s7  }
0xc: {  	s15 =	ssub.s32 s8, s29;
	s12 =	sshrl.u32 s6, $0x3;
	s6 =	smul.u32 $0x2800, s25  }
.Ltmp0:
0xd: {  	s16 =	sadd.s32 s30, s3;
	s9 =	sadd.s32 $0x22000, s28;
	(pc) =	sbr.rel .LBB2_1-.Ltmp0, $4  }
0xe: {  	s15 =	smax.u32 s15, $0x1;
	s16 =	sshrl.u32 s16, $0x3;
	s25 =	simm.s32 $0x4  }
0xf: {  	s14 =	sadd.s32 s12, s7;
	s7 =	sshll.u32 s0, $0x6;
	s31 =	sshrl.u32 s6, $0x3  }
0x10: {  	s10 =	sor.u32 $0x1C02, s7;
	s14 =	sadd.s32 $0x4A000, s14;
	s8 =	sadd.s32 s5, s31  }
0x11: {  	s11 =	sadd.s32 $0xA000, s8;
	s12 =	sadd.s32 $0x200, s8;
	s13 =	sadd.s32 $0xA200, s8  }
.LBB2_5:
0x12: {  	s26 =	sadd.s32 $0x1, s26  }
0x13: {  	p0 =	sne.s32 s26, s15  }
.Ltmp1:
0x14: {  	[bflag:$0x0] =	sbarrier.arrive $0xFFFF;
	s0 =	sor.u32 $0x1C04, s7;
	(pc) =	sbr.rel @!p0 .LBB2_6-.Ltmp1, $4  }
0x15: {  	[hbm:s14], [sflag:s0] =	dma.local [spmem:s16], $0x2800  }
0x16: {  	_ =	swait.ge [sflag:s25], $0x2800  }
0x17: {  	[sflag:s25] =	ssyncset.done $0x0  }
0x18: {  	[sflag:s25] =	ssyncadd.s32 $0xFFFFD800  }
.LBB2_1:
0x19: {  	[spmem:s16], [sflag:s10] =	dma.local [hbm:s9], $0x2800  }
0x1a: {  	[tilespmem:s4], [sflag:$0x1] =	stream.linear.gather [hbm4b:s8+s4], $0x1000, $0x38;
	[tilespmem:$0x1F000] =	vst v63  }
0x1b: {  	s0 =	simm.s32 $0x1800  }
0x1c: {  	[tilespmem:s0], [sflag:$0x1] =	stream.linear.gather [hbm4b:s11+s4], $0x1000, $0x38;
	[tilespmem:$0x1F000] =	vst v63  }
0x1d: {  	_ = 	snop  }
0x1e: {  	[tilespmem:s18], [sflag:$0x3] =	stream.linear.gather [hbm4b:s12+s4], $0x800, $0x38;
	[tilespmem:$0x1F000] =	vst v63  }
0x1f: {  	_ = 	snop  }
0x20: {  	[tilespmem:s19], [sflag:$0x3] =	stream.linear.gather [hbm4b:s13+s4], $0x800, $0x38;
	[tilespmem:$0x1F000] =	vst v63  }
0x21: {  	_ =	swait.ge [sflag:s20], $0x1000  }
0x22: {  	[sflag:s20] =	ssyncset.done $0x0  }
0x23: {  	[sflag:s20] =	ssyncadd.s32 $0xFFFFF000  }
0x24: {  	_ =	swait.ge [sflag:s20], $0x1000  }
0x25: {  	[sflag:s20] =	ssyncset.done $0x0  }
0x26: {  	[sflag:s20] =	ssyncadd.s32 $0xFFFFF000  }
.Ltmp2:
0x27: {  	_ =	swait.ge [sflag:s21], $0x2800;
	(pc) =	sbr.rel .LBB2_2-.Ltmp2, $4  }
0x28: {  	[sflag:s21] =	ssyncset.done $0x0  }
0x29: {  	s28 =	simm.s32 $0x0;
	[sflag:s21] =	ssyncadd.s32 $0xFFFFD800  }
0x2a: {  	s29 =	simm.s32 $0x0;
	s30 =	simm.s32 $0x0;
	[bflag:$0x0] =	sbarrier.arrive $0xFFFF  }
0x2b: {  	[tilespmem:s23], [sflag:$0x1] =	stream.indirect.gather [hbm4b:s1+s22], $0x80, s4, s22, $0xb8;
	[tilespmem:$0x1F000] =	vst v63  }
.LBB2_4:
0x2c: {  	s0 =	sadd.s32 $0x1, s29;
	p0 =	slt.u32 s30, $0x18;
	s2 =	sadd.s32 $0xFFFFFFD1, s29  }
0x2d: {  	s2 =	smov.u32 @p0 s0  }
0x2e: {  	s0 =	sshll.u32 s2, $0x7;
	s2 =	sadd.s32 $0xFFFFA000, s28  }
0x2f: {  	[tilespmem:s24], [sflag:$0x2] =	stream.indirect.gather [hbm4b:s1+s22], $0x80, s0, s22, $0xb8;
	[tilespmem:$0x1F000] =	vst v63  }
0x30: {  	s2 =	smov.u32 @p0 s28;
	_ =	swait.ge [sflag:s20], $0x3E80  }
0x31: {  	p0 =	seq.s32 s29, $0x4E;
	s2 =	sshra.s32 s2, $0x2;
	[sflag:s20] =	ssyncset.done $0x0  }
0x32: {  	p1 =	slt.u32 @!p0 s30, $0x17;
	s2 =	sadd.s32 $0x1800, s2;
	[sflag:s20] =	ssyncadd.s32 $0xFFFFC180  }
0x33: {  	[spmem:s3] =	stream.indirect.scatter.add.f32 [tilespmem:s23], [sflag:$0x4], $0x80, s2, s22, $0xb8;
	[tilespmem:$0x1F000] =	vst v63  }
0x34: {  	p1 =	por !p1, p0;
	s2 =	simm.s32 @!p0 $0x2  }
0x35: {  	s2 =	simm.s32 @p1 $0xFFFFFFD2  }
0x36: {  	_ =	swait.ge [sflag:s25], $0x3E80;
	s2 =	sadd.s32 @!p0 s29, s2  }
0x37: {  	s17 =	simm.s32 @!p0 $0x7D;
	[sflag:s25] =	ssyncset.done $0x0;
	s2 =	sshll.u32 @!p0 s2, $0x7  }
0x38: {  	s31 =	simm.s32 @!p0 $0x3000;
	[sflag:s25] =	ssyncadd.s32 $0xFFFFC180;
	s2 =	sand.u32 @!p0 $0x3FFFFF80, s2  }
0x39: {  	[tilespmem:s31], [sflag:$0x1] =	stream.indirect.gather @!p0 [hbm4b:s1+s17], $0x80, s2, s17, $0xb8;
	[tilespmem:$0x1F000] =	vst v63  }
0x3a: {  	s29 =	sadd.s32 $0x2, s29;
	_ =	swait.ge [sflag:s21], $0x3E80  }
0x3b: {  	p0 =	sne.s32 s29, $0x50;
	[sflag:s21] =	ssyncset.done $0x0  }
.Ltmp3:
0x3c: {  	s0 =	sadd.s32 $0x1800, s0;
	[sflag:s21] =	ssyncadd.s32 $0xFFFFC180;
	(pc) =	sbr.rel @!p0 .LBB2_5-.Ltmp3, $4  }
0x3d: {  	[spmem:s3] =	stream.indirect.scatter.add.f32 [tilespmem:s24], [sflag:$0x4], $0x80, s0, s22, $0xb8;
	[tilespmem:$0x1F000] =	vst v63  }
0x3e: {  	_ =	swait.ge [sflag:s25], $0x3E80  }
0x3f: {  	[sflag:s25] =	ssyncset.done $0x0  }
0x40: {  	s28 =	sadd.s32 $0x400, s28;
	s30 =	sadd.s32 $0x1, s30;
	[sflag:s25] =	ssyncadd.s32 $0xFFFFC180  }
.LBB2_2:
0x41: {  	p0 =	seq.s32 s29, $0x0  }
.Ltmp4:
0x42: {  	_ = 	snop;
	(pc) =	sbr.rel @p0 .LBB2_4-.Ltmp4, $1  }
0x43: {  	_ =	sdelay $0x3  }
0x44: {  	s31 =	sand.u32 $0x7, s30  }
0x45: {  	p0 =	sne.s32 s31, $0x0  }
0x46: {  	p2 =	sgt.u32 @!p0 s30, $0x1F  }
0x47: {  	p1 =	por p2, p0  }
0x48: {  	p3 =	sgt.u32 @!p1 s30, $0x17  }
0x49: {  	p2 =	por @!p0 p3, p2  }
0x4a: {  	s31 =	sshrl.u32 @!p0 s30, $0x3;
	p0 =	por p2, p0  }
0x4b: {  	s31 =	sadd.s32 @!p0 $0x2, s31  }
0x4c: {  	s2 =	simm.s32 @!p1 $0x3;
	s0 =	smul.u32 @!p0 $0xAB, s31  }
0x4d: {  	_ =	swait.ge @!p1 [sflag:s2], $0x800  }
0x4e: {  	[sflag:s2] =	ssyncset.done @!p1 $0x0;
	s0 =	sshrl.u32 @!p0 s0, $0x9  }
0x4f: {  	[sflag:s2] =	ssyncadd.s32 @!p1 $0xFFFFF800;
	s0 =	sand.u32 @!p0 $0x7F, s0  }
0x50: {  	_ =	swait.ge @!p1 [sflag:s2], $0x800;
	s0 =	smul.u32 @!p0 $0x3, s0  }
0x51: {  	s17 =	sshll.u32 @!p0 s31, $0xB;
	[sflag:s2] =	ssyncset.done @!p1 $0x0  }
0x52: {  	s17 =	sadd.s32 @!p0 s6, s17;
	[sflag:s2] =	ssyncadd.s32 @!p1 $0xFFFFF800;
	s0 =	ssub.s32 @!p0 s31, s0  }
.Ltmp5:
0x53: {  	s2 =	sshrl.u32 @!p0 s17, $0x3;
	s0 =	sand.u32 @!p0 $0xFF, s0;
	(pc) =	sbr.rel .LBB2_4-.Ltmp5, $4  }
0x54: {  	s17 =	simm.s32 @!p0 $0x0;
	s2 =	sadd.s32 @!p0 s5, s2;
	s0 =	sshll.u32 @!p0 s0, $0xB  }
0x55: {  	[tilespmem:s0], [sflag:$0x3] =	stream.linear.gather @!p0 [hbm4b:s2+s17], $0x800, $0x38;
	[tilespmem:$0x1F000] =	vst v63  }
0x56: {  	s0 =	sadd.s32 @!p0 $0x1800, s0;
	s2 =	sadd.s32 @!p0 $0xA000, s2  }
0x57: {  	[tilespmem:s0], [sflag:$0x3] =	stream.linear.gather @!p0 [hbm4b:s2+s17], $0x800, $0x38;
	[tilespmem:$0x1F000] =	vst v63  }
.LBB2_6:
0x58: {  	_ =	sfence.sel $0x180000  }
0x59: {  	[bflag:$0x0] =	sbarrier.arrive $0xFFFF  }
0x5a: {  	_ =	strace $0x9000004A  }
0x5b: {  	s0 =	stileid.u32;
	[bflag:$0x2] =	sbarrier.arrive $0xFFFF  }
0x5c: {  	p0 =	sne.s32 s0, $0x0;
	s0 =	rddreg [dreg:$0x3]  }
0x5d: {  	s0 =	sadd.s32 @!p0 $0x100000, s0  }
0x5e: {  	[sflag:s0] =	ssyncadd.tile.s32 @!p0 $0x1;
	_ =	shalt  }
.Lfunc_end2:
_tile_overlayer_lowered:
.L_overlay_start_2:
0x5f: {  	(tag) =	ssettag $0x2  }
0x60: {  	s0 =	rddreg [dreg:$0x0];
	s2 =	stileid.u32  }
0x61: {  	s1 =	rddreg [dreg:$0x1];
	p0 =	sne.s32 s2, $0x0  }
0x62: {  	s3 =	rddreg [dreg:$0x2];
	[bflag:$0x3] =	sbarrier.arrive $0xFFFF;
	s2 =	simm.s32 @!p0 $0x1C04  }
0x63: {  	[timem:s3], [sflag:s2] =	dma.local @!p0 [hbm:s0], s1  }
0x64: {  	s0 =	simm.s32 @!p0 $0x4  }
0x65: {  	_ =	swait.ge @!p0 [sflag:s0], s1  }
0x66: {  	s1 =	ssub.s32 @!p0 $0x0, s1;
	[sflag:s0] =	ssyncset.done @!p0 $0x0  }
0x67: {  	[sflag:s0] =	ssyncadd.s32 @!p0 s1  }
0x68: {  	[bflag:$0x3] =	sbarrier.arrive $0xFFFF  }
0x69: {  	_ =	shalt  }

// kernel: kernel.16.cloned.1.call-start
scs
__scs_entry_jumppad:
0x0: {  	(pc) =	sbr.rel $0x88, $3  }
0x1: {  	(tag) =	ssettag $0x0;
	lr =	simm.s32 $0x1  }
0x2: {  	[smem:$0x3F96] =	sst lr;
	_ =	strace $0xD0000000  }
0x3: {  	_ = 	snop  }
0x4: {  	_ = 	snop  }
0x5: {  	_ = 	snop  }
0x6: {  	_ = 	snop  }
0x7: {  	_ = 	snop  }
__scs_overlays_trampoline_lowered:
0x8: {  	[smem:$0x3FA5] =	sst s0  }
0x9: {  	[smem:$0x3FA6] =	sst s1  }
0xa: {  	[smem:$0x3FA7] =	sst s2  }
0xb: {  	[smem:$0x3FA8] =	sst s3  }
0xc: {  	[smem:$0x3FA9] =	sst s4  }
0xd: {  	[smem:$0x3FAA] =	sst s5  }
0xe: {  	[smem:$0x3FAB] =	sst s6  }
0xf: {  	[smem:$0x3FAC] =	sst s7  }
0x10: {  	[smem:$0x3FAD] =	sst s8  }
0x11: {  	[smem:$0x3FAE] =	sst s9;
	s0 =	simm.s32 @!p0 $0x0  }
0x12: {  	s1 =	sld [smem:$0x3F94];
	s0 =	simm.s32 @p0 $0x1  }
0x13: {  	[smem:$0x3FAF] =	sst s0;
	s0 =	simm.s32 @!p1 $0x0  }
0x14: {  	s2 =	sld [smem:$0x3F93];
	s0 =	simm.s32 @p1 $0x1  }
0x15: {  	[smem:$0x3FB0] =	sst s0;
	s0 =	simm.s32 @!p2 $0x0  }
0x16: {  	s3 =	sld [smem:$0x3FDB];
	s0 =	simm.s32 @p2 $0x1  }
0x17: {  	s4 =	simm.s32 $0x1BF5;
	[smem:$0x3FB2] =	sst s0  }
0x18: {  	s0 =	sld [smem:$0x3F95];
	_ =	swait.ge [sflag:s4], $0x0  }
0x19: {  	s7 =	sld [smem:$0x3F96]  }
0x1a: {  	s8 =	sadd.s32 $0xFFFFE003, lr  }
0x1b: {  	s9 =	sadd.s32 $0xFFFFFEF7, lr;
	s5 =	simm.s32 $0xFFFFFFFF;
	p2 =	slt.u32 s8, $0xFFFFF086  }
0x1c: {  	p1 =	slt.u32 s9, $0xF7A;
	s5 =	simm.s32 @!p2 $0x0  }
0x1d: {  	s5 =	simm.s32 @p1 $0x1;
	p0 =	seq.s32 s7, s2  }
0x1e: {  	s7 =	smul.u32 @!p0 $0xF7A, s2;
	p2 =	seq.s32 @!p0 s5, $0x0  }
0x1f: {  	s9 =	smul.u32 $0xF7A, s1;
	s8 =	simm.s32 @!p0 $0x1BF5;
	p2 =	por !p2, p0  }
0x20: {  	[sflag:s8] =	ssyncset.s32 @!p0 $0xFFFFF086;
	s6 =	sadd.s32 @!p0 s3, s7;
	s7 =	simm.s32 @!p0 $0x108  }
0x21: {  	s3 =	sadd.s32 s3, s9;
	s6 =	sadd.s32 @!p0 $0x88, s6;
	s7 =	simm.s32 @p2 $0x1082  }
0x22: {  	[simem:s7], [sflag:s8] =	dma.local @!p0 [hbm:s6], $0xF7A  }
0x23: {  	s9 =	sor.u32 $0xD0000000, s2;
	s6 =	simm.s32 $0x108;
	_ =	swait.ge @!p0 [sflag:s8], $0x0  }
0x24: {  	s3 =	sadd.s32 $0x88, s3;
	s6 =	simm.s32 @!p1 $0x1082;
	[sflag:s4] =	ssyncset.s32 $0xFFFFF086  }
0x25: {  	[simem:s6], [sflag:s4] =	dma.local [hbm:s3], $0xF7A  }
0x26: {  	[smem:$0x3F96] =	sst s1;
	(tag) =	ssettag s2;
	_ =	strace s9  }
0x27: {  	s1 =	sld [smem:$0x3FA6]  }
0x28: {  	s2 =	sld [smem:$0x3FA7]  }
0x29: {  	s4 =	sld [smem:$0x3FA9]  }
0x2a: {  	p0 =	seq.s32 s5, $0x0;
	s5 =	sld [smem:$0x3FAA]  }
0x2b: {  	s6 =	sld [smem:$0x3FAB]  }
0x2c: {  	s7 =	sld [smem:$0x3FAC]  }
0x2d: {  	s3 =	simm.s32 $0x108;
	s8 =	sld [smem:$0x3FAD]  }
0x2e: {  	s3 =	simm.s32 @!p0 $0x1082;
	s9 =	sld [smem:$0x3FAE]  }
0x2f: {  	lr =	sadd.s32 s0, s3;
	s0 =	sld [smem:$0x3FA5]  }
0x30: {  	s3 =	sld [smem:$0x3FA8]  }
0x31: {  	[smem:$0x3FB1] =	sst s10  }
0x32: {  	s10 =	sld [smem:$0x3FAF];
	_ =	sdelay $0x3  }
0x33: {  	p0 =	seq.s32 s10, $0x1;
	s10 =	sld [smem:$0x3FB1];
	_ =	sdelay $0x3  }
0x34: {  	[smem:$0x3FB1] =	sst s10  }
0x35: {  	s10 =	sld [smem:$0x3FB0];
	_ =	sdelay $0x3  }
0x36: {  	p1 =	seq.s32 s10, $0x1;
	s10 =	sld [smem:$0x3FB1];
	_ =	sdelay $0x3  }
0x37: {  	[smem:$0x3FB1] =	sst s10  }
0x38: {  	s10 =	sld [smem:$0x3FB2]  }
0x39: {  	_ = 	snop;
	(pc) =	sbr.ind lr, $3  }
0x3a: {  	_ = 	snop  }
0x3b: {  	_ = 	snop  }
0x3c: {  	p2 =	seq.s32 s10, $0x1;
	s10 =	sld [smem:$0x3FB1]  }
0x3d: {  	_ =	shalt  }
0x3e: {  	_ =	shalt  }
0x3f: {  	_ =	shalt  }
0x40: {  	_ =	shalt  }
0x41: {  	_ =	shalt  }
0x42: {  	_ =	shalt  }
0x43: {  	_ =	shalt  }
0x44: {  	_ =	shalt  }
0x45: {  	_ =	shalt  }
0x46: {  	_ =	shalt  }
0x47: {  	_ =	shalt  }
0x48: {  	_ =	shalt  }
0x49: {  	_ =	shalt  }
0x4a: {  	_ =	shalt  }
0x4b: {  	_ =	shalt  }
0x4c: {  	_ =	shalt  }
0x4d: {  	_ =	shalt  }
0x4e: {  	_ =	shalt  }
0x4f: {  	_ =	shalt  }
0x50: {  	_ =	shalt  }
0x51: {  	_ =	shalt  }
0x52: {  	_ =	shalt  }
0x53: {  	_ =	shalt  }
0x54: {  	_ =	shalt  }
0x55: {  	_ =	shalt  }
0x56: {  	_ =	shalt  }
0x57: {  	_ =	shalt  }
0x58: {  	_ =	shalt  }
0x59: {  	_ =	shalt  }
0x5a: {  	_ =	shalt  }
0x5b: {  	_ =	shalt  }
0x5c: {  	_ =	shalt  }
0x5d: {  	_ =	shalt  }
0x5e: {  	_ =	shalt  }
0x5f: {  	_ =	shalt  }
0x60: {  	_ =	shalt  }
0x61: {  	_ =	shalt  }
0x62: {  	_ =	shalt  }
0x63: {  	_ =	shalt  }
0x64: {  	_ =	shalt  }
0x65: {  	_ =	shalt  }
0x66: {  	_ =	shalt  }
0x67: {  	_ =	shalt  }
0x68: {  	_ =	shalt  }
0x69: {  	_ =	shalt  }
0x6a: {  	_ =	shalt  }
0x6b: {  	_ =	shalt  }
0x6c: {  	_ =	shalt  }
0x6d: {  	_ =	shalt  }
0x6e: {  	_ =	shalt  }
0x6f: {  	_ =	shalt  }
0x70: {  	_ =	shalt  }
0x71: {  	_ =	shalt  }
0x72: {  	_ =	shalt  }
0x73: {  	_ =	shalt  }
0x74: {  	_ =	shalt  }
0x75: {  	_ =	shalt  }
0x76: {  	_ =	shalt  }
0x77: {  	_ =	shalt  }
0x78: {  	_ =	shalt  }
0x79: {  	_ =	shalt  }
0x7a: {  	_ =	shalt  }
0x7b: {  	_ =	shalt  }
0x7c: {  	_ =	shalt  }
0x7d: {  	_ =	shalt  }
0x7e: {  	_ =	shalt  }
0x7f: {  	_ =	shalt  }
0x80: {  	_ =	shalt  }
0x81: {  	_ =	shalt  }
0x82: {  	_ =	shalt  }
0x83: {  	_ =	shalt  }
0x84: {  	_ =	shalt  }
0x85: {  	_ =	shalt  }
0x86: {  	_ =	shalt  }
0x87: {  	_ =	shalt  }
.Lfunc_end0:
.L_simem_size_0:
called_computation.2_lowered:
.L_overlay_start_0:
0x88: {  	s2 =	sld [smem:$0x3FD9]  }
0x89: {  	s3 =	sld [smem:$0x3FFE];
	_ =	sdelay $0x1  }
0x8a: {  	s1 =	srdreg.scid  }
0x8b: {  	s0 =	sand.u32 $0x1, s1  }
0x8c: {  	s17 =	sshll.u32 s0, $0xA;
	s2 =	sadd.s32 s3, s2  }
0x8d: {  	s2 =	sadd.s32 s2, s17  }
0x8e: {  	[smem:$0x3FBD] =	sst s2  }
0x8f: {  	_ = 	snop  }
0x90: {  	s2 =	sld [smem:$0x3FD0];
	(tm) =	ssettm $0x1  }
0x91: {  	s18 =	sld [smem:$0x3FFB];
	_ =	sdelay $0x3  }
0x92: {  	_ =	strace s18  }
0x93: {  	s3 =	sld [smem:$0x3FFC];
	_ =	sdelay $0x3  }
0x94: {  	_ =	strace s3  }
0x95: {  	s3 =	sld [smem:$0x3FFD];
	_ =	sdelay $0x3  }
0x96: {  	_ =	strace s3  }
0x97: {  	_ =	strace $0x8FFFFFFF  }
0x98: {  	s19 =	sld [smem:$0x3FDB];
	_ =	sdelay $0x1  }
0x99: {  	s4 =	simm.s32 $_scs_section_size  }
0x9a: {  	s5 =	simm.s32 $_size__tile_overlayer_lowered;
	s6 =	simm.s32 $_tile_overlayer_lowered  }
0x9b: {  	s22 =	simm.s32 $0x1BFF;
	s21 =	sshll.u32 s6, $0x1;
	s3 =	sadd.s32 s4, s19  }
0x9c: {  	s7 =	simm.s32 $0x0;
	s20 =	sshll.u32 s5, $0x1;
	s5 =	sadd.s32 s21, s3  }
0x9d: {  	[timem:s7], [sflag:s22] =	dma.local [hbm:s5], s20  }
0x9e: {  	_ =	swait.ge [sflag:s22], s20  }
0x9f: {  	s4 =	ssub.s32 $0x0, s20;
	[sflag:s22] =	ssyncset.done $0x0  }
0xa0: {  	[sflag:s22] =	ssyncadd.s32 s4;
	_ =	sdelay $0x1  }
0xa1: {  	s23 =	simm.s32 $0x1B8B  }
0xa2: {  	_ =	swait.ge [sflag:s23], $0x1  }
0xa3: {  	[sflag:s23] =	ssyncset.done $0x0  }
0xa4: {  	s25 =	simm.s32 $0x1B8E;
	s24 =	sld [smem:$0x3FFE];
	[sflag:s23] =	ssyncadd.s32 $0xFFFFFFFF  }
0xa5: {  	s26 =	simm.s32 $execute0_lowered;
	[smem:$0x3FD2] =	sst s25  }
0xa6: {  	s5 =	sshll.u32 s26, $0x1;
	_ =	strace $0x8000004C;
	[dreg:$0x1] =	wrdreg $0xFFFFFFFF  }
0xa7: {  	s28 =	simm.s32 $_size_execute0_lowered;
	s3 =	sadd.s32 s3, s5;
	[dreg:$0x0] =	wrdreg $0x0  }
0xa8: {  	s5 =	sshll.u32 s28, $0x1;
	[dreg:$0x2] =	wrdreg s3  }
0xa9: {  	[dreg:$0x3] =	wrdreg s5  }
0xaa: {  	[dreg:$0x4] =	wrdreg $0xC0  }
0xab: {  	_ =	task [dreg:s7], $0x5FFFF  }
0xac: {  	[dreg:$0x1] =	wrdreg $0xFFFFFFFF  }
0xad: {  	[dreg:$0x0] =	wrdreg $0x60  }
0xae: {  	[dreg:$0x2] =	wrdreg s2  }
0xaf: {  	[dreg:$0x3] =	wrdreg s24  }
0xb0: {  	[dreg:$0x4] =	wrdreg $0xB0000  }
0xb1: {  	[dreg:$0x5] =	wrdreg $0x9  }
0xb2: {  	_ =	task.clear_ibuf [dreg:s7], $0x6FFFF;
	_ =	strace $0x9000004C  }
0xb3: {  	s29 =	simm.s32 $0x9;
	_ =	strace $0x8000004E  }
0xb4: {  	_ =	swait.ge [sflag:s29], $0x1  }
0xb5: {  	[sflag:s29] =	ssyncadd.s32 $0xFFFFFFFF  }
0xb6: {  	_ =	strace $0x9000004E  }
0xb7: {  	_ =	sfence  }
0xb8: {  	s30 =	sld [smem:$0x0];
	_ =	sdelay $0x2  }
0xb9: {  	s31 =	sshll.u32 s1, $0xD;
	s1 =	sshrl.u32 s1, $0x2  }
0xba: {  	s3 =	sand.u32 $0x4000, s31;
	s1 =	sadd.s32 s1, s30  }
0xbb: {  	s0 =	sor.u32 s3, s0;
	s1 =	sshll.u32 s1, $0x11  }
0xbc: {  	s0 =	sor.u32 s1, s0  }
0xbd: {  	s0 =	sadd.s32 $0x8F2B, s0  }
0xbe: {  	[sflag:s0] =	ssyncadd.remote.s32 $0x1  }
0xbf: {  	_ =	sfence.sel $0xFFFF  }
0xc0: {  	[dreg:$0x0] =	wrdreg $0xFFFFFFFF;
	(pc) =	sbr.abs _section_cstart, $3  }
0xc1: {  	[dreg:$0x1] =	wrdreg $0xFFFFFFFF  }
0xc2: {  	_ =	task.clear_ibuf [dreg:s7], $0x2FFFF;
	_ =	strace $0x9FFFFFFF  }
0xc3: {  	(tm) =	ssettm $0x7FFFFFFF  }
tec
execute0_lowered:
.L_overlay_start_1:
0x0: {  	(tag) =	ssettag $0x1  }
0x1: {  	s1 =	rddreg [dreg:$0x0]  }
0x2: {  	s7 =	rddreg [dreg:$0x1]  }
0x3: {  	s3 =	rddreg [dreg:$0x2];
	s4 =	simm.s32 $0x0;
	s0 =	stileid.u32  }
0x4: {  	s5 =	srdreg.scid;
	s18 =	simm.s32 $0x1000;
	s19 =	simm.s32 $0x2800  }
0x5: {  	s20 =	simm.s32 $0x1;
	s21 =	simm.s32 $0x2;
	s22 =	simm.s32 $0x7D  }
0x6: {  	s23 =	simm.s32 $0x3000;
	s24 =	simm.s32 $0x7000;
	[smem:$0x7FF] =	sst s4  }
0x7: {  	s6 =	smul.u32 $0x14000, s0;
	s8 =	sand.u32 $0x1, s5;
	s5 =	sadd.s32 $0xE000, s7  }
0x8: {  	s11 =	sshll.u32 s0, $0x1;
	s26 =	smul.u32 $0x50000, s0;
	_ =	strace $0x8000004D  }
0x9: {  	s9 =	smul.u32 $0x140000, s8;
	s25 =	sor.u32 s8, s11;
	s8 =	ssub.s32 $0x2, s8  }
0xa: {  	s10 =	sshrl.u32 s6, $0x3;
	s29 =	sshrl.u32 s8, $0x1;
	s30 =	sshrl.u32 s26, $0x2  }
0xb: {  	s26 =	simm.s32 $0x0;
	s6 =	sadd.s32 s6, s9;
	s28 =	sadd.s32 s10, s7  }
0xc: {  	s15 =	ssub.s32 s8, s29;
	s12 =	sshrl.u32 s6, $0x3;
	s6 =	smul.u32 $0x2800, s25  }
.Ltmp0:
0xd: {  	s16 =	sadd.s32 s30, s3;
	s9 =	sadd.s32 $0x22000, s28;
	(pc) =	sbr.rel .LBB2_1-.Ltmp0, $4  }
0xe: {  	s15 =	smax.u32 s15, $0x1;
	s16 =	sshrl.u32 s16, $0x3;
	s25 =	simm.s32 $0x4  }
0xf: {  	s14 =	sadd.s32 s12, s7;
	s7 =	sshll.u32 s0, $0x6;
	s31 =	sshrl.u32 s6, $0x3  }
0x10: {  	s10 =	sor.u32 $0x1C02, s7;
	s14 =	sadd.s32 $0x4A000, s14;
	s8 =	sadd.s32 s5, s31  }
0x11: {  	s11 =	sadd.s32 $0xA000, s8;
	s12 =	sadd.s32 $0x200, s8;
	s13 =	sadd.s32 $0xA200, s8  }
.LBB2_5:
0x12: {  	s26 =	sadd.s32 $0x1, s26  }
0x13: {  	p0 =	sne.s32 s26, s15  }
.Ltmp1:
0x14: {  	[bflag:$0x0] =	sbarrier.arrive $0xFFFF;
	s0 =	sor.u32 $0x1C04, s7;
	(pc) =	sbr.rel @!p0 .LBB2_6-.Ltmp1, $4  }
0x15: {  	[hbm:s14], [sflag:s0] =	dma.local [spmem:s16], $0x2800  }
0x16: {  	_ =	swait.ge [sflag:s25], $0x2800  }
0x17: {  	[sflag:s25] =	ssyncset.done $0x0  }
0x18: {  	[sflag:s25] =	ssyncadd.s32 $0xFFFFD800  }
.LBB2_1:
0x19: {  	[spmem:s16], [sflag:s10] =	dma.local [hbm:s9], $0x2800  }
0x1a: {  	[tilespmem:s4], [sflag:$0x1] =	stream.linear.gather [hbm4b:s8+s4], $0x1000, $0x38;
	[tilespmem:$0x1F000] =	vst v63  }
0x1b: {  	s0 =	simm.s32 $0x1800  }
0x1c: {  	[tilespmem:s0], [sflag:$0x1] =	stream.linear.gather [hbm4b:s11+s4], $0x1000, $0x38;
	[tilespmem:$0x1F000] =	vst v63  }
0x1d: {  	_ = 	snop  }
0x1e: {  	[tilespmem:s18], [sflag:$0x3] =	stream.linear.gather [hbm4b:s12+s4], $0x800, $0x38;
	[tilespmem:$0x1F000] =	vst v63  }
0x1f: {  	_ = 	snop  }
0x20: {  	[tilespmem:s19], [sflag:$0x3] =	stream.linear.gather [hbm4b:s13+s4], $0x800, $0x38;
	[tilespmem:$0x1F000] =	vst v63  }
0x21: {  	_ =	swait.ge [sflag:s20], $0x1000  }
0x22: {  	[sflag:s20] =	ssyncset.done $0x0  }
0x23: {  	[sflag:s20] =	ssyncadd.s32 $0xFFFFF000  }
0x24: {  	_ =	swait.ge [sflag:s20], $0x1000  }
0x25: {  	[sflag:s20] =	ssyncset.done $0x0  }
0x26: {  	[sflag:s20] =	ssyncadd.s32 $0xFFFFF000  }
.Ltmp2:
0x27: {  	_ =	swait.ge [sflag:s21], $0x2800;
	(pc) =	sbr.rel .LBB2_2-.Ltmp2, $4  }
0x28: {  	[sflag:s21] =	ssyncset.done $0x0  }
0x29: {  	s28 =	simm.s32 $0x0;
	[sflag:s21] =	ssyncadd.s32 $0xFFFFD800  }
0x2a: {  	s29 =	simm.s32 $0x0;
	s30 =	simm.s32 $0x0;
	[bflag:$0x0] =	sbarrier.arrive $0xFFFF  }
0x2b: {  	[tilespmem:s23], [sflag:$0x1] =	stream.indirect.gather [hbm4b:s1+s22], $0x80, s4, s22, $0xb8;
	[tilespmem:$0x1F000] =	vst v63  }
.LBB2_4:
0x2c: {  	s0 =	sadd.s32 $0x1, s29;
	p0 =	slt.u32 s30, $0x18;
	s2 =	sadd.s32 $0xFFFFFFD1, s29  }
0x2d: {  	s2 =	smov.u32 @p0 s0  }
0x2e: {  	s0 =	sshll.u32 s2, $0x7;
	s2 =	sadd.s32 $0xFFFFA000, s28  }
0x2f: {  	[tilespmem:s24], [sflag:$0x2] =	stream.indirect.gather [hbm4b:s1+s22], $0x80, s0, s22, $0xb8;
	[tilespmem:$0x1F000] =	vst v63  }
0x30: {  	s2 =	smov.u32 @p0 s28;
	_ =	swait.ge [sflag:s20], $0x3E80  }
0x31: {  	p0 =	seq.s32 s29, $0x4E;
	s2 =	sshra.s32 s2, $0x2;
	[sflag:s20] =	ssyncset.done $0x0  }
0x32: {  	p1 =	slt.u32 @!p0 s30, $0x17;
	s2 =	sadd.s32 $0x1800, s2;
	[sflag:s20] =	ssyncadd.s32 $0xFFFFC180  }
0x33: {  	[spmem:s3] =	stream.indirect.scatter.add.f32 [tilespmem:s23], [sflag:$0x4], $0x80, s2, s22, $0xb8;
	[tilespmem:$0x1F000] =	vst v63  }
0x34: {  	p1 =	por !p1, p0;
	s2 =	simm.s32 @!p0 $0x2  }
0x35: {  	s2 =	simm.s32 @p1 $0xFFFFFFD2  }
0x36: {  	_ =	swait.ge [sflag:s25], $0x3E80;
	s2 =	sadd.s32 @!p0 s29, s2  }
0x37: {  	s17 =	simm.s32 @!p0 $0x7D;
	[sflag:s25] =	ssyncset.done $0x0;
	s2 =	sshll.u32 @!p0 s2, $0x7  }
0x38: {  	s31 =	simm.s32 @!p0 $0x3000;
	[sflag:s25] =	ssyncadd.s32 $0xFFFFC180;
	s2 =	sand.u32 @!p0 $0x3FFFFF80, s2  }
0x39: {  	[tilespmem:s31], [sflag:$0x1] =	stream.indirect.gather @!p0 [hbm4b:s1+s17], $0x80, s2, s17, $0xb8;
	[tilespmem:$0x1F000] =	vst v63  }
0x3a: {  	s29 =	sadd.s32 $0x2, s29;
	_ =	swait.ge [sflag:s21], $0x3E80  }
0x3b: {  	p0 =	sne.s32 s29, $0x50;
	[sflag:s21] =	ssyncset.done $0x0  }
.Ltmp3:
0x3c: {  	s0 =	sadd.s32 $0x1800, s0;
	[sflag:s21] =	ssyncadd.s32 $0xFFFFC180;
	(pc) =	sbr.rel @!p0 .LBB2_5-.Ltmp3, $4  }
0x3d: {  	[spmem:s3] =	stream.indirect.scatter.add.f32 [tilespmem:s24], [sflag:$0x4], $0x80, s0, s22, $0xb8;
	[tilespmem:$0x1F000] =	vst v63  }
0x3e: {  	_ =	swait.ge [sflag:s25], $0x3E80  }
0x3f: {  	[sflag:s25] =	ssyncset.done $0x0  }
0x40: {  	s28 =	sadd.s32 $0x400, s28;
	s30 =	sadd.s32 $0x1, s30;
	[sflag:s25] =	ssyncadd.s32 $0xFFFFC180  }
.LBB2_2:
0x41: {  	p0 =	seq.s32 s29, $0x0  }
.Ltmp4:
0x42: {  	_ = 	snop;
	(pc) =	sbr.rel @p0 .LBB2_4-.Ltmp4, $1  }
0x43: {  	_ =	sdelay $0x3  }
0x44: {  	s31 =	sand.u32 $0x7, s30  }
0x45: {  	p0 =	sne.s32 s31, $0x0  }
0x46: {  	p2 =	sgt.u32 @!p0 s30, $0x1F  }
0x47: {  	p1 =	por p2, p0  }
0x48: {  	p3 =	sgt.u32 @!p1 s30, $0x17  }
0x49: {  	p2 =	por @!p0 p3, p2  }
0x4a: {  	s31 =	sshrl.u32 @!p0 s30, $0x3;
	p0 =	por p2, p0  }
0x4b: {  	s31 =	sadd.s32 @!p0 $0x2, s31  }
0x4c: {  	s2 =	simm.s32 @!p1 $0x3;
	s0 =	smul.u32 @!p0 $0xAB, s31  }
0x4d: {  	_ =	swait.ge @!p1 [sflag:s2], $0x800  }
0x4e: {  	[sflag:s2] =	ssyncset.done @!p1 $0x0;
	s0 =	sshrl.u32 @!p0 s0, $0x9  }
0x4f: {  	[sflag:s2] =	ssyncadd.s32 @!p1 $0xFFFFF800;
	s0 =	sand.u32 @!p0 $0x7F, s0  }
0x50: {  	_ =	swait.ge @!p1 [sflag:s2], $0x800;
	s0 =	smul.u32 @!p0 $0x3, s0  }
0x51: {  	s17 =	sshll.u32 @!p0 s31, $0xB;
	[sflag:s2] =	ssyncset.done @!p1 $0x0  }
0x52: {  	s17 =	sadd.s32 @!p0 s6, s17;
	[sflag:s2] =	ssyncadd.s32 @!p1 $0xFFFFF800;
	s0 =	ssub.s32 @!p0 s31, s0  }
.Ltmp5:
0x53: {  	s2 =	sshrl.u32 @!p0 s17, $0x3;
	s0 =	sand.u32 @!p0 $0xFF, s0;
	(pc) =	sbr.rel .LBB2_4-.Ltmp5, $4  }
0x54: {  	s17 =	simm.s32 @!p0 $0x0;
	s2 =	sadd.s32 @!p0 s5, s2;
	s0 =	sshll.u32 @!p0 s0, $0xB  }
0x55: {  	[tilespmem:s0], [sflag:$0x3] =	stream.linear.gather @!p0 [hbm4b:s2+s17], $0x800, $0x38;
	[tilespmem:$0x1F000] =	vst v63  }
0x56: {  	s0 =	sadd.s32 @!p0 $0x1800, s0;
	s2 =	sadd.s32 @!p0 $0xA000, s2  }
0x57: {  	[tilespmem:s0], [sflag:$0x3] =	stream.linear.gather @!p0 [hbm4b:s2+s17], $0x800, $0x38;
	[tilespmem:$0x1F000] =	vst v63  }
.LBB2_6:
0x58: {  	_ =	sfence.sel $0x180000  }
0x59: {  	[bflag:$0x0] =	sbarrier.arrive $0xFFFF  }
0x5a: {  	_ =	strace $0x9000004D  }
0x5b: {  	s0 =	stileid.u32;
	[bflag:$0x2] =	sbarrier.arrive $0xFFFF  }
0x5c: {  	p0 =	sne.s32 s0, $0x0;
	s0 =	rddreg [dreg:$0x3]  }
0x5d: {  	s0 =	sadd.s32 @!p0 $0x100000, s0  }
0x5e: {  	[sflag:s0] =	ssyncadd.tile.s32 @!p0 $0x1;
	_ =	shalt  }
.Lfunc_end2:
_tile_overlayer_lowered:
.L_overlay_start_2:
0x5f: {  	(tag) =	ssettag $0x2  }
0x60: {  	s0 =	rddreg [dreg:$0x0];
	s2 =	stileid.u32  }
0x61: {  	s1 =	rddreg [dreg:$0x1];
	p0 =	sne.s32 s2, $0x0  }
0x62: {  	s3 =	rddreg [dreg:$0x2];
	[bflag:$0x3] =	sbarrier.arrive $0xFFFF;
	s2 =	simm.s32 @!p0 $0x1C04  }
0x63: {  	[timem:s3], [sflag:s2] =	dma.local @!p0 [hbm:s0], s1  }
0x64: {  	s0 =	simm.s32 @!p0 $0x4  }
0x65: {  	_ =	swait.ge @!p0 [sflag:s0], s1  }
0x66: {  	s1 =	ssub.s32 @!p0 $0x0, s1;
	[sflag:s0] =	ssyncset.done @!p0 $0x0  }
0x67: {  	[sflag:s0] =	ssyncadd.s32 @!p0 s1  }
0x68: {  	[bflag:$0x3] =	sbarrier.arrive $0xFFFF  }
0x69: {  	_ =	shalt  }

// kernel: kernel.19.cloned.1.call-start
scs
__scs_entry_jumppad:
0x0: {  	(pc) =	sbr.rel $0x88, $3  }
0x1: {  	(tag) =	ssettag $0x0;
	lr =	simm.s32 $0x1  }
0x2: {  	[smem:$0x3F96] =	sst lr;
	_ =	strace $0xD0000000  }
0x3: {  	_ = 	snop  }
0x4: {  	_ = 	snop  }
0x5: {  	_ = 	snop  }
0x6: {  	_ = 	snop  }
0x7: {  	_ = 	snop  }
__scs_overlays_trampoline_lowered:
0x8: {  	[smem:$0x3FA5] =	sst s0  }
0x9: {  	[smem:$0x3FA6] =	sst s1  }
0xa: {  	[smem:$0x3FA7] =	sst s2  }
0xb: {  	[smem:$0x3FA8] =	sst s3  }
0xc: {  	[smem:$0x3FA9] =	sst s4  }
0xd: {  	[smem:$0x3FAA] =	sst s5  }
0xe: {  	[smem:$0x3FAB] =	sst s6  }
0xf: {  	[smem:$0x3FAC] =	sst s7  }
0x10: {  	[smem:$0x3FAD] =	sst s8  }
0x11: {  	[smem:$0x3FAE] =	sst s9;
	s0 =	simm.s32 @!p0 $0x0  }
0x12: {  	s1 =	sld [smem:$0x3F94];
	s0 =	simm.s32 @p0 $0x1  }
0x13: {  	[smem:$0x3FAF] =	sst s0;
	s0 =	simm.s32 @!p1 $0x0  }
0x14: {  	s2 =	sld [smem:$0x3F93];
	s0 =	simm.s32 @p1 $0x1  }
0x15: {  	[smem:$0x3FB0] =	sst s0;
	s0 =	simm.s32 @!p2 $0x0  }
0x16: {  	s3 =	sld [smem:$0x3FDB];
	s0 =	simm.s32 @p2 $0x1  }
0x17: {  	s4 =	simm.s32 $0x1BF5;
	[smem:$0x3FB2] =	sst s0  }
0x18: {  	s0 =	sld [smem:$0x3F95];
	_ =	swait.ge [sflag:s4], $0x0  }
0x19: {  	s7 =	sld [smem:$0x3F96]  }
0x1a: {  	s8 =	sadd.s32 $0xFFFFE003, lr  }
0x1b: {  	s9 =	sadd.s32 $0xFFFFFEF7, lr;
	s5 =	simm.s32 $0xFFFFFFFF;
	p2 =	slt.u32 s8, $0xFFFFF086  }
0x1c: {  	p1 =	slt.u32 s9, $0xF7A;
	s5 =	simm.s32 @!p2 $0x0  }
0x1d: {  	s5 =	simm.s32 @p1 $0x1;
	p0 =	seq.s32 s7, s2  }
0x1e: {  	s7 =	smul.u32 @!p0 $0xF7A, s2;
	p2 =	seq.s32 @!p0 s5, $0x0  }
0x1f: {  	s9 =	smul.u32 $0xF7A, s1;
	s8 =	simm.s32 @!p0 $0x1BF5;
	p2 =	por !p2, p0  }
0x20: {  	[sflag:s8] =	ssyncset.s32 @!p0 $0xFFFFF086;
	s6 =	sadd.s32 @!p0 s3, s7;
	s7 =	simm.s32 @!p0 $0x108  }
0x21: {  	s3 =	sadd.s32 s3, s9;
	s6 =	sadd.s32 @!p0 $0x88, s6;
	s7 =	simm.s32 @p2 $0x1082  }
0x22: {  	[simem:s7], [sflag:s8] =	dma.local @!p0 [hbm:s6], $0xF7A  }
0x23: {  	s9 =	sor.u32 $0xD0000000, s2;
	s6 =	simm.s32 $0x108;
	_ =	swait.ge @!p0 [sflag:s8], $0x0  }
0x24: {  	s3 =	sadd.s32 $0x88, s3;
	s6 =	simm.s32 @!p1 $0x1082;
	[sflag:s4] =	ssyncset.s32 $0xFFFFF086  }
0x25: {  	[simem:s6], [sflag:s4] =	dma.local [hbm:s3], $0xF7A  }
0x26: {  	[smem:$0x3F96] =	sst s1;
	(tag) =	ssettag s2;
	_ =	strace s9  }
0x27: {  	s1 =	sld [smem:$0x3FA6]  }
0x28: {  	s2 =	sld [smem:$0x3FA7]  }
0x29: {  	s4 =	sld [smem:$0x3FA9]  }
0x2a: {  	p0 =	seq.s32 s5, $0x0;
	s5 =	sld [smem:$0x3FAA]  }
0x2b: {  	s6 =	sld [smem:$0x3FAB]  }
0x2c: {  	s7 =	sld [smem:$0x3FAC]  }
0x2d: {  	s3 =	simm.s32 $0x108;
	s8 =	sld [smem:$0x3FAD]  }
0x2e: {  	s3 =	simm.s32 @!p0 $0x1082;
	s9 =	sld [smem:$0x3FAE]  }
0x2f: {  	lr =	sadd.s32 s0, s3;
	s0 =	sld [smem:$0x3FA5]  }
0x30: {  	s3 =	sld [smem:$0x3FA8]  }
0x31: {  	[smem:$0x3FB1] =	sst s10  }
0x32: {  	s10 =	sld [smem:$0x3FAF];
	_ =	sdelay $0x3  }
0x33: {  	p0 =	seq.s32 s10, $0x1;
	s10 =	sld [smem:$0x3FB1];
	_ =	sdelay $0x3  }
0x34: {  	[smem:$0x3FB1] =	sst s10  }
0x35: {  	s10 =	sld [smem:$0x3FB0];
	_ =	sdelay $0x3  }
0x36: {  	p1 =	seq.s32 s10, $0x1;
	s10 =	sld [smem:$0x3FB1];
	_ =	sdelay $0x3  }
0x37: {  	[smem:$0x3FB1] =	sst s10  }
0x38: {  	s10 =	sld [smem:$0x3FB2]  }
0x39: {  	_ = 	snop;
	(pc) =	sbr.ind lr, $3  }
0x3a: {  	_ = 	snop  }
0x3b: {  	_ = 	snop  }
0x3c: {  	p2 =	seq.s32 s10, $0x1;
	s10 =	sld [smem:$0x3FB1]  }
0x3d: {  	_ =	shalt  }
0x3e: {  	_ =	shalt  }
0x3f: {  	_ =	shalt  }
0x40: {  	_ =	shalt  }
0x41: {  	_ =	shalt  }
0x42: {  	_ =	shalt  }
0x43: {  	_ =	shalt  }
0x44: {  	_ =	shalt  }
0x45: {  	_ =	shalt  }
0x46: {  	_ =	shalt  }
0x47: {  	_ =	shalt  }
0x48: {  	_ =	shalt  }
0x49: {  	_ =	shalt  }
0x4a: {  	_ =	shalt  }
0x4b: {  	_ =	shalt  }
0x4c: {  	_ =	shalt  }
0x4d: {  	_ =	shalt  }
0x4e: {  	_ =	shalt  }
0x4f: {  	_ =	shalt  }
0x50: {  	_ =	shalt  }
0x51: {  	_ =	shalt  }
0x52: {  	_ =	shalt  }
0x53: {  	_ =	shalt  }
0x54: {  	_ =	shalt  }
0x55: {  	_ =	shalt  }
0x56: {  	_ =	shalt  }
0x57: {  	_ =	shalt  }
0x58: {  	_ =	shalt  }
0x59: {  	_ =	shalt  }
0x5a: {  	_ =	shalt  }
0x5b: {  	_ =	shalt  }
0x5c: {  	_ =	shalt  }
0x5d: {  	_ =	shalt  }
0x5e: {  	_ =	shalt  }
0x5f: {  	_ =	shalt  }
0x60: {  	_ =	shalt  }
0x61: {  	_ =	shalt  }
0x62: {  	_ =	shalt  }
0x63: {  	_ =	shalt  }
0x64: {  	_ =	shalt  }
0x65: {  	_ =	shalt  }
0x66: {  	_ =	shalt  }
0x67: {  	_ =	shalt  }
0x68: {  	_ =	shalt  }
0x69: {  	_ =	shalt  }
0x6a: {  	_ =	shalt  }
0x6b: {  	_ =	shalt  }
0x6c: {  	_ =	shalt  }
0x6d: {  	_ =	shalt  }
0x6e: {  	_ =	shalt  }
0x6f: {  	_ =	shalt  }
0x70: {  	_ =	shalt  }
0x71: {  	_ =	shalt  }
0x72: {  	_ =	shalt  }
0x73: {  	_ =	shalt  }
0x74: {  	_ =	shalt  }
0x75: {  	_ =	shalt  }
0x76: {  	_ =	shalt  }
0x77: {  	_ =	shalt  }
0x78: {  	_ =	shalt  }
0x79: {  	_ =	shalt  }
0x7a: {  	_ =	shalt  }
0x7b: {  	_ =	shalt  }
0x7c: {  	_ =	shalt  }
0x7d: {  	_ =	shalt  }
0x7e: {  	_ =	shalt  }
0x7f: {  	_ =	shalt  }
0x80: {  	_ =	shalt  }
0x81: {  	_ =	shalt  }
0x82: {  	_ =	shalt  }
0x83: {  	_ =	shalt  }
0x84: {  	_ =	shalt  }
0x85: {  	_ =	shalt  }
0x86: {  	_ =	shalt  }
0x87: {  	_ =	shalt  }
.Lfunc_end0:
.L_simem_size_0:
called_computation.3_lowered:
.L_overlay_start_0:
0x88: {  	s2 =	sld [smem:$0x3FD9]  }
0x89: {  	s3 =	sld [smem:$0x3FFE];
	_ =	sdelay $0x1  }
0x8a: {  	s1 =	srdreg.scid  }
0x8b: {  	s0 =	sand.u32 $0x1, s1  }
0x8c: {  	s17 =	sshll.u32 s0, $0xA;
	s2 =	sadd.s32 s3, s2  }
0x8d: {  	s2 =	sadd.s32 s2, s17  }
0x8e: {  	[smem:$0x3FBD] =	sst s2  }
0x8f: {  	_ = 	snop  }
0x90: {  	s2 =	sld [smem:$0x3FD0];
	(tm) =	ssettm $0x1  }
0x91: {  	s18 =	sld [smem:$0x3FFB];
	_ =	sdelay $0x3  }
0x92: {  	_ =	strace s18  }
0x93: {  	s3 =	sld [smem:$0x3FFC];
	_ =	sdelay $0x3  }
0x94: {  	_ =	strace s3  }
0x95: {  	s3 =	sld [smem:$0x3FFD];
	_ =	sdelay $0x3  }
0x96: {  	_ =	strace s3  }
0x97: {  	_ =	strace $0x8FFFFFFF  }
0x98: {  	s19 =	sld [smem:$0x3FDB];
	_ =	sdelay $0x1  }
0x99: {  	s4 =	simm.s32 $_scs_section_size  }
0x9a: {  	s5 =	simm.s32 $_size__tile_overlayer_lowered;
	s6 =	simm.s32 $_tile_overlayer_lowered  }
0x9b: {  	s22 =	simm.s32 $0x1BFF;
	s21 =	sshll.u32 s6, $0x1;
	s3 =	sadd.s32 s4, s19  }
0x9c: {  	s7 =	simm.s32 $0x0;
	s20 =	sshll.u32 s5, $0x1;
	s5 =	sadd.s32 s21, s3  }
0x9d: {  	[timem:s7], [sflag:s22] =	dma.local [hbm:s5], s20  }
0x9e: {  	_ =	swait.ge [sflag:s22], s20  }
0x9f: {  	s4 =	ssub.s32 $0x0, s20;
	[sflag:s22] =	ssyncset.done $0x0  }
0xa0: {  	[sflag:s22] =	ssyncadd.s32 s4;
	_ =	sdelay $0x1  }
0xa1: {  	s23 =	simm.s32 $0x1B8B  }
0xa2: {  	_ =	swait.ge [sflag:s23], $0x1  }
0xa3: {  	[sflag:s23] =	ssyncset.done $0x0  }
0xa4: {  	s25 =	simm.s32 $0x1B8E;
	s24 =	sld [smem:$0x3FFE];
	[sflag:s23] =	ssyncadd.s32 $0xFFFFFFFF  }
0xa5: {  	s26 =	simm.s32 $execute0_lowered;
	[smem:$0x3FD2] =	sst s25  }
0xa6: {  	s5 =	sshll.u32 s26, $0x1;
	_ =	strace $0x8000004F;
	[dreg:$0x1] =	wrdreg $0xFFFFFFFF  }
0xa7: {  	s28 =	simm.s32 $_size_execute0_lowered;
	s3 =	sadd.s32 s3, s5;
	[dreg:$0x0] =	wrdreg $0x0  }
0xa8: {  	s5 =	sshll.u32 s28, $0x1;
	[dreg:$0x2] =	wrdreg s3  }
0xa9: {  	[dreg:$0x3] =	wrdreg s5  }
0xaa: {  	[dreg:$0x4] =	wrdreg $0xC0  }
0xab: {  	_ =	task [dreg:s7], $0x5FFFF  }
0xac: {  	[dreg:$0x1] =	wrdreg $0xFFFFFFFF  }
0xad: {  	[dreg:$0x0] =	wrdreg $0x60  }
0xae: {  	[dreg:$0x2] =	wrdreg s2  }
0xaf: {  	[dreg:$0x3] =	wrdreg s24  }
0xb0: {  	[dreg:$0x4] =	wrdreg $0xB0000  }
0xb1: {  	[dreg:$0x5] =	wrdreg $0x9  }
0xb2: {  	_ =	task.clear_ibuf [dreg:s7], $0x6FFFF;
	_ =	strace $0x9000004F  }
0xb3: {  	s29 =	simm.s32 $0x9;
	_ =	strace $0x80000051  }
0xb4: {  	_ =	swait.ge [sflag:s29], $0x1  }
0xb5: {  	[sflag:s29] =	ssyncadd.s32 $0xFFFFFFFF  }
0xb6: {  	_ =	strace $0x90000051  }
0xb7: {  	_ =	sfence  }
0xb8: {  	s30 =	sld [smem:$0x0];
	_ =	sdelay $0x2  }
0xb9: {  	s31 =	sshll.u32 s1, $0xD;
	s1 =	sshrl.u32 s1, $0x2  }
0xba: {  	s3 =	sand.u32 $0x4000, s31;
	s1 =	sadd.s32 s1, s30  }
0xbb: {  	s0 =	sor.u32 s3, s0;
	s1 =	sshll.u32 s1, $0x11  }
0xbc: {  	s0 =	sor.u32 s1, s0  }
0xbd: {  	s0 =	sadd.s32 $0x8F2B, s0  }
0xbe: {  	[sflag:s0] =	ssyncadd.remote.s32 $0x1  }
0xbf: {  	_ =	sfence.sel $0xFFFF  }
0xc0: {  	[dreg:$0x0] =	wrdreg $0xFFFFFFFF;
	(pc) =	sbr.abs _section_cstart, $3  }
0xc1: {  	[dreg:$0x1] =	wrdreg $0xFFFFFFFF  }
0xc2: {  	_ =	task.clear_ibuf [dreg:s7], $0x2FFFF;
	_ =	strace $0x9FFFFFFF  }
0xc3: {  	(tm) =	ssettm $0x7FFFFFFF  }
tec
execute0_lowered:
.L_overlay_start_1:
0x0: {  	(tag) =	ssettag $0x1  }
0x1: {  	s1 =	rddreg [dreg:$0x0]  }
0x2: {  	s7 =	rddreg [dreg:$0x1]  }
0x3: {  	s3 =	rddreg [dreg:$0x2];
	s4 =	simm.s32 $0x0;
	s0 =	stileid.u32  }
0x4: {  	s5 =	srdreg.scid;
	s18 =	simm.s32 $0x1000;
	s19 =	simm.s32 $0x2800  }
0x5: {  	s20 =	simm.s32 $0x1;
	s21 =	simm.s32 $0x2;
	s22 =	simm.s32 $0x7D  }
0x6: {  	s23 =	simm.s32 $0x3000;
	s24 =	simm.s32 $0x7000;
	[smem:$0x7FF] =	sst s4  }
0x7: {  	s6 =	smul.u32 $0x14000, s0;
	s8 =	sand.u32 $0x1, s5;
	s5 =	sadd.s32 $0xE000, s7  }
0x8: {  	s11 =	sshll.u32 s0, $0x1;
	s26 =	smul.u32 $0x50000, s0;
	_ =	strace $0x80000050  }
0x9: {  	s9 =	smul.u32 $0x140000, s8;
	s25 =	sor.u32 s8, s11;
	s8 =	ssub.s32 $0x2, s8  }
0xa: {  	s10 =	sshrl.u32 s6, $0x3;
	s29 =	sshrl.u32 s8, $0x1;
	s30 =	sshrl.u32 s26, $0x2  }
0xb: {  	s26 =	simm.s32 $0x0;
	s6 =	sadd.s32 s6, s9;
	s28 =	sadd.s32 s10, s7  }
0xc: {  	s15 =	ssub.s32 s8, s29;
	s12 =	sshrl.u32 s6, $0x3;
	s6 =	smul.u32 $0x2800, s25  }
.Ltmp0:
0xd: {  	s16 =	sadd.s32 s30, s3;
	s9 =	sadd.s32 $0x22000, s28;
	(pc) =	sbr.rel .LBB2_1-.Ltmp0, $4  }
0xe: {  	s15 =	smax.u32 s15, $0x1;
	s16 =	sshrl.u32 s16, $0x3;
	s25 =	simm.s32 $0x4  }
0xf: {  	s14 =	sadd.s32 s12, s7;
	s7 =	sshll.u32 s0, $0x6;
	s31 =	sshrl.u32 s6, $0x3  }
0x10: {  	s10 =	sor.u32 $0x1C02, s7;
	s14 =	sadd.s32 $0x4A000, s14;
	s8 =	sadd.s32 s5, s31  }
0x11: {  	s11 =	sadd.s32 $0xA000, s8;
	s12 =	sadd.s32 $0x200, s8;
	s13 =	sadd.s32 $0xA200, s8  }
.LBB2_5:
0x12: {  	s26 =	sadd.s32 $0x1, s26  }
0x13: {  	p0 =	sne.s32 s26, s15  }
.Ltmp1:
0x14: {  	[bflag:$0x0] =	sbarrier.arrive $0xFFFF;
	s0 =	sor.u32 $0x1C04, s7;
	(pc) =	sbr.rel @!p0 .LBB2_6-.Ltmp1, $4  }
0x15: {  	[hbm:s14], [sflag:s0] =	dma.local [spmem:s16], $0x2800  }
0x16: {  	_ =	swait.ge [sflag:s25], $0x2800  }
0x17: {  	[sflag:s25] =	ssyncset.done $0x0  }
0x18: {  	[sflag:s25] =	ssyncadd.s32 $0xFFFFD800  }
.LBB2_1:
0x19: {  	[spmem:s16], [sflag:s10] =	dma.local [hbm:s9], $0x2800  }
0x1a: {  	[tilespmem:s4], [sflag:$0x1] =	stream.linear.gather [hbm4b:s8+s4], $0x1000, $0x38;
	[tilespmem:$0x1F000] =	vst v63  }
0x1b: {  	s0 =	simm.s32 $0x1800  }
0x1c: {  	[tilespmem:s0], [sflag:$0x1] =	stream.linear.gather [hbm4b:s11+s4], $0x1000, $0x38;
	[tilespmem:$0x1F000] =	vst v63  }
0x1d: {  	_ = 	snop  }
0x1e: {  	[tilespmem:s18], [sflag:$0x3] =	stream.linear.gather [hbm4b:s12+s4], $0x800, $0x38;
	[tilespmem:$0x1F000] =	vst v63  }
0x1f: {  	_ = 	snop  }
0x20: {  	[tilespmem:s19], [sflag:$0x3] =	stream.linear.gather [hbm4b:s13+s4], $0x800, $0x38;
	[tilespmem:$0x1F000] =	vst v63  }
0x21: {  	_ =	swait.ge [sflag:s20], $0x1000  }
0x22: {  	[sflag:s20] =	ssyncset.done $0x0  }
0x23: {  	[sflag:s20] =	ssyncadd.s32 $0xFFFFF000  }
0x24: {  	_ =	swait.ge [sflag:s20], $0x1000  }
0x25: {  	[sflag:s20] =	ssyncset.done $0x0  }
0x26: {  	[sflag:s20] =	ssyncadd.s32 $0xFFFFF000  }
.Ltmp2:
0x27: {  	_ =	swait.ge [sflag:s21], $0x2800;
	(pc) =	sbr.rel .LBB2_2-.Ltmp2, $4  }
0x28: {  	[sflag:s21] =	ssyncset.done $0x0  }
0x29: {  	s28 =	simm.s32 $0x0;
	[sflag:s21] =	ssyncadd.s32 $0xFFFFD800  }
0x2a: {  	s29 =	simm.s32 $0x0;
	s30 =	simm.s32 $0x0;
	[bflag:$0x0] =	sbarrier.arrive $0xFFFF  }
0x2b: {  	[tilespmem:s23], [sflag:$0x1] =	stream.indirect.gather [hbm4b:s1+s22], $0x80, s4, s22, $0xb8;
	[tilespmem:$0x1F000] =	vst v63  }
.LBB2_4:
0x2c: {  	s0 =	sadd.s32 $0x1, s29;
	p0 =	slt.u32 s30, $0x18;
	s2 =	sadd.s32 $0xFFFFFFD1, s29  }
0x2d: {  	s2 =	smov.u32 @p0 s0  }
0x2e: {  	s0 =	sshll.u32 s2, $0x7;
	s2 =	sadd.s32 $0xFFFFA000, s28  }
0x2f: {  	[tilespmem:s24], [sflag:$0x2] =	stream.indirect.gather [hbm4b:s1+s22], $0x80, s0, s22, $0xb8;
	[tilespmem:$0x1F000] =	vst v63  }
0x30: {  	s2 =	smov.u32 @p0 s28;
	_ =	swait.ge [sflag:s20], $0x3E80  }
0x31: {  	p0 =	seq.s32 s29, $0x4E;
	s2 =	sshra.s32 s2, $0x2;
	[sflag:s20] =	ssyncset.done $0x0  }
0x32: {  	p1 =	slt.u32 @!p0 s30, $0x17;
	s2 =	sadd.s32 $0x1800, s2;
	[sflag:s20] =	ssyncadd.s32 $0xFFFFC180  }
0x33: {  	[spmem:s3] =	stream.indirect.scatter.add.f32 [tilespmem:s23], [sflag:$0x4], $0x80, s2, s22, $0xb8;
	[tilespmem:$0x1F000] =	vst v63  }
0x34: {  	p1 =	por !p1, p0;
	s2 =	simm.s32 @!p0 $0x2  }
0x35: {  	s2 =	simm.s32 @p1 $0xFFFFFFD2  }
0x36: {  	_ =	swait.ge [sflag:s25], $0x3E80;
	s2 =	sadd.s32 @!p0 s29, s2  }
0x37: {  	s17 =	simm.s32 @!p0 $0x7D;
	[sflag:s25] =	ssyncset.done $0x0;
	s2 =	sshll.u32 @!p0 s2, $0x7  }
0x38: {  	s31 =	simm.s32 @!p0 $0x3000;
	[sflag:s25] =	ssyncadd.s32 $0xFFFFC180;
	s2 =	sand.u32 @!p0 $0x3FFFFF80, s2  }
0x39: {  	[tilespmem:s31], [sflag:$0x1] =	stream.indirect.gather @!p0 [hbm4b:s1+s17], $0x80, s2, s17, $0xb8;
	[tilespmem:$0x1F000] =	vst v63  }
0x3a: {  	s29 =	sadd.s32 $0x2, s29;
	_ =	swait.ge [sflag:s21], $0x3E80  }
0x3b: {  	p0 =	sne.s32 s29, $0x50;
	[sflag:s21] =	ssyncset.done $0x0  }
.Ltmp3:
0x3c: {  	s0 =	sadd.s32 $0x1800, s0;
	[sflag:s21] =	ssyncadd.s32 $0xFFFFC180;
	(pc) =	sbr.rel @!p0 .LBB2_5-.Ltmp3, $4  }
0x3d: {  	[spmem:s3] =	stream.indirect.scatter.add.f32 [tilespmem:s24], [sflag:$0x4], $0x80, s0, s22, $0xb8;
	[tilespmem:$0x1F000] =	vst v63  }
0x3e: {  	_ =	swait.ge [sflag:s25], $0x3E80  }
0x3f: {  	[sflag:s25] =	ssyncset.done $0x0  }
0x40: {  	s28 =	sadd.s32 $0x400, s28;
	s30 =	sadd.s32 $0x1, s30;
	[sflag:s25] =	ssyncadd.s32 $0xFFFFC180  }
.LBB2_2:
0x41: {  	p0 =	seq.s32 s29, $0x0  }
.Ltmp4:
0x42: {  	_ = 	snop;
	(pc) =	sbr.rel @p0 .LBB2_4-.Ltmp4, $1  }
0x43: {  	_ =	sdelay $0x3  }
0x44: {  	s31 =	sand.u32 $0x7, s30  }
0x45: {  	p0 =	sne.s32 s31, $0x0  }
0x46: {  	p2 =	sgt.u32 @!p0 s30, $0x1F  }
0x47: {  	p1 =	por p2, p0  }
0x48: {  	p3 =	sgt.u32 @!p1 s30, $0x17  }
0x49: {  	p2 =	por @!p0 p3, p2  }
0x4a: {  	s31 =	sshrl.u32 @!p0 s30, $0x3;
	p0 =	por p2, p0  }
0x4b: {  	s31 =	sadd.s32 @!p0 $0x2, s31  }
0x4c: {  	s2 =	simm.s32 @!p1 $0x3;
	s0 =	smul.u32 @!p0 $0xAB, s31  }
0x4d: {  	_ =	swait.ge @!p1 [sflag:s2], $0x800  }
0x4e: {  	[sflag:s2] =	ssyncset.done @!p1 $0x0;
	s0 =	sshrl.u32 @!p0 s0, $0x9  }
0x4f: {  	[sflag:s2] =	ssyncadd.s32 @!p1 $0xFFFFF800;
	s0 =	sand.u32 @!p0 $0x7F, s0  }
0x50: {  	_ =	swait.ge @!p1 [sflag:s2], $0x800;
	s0 =	smul.u32 @!p0 $0x3, s0  }
0x51: {  	s17 =	sshll.u32 @!p0 s31, $0xB;
	[sflag:s2] =	ssyncset.done @!p1 $0x0  }
0x52: {  	s17 =	sadd.s32 @!p0 s6, s17;
	[sflag:s2] =	ssyncadd.s32 @!p1 $0xFFFFF800;
	s0 =	ssub.s32 @!p0 s31, s0  }
.Ltmp5:
0x53: {  	s2 =	sshrl.u32 @!p0 s17, $0x3;
	s0 =	sand.u32 @!p0 $0xFF, s0;
	(pc) =	sbr.rel .LBB2_4-.Ltmp5, $4  }
0x54: {  	s17 =	simm.s32 @!p0 $0x0;
	s2 =	sadd.s32 @!p0 s5, s2;
	s0 =	sshll.u32 @!p0 s0, $0xB  }
0x55: {  	[tilespmem:s0], [sflag:$0x3] =	stream.linear.gather @!p0 [hbm4b:s2+s17], $0x800, $0x38;
	[tilespmem:$0x1F000] =	vst v63  }
0x56: {  	s0 =	sadd.s32 @!p0 $0x1800, s0;
	s2 =	sadd.s32 @!p0 $0xA000, s2  }
0x57: {  	[tilespmem:s0], [sflag:$0x3] =	stream.linear.gather @!p0 [hbm4b:s2+s17], $0x800, $0x38;
	[tilespmem:$0x1F000] =	vst v63  }
.LBB2_6:
0x58: {  	_ =	sfence.sel $0x180000  }
0x59: {  	[bflag:$0x0] =	sbarrier.arrive $0xFFFF  }
0x5a: {  	_ =	strace $0x90000050  }
0x5b: {  	s0 =	stileid.u32;
	[bflag:$0x2] =	sbarrier.arrive $0xFFFF  }
0x5c: {  	p0 =	sne.s32 s0, $0x0;
	s0 =	rddreg [dreg:$0x3]  }
0x5d: {  	s0 =	sadd.s32 @!p0 $0x100000, s0  }
0x5e: {  	[sflag:s0] =	ssyncadd.tile.s32 @!p0 $0x1;
	_ =	shalt  }
.Lfunc_end2:
_tile_overlayer_lowered:
.L_overlay_start_2:
0x5f: {  	(tag) =	ssettag $0x2  }
0x60: {  	s0 =	rddreg [dreg:$0x0];
	s2 =	stileid.u32  }
0x61: {  	s1 =	rddreg [dreg:$0x1];
	p0 =	sne.s32 s2, $0x0  }
0x62: {  	s3 =	rddreg [dreg:$0x2];
	[bflag:$0x3] =	sbarrier.arrive $0xFFFF;
	s2 =	simm.s32 @!p0 $0x1C04  }
0x63: {  	[timem:s3], [sflag:s2] =	dma.local @!p0 [hbm:s0], s1  }
0x64: {  	s0 =	simm.s32 @!p0 $0x4  }
0x65: {  	_ =	swait.ge @!p0 [sflag:s0], s1  }
0x66: {  	s1 =	ssub.s32 @!p0 $0x0, s1;
	[sflag:s0] =	ssyncset.done @!p0 $0x0  }
0x67: {  	[sflag:s0] =	ssyncadd.s32 @!p0 s1  }
0x68: {  	[bflag:$0x3] =	sbarrier.arrive $0xFFFF  }
0x69: {  	_ =	shalt  }

</sc_bundles>
